<compile_context>
chip_gen: v7x
topology: tpu7x:2x2x1
jax: 0.10.2.dev20260603
libtpu: 0.0.44.dev20260713+nightly
codegen_flags: <defaults>
</compile_context>

<pallas_src>
import functools
from math import gcd as _gcd

import jax
import jax.numpy as jnp
from jax import lax
from jax.experimental import pallas as pl
from jax.experimental.pallas import tpu as pltpu
from jax.experimental.pallas import tpu_sc as plsc

NC = 2
NS = 16
NW = NC * NS
CL = 128
FP = 8

_SC_PARAMS = pltpu.CompilerParams(use_tc_tiling_on_sc=False)


def _sc_mesh():
    return plsc.VectorSubcoreMesh(
        core_axis_name="c", subcore_axis_name="s", num_cores=NC, num_subcores=NS
    )


def _load_index_blocks(ei_hbm, idx_v, w, cw, n_chunks, blk):
    for j in range(cw // blk):

        @pl.when(w * cw + (j + 1) * blk <= n_chunks)
        def _():
            pltpu.sync_copy(
                ei_hbm.at[pl.ds((w * cw + j * blk) * CL, blk * CL)],
                idx_v.at[pl.ds(j * blk * CL, blk * CL)],
            )


def _make_deg_kernel(n_pad, cw, n_chunks, blk):
    rows_w = n_pad // NS

    @functools.partial(
        pl.kernel,
        out_type=jax.ShapeDtypeStruct((NC, n_pad, FP), jnp.float32),
        mesh=_sc_mesh(),
        compiler_params=_SC_PARAMS,
        scratch_types=[
            pltpu.VMEM((cw * CL,), jnp.int32),
            pltpu.VMEM((CL, FP), jnp.float32),
            pltpu.VMEM((rows_w, FP), jnp.float32),
            pltpu.VMEM_SHARED((n_pad, FP), jnp.float32),
        ],
    )
    def deg_kernel(ei_hbm, ones_hbm, zeros_hbm, out_hbm, dst_v, ones_v, buf_v, acc_sh):
        c = lax.axis_index("c")
        s = lax.axis_index("s")
        w = c * NS + s
        _load_index_blocks(ei_hbm, dst_v, w, cw, n_chunks, blk)
        pltpu.sync_copy(ones_hbm, ones_v)
        pltpu.sync_copy(zeros_hbm.at[pl.ds(s * rows_w, rows_w)], buf_v)
        pltpu.sync_copy(buf_v, acc_sh.at[pl.ds(s * rows_w, rows_w)])
        plsc.subcore_barrier()

        vc = jnp.maximum(0, jnp.minimum(cw, n_chunks - w * cw))

        def body(k, carry):
            pltpu.sync_copy(ones_v, acc_sh.at[dst_v.at[pl.ds(k * CL, CL)]], add=True)
            return carry

        lax.fori_loop(0, vc, body, 0)
        plsc.subcore_barrier()
        pltpu.sync_copy(acc_sh.at[pl.ds(s * rows_w, rows_w)], buf_v)
        pltpu.sync_copy(buf_v, out_hbm.at[c, pl.ds(s * rows_w, rows_w)])

    return deg_kernel


def _make_edge_kernel(n_pad, cw, n_chunks, blk):
    rows_w = n_pad // NS

    @functools.partial(
        pl.kernel,
        out_type=jax.ShapeDtypeStruct((NC, n_pad, FP), jnp.float32),
        mesh=_sc_mesh(),
        compiler_params=_SC_PARAMS,
        scratch_types=[
            pltpu.VMEM((cw * CL,), jnp.int32),
            pltpu.VMEM((cw * CL,), jnp.int32),
            pltpu.VMEM((CL, FP), jnp.float32),
            pltpu.VMEM((CL, FP), jnp.float32),
            pltpu.VMEM((rows_w, FP), jnp.float32),
            pltpu.VMEM_SHARED((n_pad, FP), jnp.float32),
            pltpu.VMEM_SHARED((n_pad, FP), jnp.float32),
            pltpu.SemaphoreType.DMA,
        ],
    )
    def edge_kernel(
        y_hbm, src_hbm, dst_hbm, zeros_hbm, out_hbm,
        src_v, dst_v, rows0_v, rows1_v, buf_v, acc_sh, y_sh, sem,
    ):
        c = lax.axis_index("c")
        s = lax.axis_index("s")
        w = c * NS + s
        _load_index_blocks(src_hbm, src_v, w, cw, n_chunks, blk)
        _load_index_blocks(dst_hbm, dst_v, w, cw, n_chunks, blk)
        pltpu.sync_copy(
            y_hbm.at[pl.ds(s * rows_w, rows_w)],
            y_sh.at[pl.ds(s * rows_w, rows_w)],
        )
        pltpu.sync_copy(zeros_hbm.at[pl.ds(s * rows_w, rows_w)], buf_v)
        pltpu.sync_copy(buf_v, acc_sh.at[pl.ds(s * rows_w, rows_w)])
        plsc.subcore_barrier()

        vc = jnp.maximum(0, jnp.minimum(cw, n_chunks - w * cw))

        pltpu.async_copy(y_sh.at[src_v.at[pl.ds(0, CL)]], rows0_v, sem)
        pltpu.async_copy(y_sh.at[src_v.at[pl.ds(CL, CL)]], rows1_v, sem)

        def body(i, carry):
            for b, rows_v in enumerate((rows0_v, rows1_v)):
                k = i * 2 + b
                pltpu.make_async_copy(
                    y_sh.at[src_v.at[pl.ds(k * CL, CL)]], rows_v, sem
                ).wait()
                pltpu.sync_copy(
                    rows_v, acc_sh.at[dst_v.at[pl.ds(k * CL, CL)]], add=True
                )

                @pl.when(k + 2 < vc)
                def _():
                    pltpu.async_copy(
                        y_sh.at[src_v.at[pl.ds((k + 2) * CL, CL)]], rows_v, sem
                    )

            return carry

        lax.fori_loop(0, vc // 2, body, 0)
        plsc.subcore_barrier()
        pltpu.sync_copy(acc_sh.at[pl.ds(s * rows_w, rows_w)], buf_v)
        pltpu.sync_copy(buf_v, out_hbm.at[c, pl.ds(s * rows_w, rows_w)])

    return edge_kernel


GP = 128 // FP


def _tc_xw(x_ref, w_ref, xw_ref):
    xw_ref[...] = jnp.dot(
        x_ref[...], w_ref[...], preferred_element_type=jnp.float32
    )


def _tc_dinv(dega_ref, xw_ref, dinv_ref, y_ref):
    dinv = lax.rsqrt(dega_ref[0] + dega_ref[1] + 1.0)
    dinv_ref[...] = dinv
    y_ref[...] = dinv * xw_ref[...]


def _tc_layer(acc_ref, y_ref, dinv_ref, b_ref, w_ref, ynext_ref):
    dinv = dinv_ref[...]
    h = jnp.tanh(dinv * (acc_ref[0] + acc_ref[1] + y_ref[...]) + b_ref[...])
    ynext_ref[...] = dinv * jnp.dot(
        h, w_ref[...], preferred_element_type=jnp.float32
    )


def _tc_final(acc_ref, y_ref, dinv_ref, b_ref, m_ref, bc_ref, out_ref):
    dinv = dinv_ref[...]
    h = jnp.tanh(dinv * (acc_ref[0] + acc_ref[1] + y_ref[...]) + b_ref[...])
    out_ref[...] = (
        jnp.dot(h, m_ref[...], preferred_element_type=jnp.float32) + bc_ref[...]
    )


def kernel(x, edge_index, W1, b1, W2, b2, W3, b3, Wc, bc):
    n, d_feat = x.shape
    e = edge_index.shape[1]
    f32 = jnp.float32

    n_pad = ((n + 1 + CL - 1) // CL) * CL
    n_chunks = e // CL
    cw = (n_chunks + NW - 1) // NW
    cw = ((cw + 7) // 8) * 8
    blk = _gcd(cw, n_chunks)

    x_pad = jnp.pad(x, ((0, n_pad - n), (0, 0)))

    rv = n_pad // GP
    eyeg = jnp.eye(GP, dtype=f32)

    W1b = jnp.kron(eyeg, jnp.pad(W1, ((0, 0), (0, FP - W1.shape[1]))))
    W2p = jnp.pad(W2, ((0, FP - W2.shape[0]), (0, FP - W2.shape[1])))
    W3p = jnp.pad(W3, ((0, FP - W3.shape[0]), (0, FP - W3.shape[1])))
    Wcp = jnp.pad(Wc, ((0, FP - Wc.shape[0]), (0, 0)))
    W2b = jnp.kron(eyeg, W2p)
    W3b = jnp.kron(eyeg, W3p)
    Mb = jnp.kron(eyeg, jnp.concatenate([Wcp, jnp.eye(FP, 2, dtype=f32)], 1))
    b1t = jnp.tile(jnp.pad(b1, (0, FP - b1.shape[0])), GP).reshape(1, GP * FP)
    b2t = jnp.tile(jnp.pad(b2, (0, FP - b2.shape[0])), GP).reshape(1, GP * FP)
    b3t = jnp.tile(jnp.pad(b3, (0, FP - b3.shape[0])), GP).reshape(1, GP * FP)
    nc_out = bc.shape[0] + 2
    bct = jnp.tile(jnp.pad(bc, (0, 2)), GP).reshape(1, GP * nc_out)

    ones_r = jnp.ones((CL, FP), f32)
    zeros_r = jnp.zeros((n_pad, FP), f32)
    src_e = edge_index[0]
    dst_e = edge_index[1]

    dega = _make_deg_kernel(n_pad, cw, n_chunks, blk)(dst_e, ones_r, zeros_r)
    dega_v = dega.reshape(NC, rv, GP * FP)
    xw_v = pl.pallas_call(
        _tc_xw, out_shape=jax.ShapeDtypeStruct((rv, GP * FP), f32)
    )(x_pad.reshape(rv, GP * d_feat), W1b)

    dinv_v, y1_v = pl.pallas_call(
        _tc_dinv,
        out_shape=[
            jax.ShapeDtypeStruct((rv, GP * FP), f32),
            jax.ShapeDtypeStruct((rv, GP * FP), f32),
        ],
    )(dega_v, xw_v)

    edge = _make_edge_kernel(n_pad, cw, n_chunks, blk)

    acc1 = edge(y1_v.reshape(n_pad, FP), src_e, dst_e, zeros_r)
    y2_v = pl.pallas_call(
        _tc_layer, out_shape=jax.ShapeDtypeStruct((rv, GP * FP), f32)
    )(acc1.reshape(NC, rv, GP * FP), y1_v, dinv_v, b1t, W2b)

    acc2 = edge(y2_v.reshape(n_pad, FP), src_e, dst_e, zeros_r)
    y3_v = pl.pallas_call(
        _tc_layer, out_shape=jax.ShapeDtypeStruct((rv, GP * FP), f32)
    )(acc2.reshape(NC, rv, GP * FP), y2_v, dinv_v, b2t, W3b)

    acc3 = edge(y3_v.reshape(n_pad, FP), src_e, dst_e, zeros_r)
    z_v = pl.pallas_call(
        _tc_final, out_shape=jax.ShapeDtypeStruct((rv, GP * nc_out), f32)
    )(acc3.reshape(NC, rv, GP * FP), y3_v, dinv_v, b3t, Mb, bct)

    z = z_v.reshape(n_pad, nc_out)
    return (z[:n, : bc.shape[0]], z[:n, bc.shape[0] :])

# --- scband reference (transcript-rebuilt; emitter-appended) ---
"""Pipeline reference for scband-gcn-33165737459841 (READ-ONLY COPY).

The authoritative reference and input builder live on the scoring server;
editing this copy changes nothing except your own understanding.
"""

import jax, jax.numpy as jnp
import numpy as np

N = 10000
E = 320000
D_FEAT = 128
NUM_CLASSES = 10


def setup_inputs(seed: int = 0) -> dict:
    key = jax.random.key(seed)
    ks = jax.random.split(key, 12)
    x = jax.random.normal(ks[0], (N, D_FEAT), dtype=jnp.float32)
    edge_index = jax.random.randint(ks[1], (2, E), 0, N, dtype=jnp.int32)
    # GCNConv weights (glorot-ish scaling) + biases, per init sizes 128->4->4->2, classifier 2->10
    W1 = jax.random.normal(ks[2], (D_FEAT, 4), dtype=jnp.float32) / np.sqrt(D_FEAT)
    b1 = jnp.zeros((4,), dtype=jnp.float32)
    W2 = jax.random.normal(ks[3], (4, 4), dtype=jnp.float32) / np.sqrt(4.0)
    b2 = jnp.zeros((4,), dtype=jnp.float32)
    W3 = jax.random.normal(ks[4], (4, 2), dtype=jnp.float32) / np.sqrt(4.0)
    b3 = jnp.zeros((2,), dtype=jnp.float32)
    Wc = jax.random.normal(ks[5], (2, NUM_CLASSES), dtype=jnp.float32) / np.sqrt(2.0)
    bc = jnp.zeros((NUM_CLASSES,), dtype=jnp.float32)
    return {"x": x, "edge_index": edge_index, "W1": W1, "b1": b1, "W2": W2, "b2": b2,
            "W3": W3, "b3": b3, "Wc": Wc, "bc": bc}


def gcn_conv(x, edge_index, W, b):
    # Standard GCNConv: add self-loops, symmetric normalization, linear transform, scatter-add aggregate.
    n = x.shape[0]
    src = edge_index[0]
    dst = edge_index[1]
    loop = jnp.arange(n, dtype=src.dtype)
    src = jnp.concatenate([src, loop])
    dst = jnp.concatenate([dst, loop])
    deg = jax.ops.segment_sum(jnp.ones(src.shape[0], dtype=x.dtype), dst, num_segments=n)
    dinv = jnp.where(deg > 0, jax.lax.rsqrt(deg), 0.0)
    norm = dinv[src] * dinv[dst]
    xw = x @ W
    msg = jnp.take(xw, src, axis=0) * norm[:, None]
    out = jax.ops.segment_sum(msg, dst, num_segments=n)
    return out + b


def reference(x, edge_index, W1, b1, W2, b2, W3, b3, Wc, bc):
    h = jnp.tanh(gcn_conv(x, edge_index, W1, b1))
    h = jnp.tanh(gcn_conv(h, edge_index, W2, b2))
    h = jnp.tanh(gcn_conv(h, edge_index, W3, b3))
    out = h @ Wc + bc
    return (out, h)

if __name__ == "__main__":
    import jax
    _d = setup_inputs()
    print(jax.jit(kernel)(*tuple(_d.values())))

</pallas_src>

<mosaic_0001>
#map = affine_map<(d0, d1) -> (0, 0)>
#map1 = affine_map<(d0, d1) -> (0)>
#map2 = affine_map<(d0, d1) -> (0, 0, 0)>
module attributes {stable_mosaic.version = 14 : i64} {
  func.func @edge_kernel(%arg0: i32, %arg1: i32, %arg2: memref<10112x8xf32, #tpu.memory_space<hbm>>, %arg3: memref<320000xi32, #tpu.memory_space<hbm>>, %arg4: memref<320000xi32, #tpu.memory_space<hbm>>, %arg5: memref<10112x8xf32, #tpu.memory_space<hbm>>, %arg6: memref<2x10112x8xf32, #tpu.memory_space<hbm>>, %arg7: memref<10240xi32, #tpu.memory_space<vmem>>, %arg8: memref<10240xi32, #tpu.memory_space<vmem>>, %arg9: memref<128x8xf32, #tpu.memory_space<vmem>>, %arg10: memref<128x8xf32, #tpu.memory_space<vmem>>, %arg11: memref<632x8xf32, #tpu.memory_space<vmem>>, %arg12: memref<10112x8xf32, #tpu.memory_space<vmem_shared>>, %arg13: memref<10112x8xf32, #tpu.memory_space<vmem_shared>>, %arg14: memref<!tpu.dma_semaphore, #tpu.memory_space<semaphore_mem>>) attributes {dimension_semantics = [#tpu.dimension_semantics<core_parallel>, #tpu.dimension_semantics<subcore_parallel>], iteration_bounds = array<i64: 2, 16>, scalar_prefetch = 0 : i64, scratch_operands = 8 : i64, tpu.core_type = #tpu.core_type<sc_vector_subcore>, window_params = [{transform_indices = #map}, {transform_indices = #map1}, {transform_indices = #map1}, {transform_indices = #map}, {transform_indices = #map2}]} {
    %mul3A = arith.constant 16 : i32
    %mul3A_0 = arith.muli %arg0, %mul3A : i32
    %add3A = arith.addi %mul3A_0, %arg1 : i32
    %mul3A_1 = arith.constant 80 : i32
    %mul3A_2 = arith.muli %add3A, %mul3A_1 : i32
    %add3A_3 = arith.constant 20 : i32
    %add3A_4 = arith.addi %mul3A_2, %add3A_3 : i32
    %le3A = arith.constant 2500 : i32
    %le3A_5 = arith.cmpi sle, %add3A_4, %le3A : i32
    %convert_element_type3A = arith.extui %le3A_5 : i1 to i32
    %cond3A = arith.constant 0 : i32
    %cond3A_6 = arith.cmpi ne, %convert_element_type3A, %cond3A : i32
    scf.if %cond3A_6 {
      %mul3A_123 = arith.constant 80 : i32
      %mul3A_124 = arith.muli %add3A, %mul3A_123 : i32
      %add3A_125 = arith.constant 0 : i32
      %add3A_126 = arith.addi %mul3A_124, %add3A_125 : i32
      %mul3A_127 = arith.constant 128 : i32
      %mul3A_128 = arith.muli %add3A_126, %mul3A_127 : i32
      "tpu.region"() ({
        %run_scoped3A = tpu.sem_alloc : memref<!tpu.dma_semaphore, #tpu.memory_space<semaphore_mem>>
        %dma_start3A_129 = arith.constant 0 : i32
        %dma_start3A_130 = tpu.memref_slice %arg7[%dma_start3A_129] : memref<10240xi32, #tpu.memory_space<vmem>> -> memref<2560xi32, #tpu.memory_space<vmem>>
        %dma_start3A_131 = tpu.memref_slice %arg3[%mul3A_128] : memref<320000xi32, #tpu.memory_space<hbm>> -> memref<2560xi32, #tpu.memory_space<hbm>>
        %dma_start3A_132 = arith.constant 0 : i32
        %dma_start3A_133 = tpu.memref_slice %arg7[%dma_start3A_132] : memref<10240xi32, #tpu.memory_space<vmem>> -> memref<2560xi32, #tpu.memory_space<vmem>>
        %dma_start3A_134 = tpu.memref_slice %arg3[%mul3A_128] : memref<320000xi32, #tpu.memory_space<hbm>> -> memref<2560xi32, #tpu.memory_space<hbm>>
        tpu.enqueue_dma source(%dma_start3A_134 : memref<2560xi32, #tpu.memory_space<hbm>>) target(%dma_start3A_133 : memref<2560xi32, #tpu.memory_space<vmem>>) target_semaphore(%run_scoped3A : memref<!tpu.dma_semaphore, #tpu.memory_space<semaphore_mem>>)
        %dma_wait3A = arith.constant 0 : i32
        %dma_wait3A_135 = tpu.memref_slice %arg7[%dma_wait3A] : memref<10240xi32, #tpu.memory_space<vmem>> -> memref<2560xi32, #tpu.memory_space<vmem>>
        %dma_wait3A_136 = tpu.memref_slice %arg3[%mul3A_128] : memref<320000xi32, #tpu.memory_space<hbm>> -> memref<2560xi32, #tpu.memory_space<hbm>>
        %dma_wait3A_137 = arith.constant 0 : i32
        %dma_wait3A_138 = tpu.memref_slice %arg7[%dma_wait3A_137] : memref<10240xi32, #tpu.memory_space<vmem>> -> memref<2560xi32, #tpu.memory_space<vmem>>
        %dma_wait3A_139 = tpu.memref_slice %arg3[%mul3A_128] : memref<320000xi32, #tpu.memory_space<hbm>> -> memref<2560xi32, #tpu.memory_space<hbm>>
        tpu.wait_dma2 semaphore(%run_scoped3A : memref<!tpu.dma_semaphore, #tpu.memory_space<semaphore_mem>>) src(%dma_wait3A_139 : memref<2560xi32, #tpu.memory_space<hbm>>) dst(%dma_wait3A_138 : memref<2560xi32, #tpu.memory_space<vmem>>)
        tpu.yield
      }) : () -> ()
    } else {
    }
    %mul3A_7 = arith.constant 80 : i32
    %mul3A_8 = arith.muli %add3A, %mul3A_7 : i32
    %add3A_9 = arith.constant 40 : i32
    %add3A_10 = arith.addi %mul3A_8, %add3A_9 : i32
    %le3A_11 = arith.constant 2500 : i32
    %le3A_12 = arith.cmpi sle, %add3A_10, %le3A_11 : i32
    %convert_element_type3A_13 = arith.extui %le3A_12 : i1 to i32
    %cond3A_14 = arith.constant 0 : i32
    %cond3A_15 = arith.cmpi ne, %convert_element_type3A_13, %cond3A_14 : i32
    scf.if %cond3A_15 {
      %mul3A_123 = arith.constant 80 : i32
      %mul3A_124 = arith.muli %add3A, %mul3A_123 : i32
      %add3A_125 = arith.constant 20 : i32
      %add3A_126 = arith.addi %mul3A_124, %add3A_125 : i32
      %mul3A_127 = arith.constant 128 : i32
      %mul3A_128 = arith.muli %add3A_126, %mul3A_127 : i32
      "tpu.region"() ({
        %run_scoped3A = tpu.sem_alloc : memref<!tpu.dma_semaphore, #tpu.memory_space<semaphore_mem>>
        %dma_start3A_129 = arith.constant 2560 : i32
        %dma_start3A_130 = tpu.memref_slice %arg7[%dma_start3A_129] : memref<10240xi32, #tpu.memory_space<vmem>> -> memref<2560xi32, #tpu.memory_space<vmem>>
        %dma_start3A_131 = tpu.memref_slice %arg3[%mul3A_128] : memref<320000xi32, #tpu.memory_space<hbm>> -> memref<2560xi32, #tpu.memory_space<hbm>>
        %dma_start3A_132 = arith.constant 2560 : i32
        %dma_start3A_133 = tpu.memref_slice %arg7[%dma_start3A_132] : memref<10240xi32, #tpu.memory_space<vmem>> -> memref<2560xi32, #tpu.memory_space<vmem>>
        %dma_start3A_134 = tpu.memref_slice %arg3[%mul3A_128] : memref<320000xi32, #tpu.memory_space<hbm>> -> memref<2560xi32, #tpu.memory_space<hbm>>
        tpu.enqueue_dma source(%dma_start3A_134 : memref<2560xi32, #tpu.memory_space<hbm>>) target(%dma_start3A_133 : memref<2560xi32, #tpu.memory_space<vmem>>) target_semaphore(%run_scoped3A : memref<!tpu.dma_semaphore, #tpu.memory_space<semaphore_mem>>)
        %dma_wait3A = arith.constant 2560 : i32
        %dma_wait3A_135 = tpu.memref_slice %arg7[%dma_wait3A] : memref<10240xi32, #tpu.memory_space<vmem>> -> memref<2560xi32, #tpu.memory_space<vmem>>
        %dma_wait3A_136 = tpu.memref_slice %arg3[%mul3A_128] : memref<320000xi32, #tpu.memory_space<hbm>> -> memref<2560xi32, #tpu.memory_space<hbm>>
        %dma_wait3A_137 = arith.constant 2560 : i32
        %dma_wait3A_138 = tpu.memref_slice %arg7[%dma_wait3A_137] : memref<10240xi32, #tpu.memory_space<vmem>> -> memref<2560xi32, #tpu.memory_space<vmem>>
        %dma_wait3A_139 = tpu.memref_slice %arg3[%mul3A_128] : memref<320000xi32, #tpu.memory_space<hbm>> -> memref<2560xi32, #tpu.memory_space<hbm>>
        tpu.wait_dma2 semaphore(%run_scoped3A : memref<!tpu.dma_semaphore, #tpu.memory_space<semaphore_mem>>) src(%dma_wait3A_139 : memref<2560xi32, #tpu.memory_space<hbm>>) dst(%dma_wait3A_138 : memref<2560xi32, #tpu.memory_space<vmem>>)
        tpu.yield
      }) : () -> ()
    } else {
    }
    %mul3A_16 = arith.constant 80 : i32
    %mul3A_17 = arith.muli %add3A, %mul3A_16 : i32
    %add3A_18 = arith.constant 60 : i32
    %add3A_19 = arith.addi %mul3A_17, %add3A_18 : i32
    %le3A_20 = arith.constant 2500 : i32
    %le3A_21 = arith.cmpi sle, %add3A_19, %le3A_20 : i32
    %convert_element_type3A_22 = arith.extui %le3A_21 : i1 to i32
    %cond3A_23 = arith.constant 0 : i32
    %cond3A_24 = arith.cmpi ne, %convert_element_type3A_22, %cond3A_23 : i32
    scf.if %cond3A_24 {
      %mul3A_123 = arith.constant 80 : i32
      %mul3A_124 = arith.muli %add3A, %mul3A_123 : i32
      %add3A_125 = arith.constant 40 : i32
      %add3A_126 = arith.addi %mul3A_124, %add3A_125 : i32
      %mul3A_127 = arith.constant 128 : i32
      %mul3A_128 = arith.muli %add3A_126, %mul3A_127 : i32
      "tpu.region"() ({
        %run_scoped3A = tpu.sem_alloc : memref<!tpu.dma_semaphore, #tpu.memory_space<semaphore_mem>>
        %dma_start3A_129 = arith.constant 5120 : i32
        %dma_start3A_130 = tpu.memref_slice %arg7[%dma_start3A_129] : memref<10240xi32, #tpu.memory_space<vmem>> -> memref<2560xi32, #tpu.memory_space<vmem>>
        %dma_start3A_131 = tpu.memref_slice %arg3[%mul3A_128] : memref<320000xi32, #tpu.memory_space<hbm>> -> memref<2560xi32, #tpu.memory_space<hbm>>
        %dma_start3A_132 = arith.constant 5120 : i32
        %dma_start3A_133 = tpu.memref_slice %arg7[%dma_start3A_132] : memref<10240xi32, #tpu.memory_space<vmem>> -> memref<2560xi32, #tpu.memory_space<vmem>>
        %dma_start3A_134 = tpu.memref_slice %arg3[%mul3A_128] : memref<320000xi32, #tpu.memory_space<hbm>> -> memref<2560xi32, #tpu.memory_space<hbm>>
        tpu.enqueue_dma source(%dma_start3A_134 : memref<2560xi32, #tpu.memory_space<hbm>>) target(%dma_start3A_133 : memref<2560xi32, #tpu.memory_space<vmem>>) target_semaphore(%run_scoped3A : memref<!tpu.dma_semaphore, #tpu.memory_space<semaphore_mem>>)
        %dma_wait3A = arith.constant 5120 : i32
        %dma_wait3A_135 = tpu.memref_slice %arg7[%dma_wait3A] : memref<10240xi32, #tpu.memory_space<vmem>> -> memref<2560xi32, #tpu.memory_space<vmem>>
        %dma_wait3A_136 = tpu.memref_slice %arg3[%mul3A_128] : memref<320000xi32, #tpu.memory_space<hbm>> -> memref<2560xi32, #tpu.memory_space<hbm>>
        %dma_wait3A_137 = arith.constant 5120 : i32
        %dma_wait3A_138 = tpu.memref_slice %arg7[%dma_wait3A_137] : memref<10240xi32, #tpu.memory_space<vmem>> -> memref<2560xi32, #tpu.memory_space<vmem>>
        %dma_wait3A_139 = tpu.memref_slice %arg3[%mul3A_128] : memref<320000xi32, #tpu.memory_space<hbm>> -> memref<2560xi32, #tpu.memory_space<hbm>>
        tpu.wait_dma2 semaphore(%run_scoped3A : memref<!tpu.dma_semaphore, #tpu.memory_space<semaphore_mem>>) src(%dma_wait3A_139 : memref<2560xi32, #tpu.memory_space<hbm>>) dst(%dma_wait3A_138 : memref<2560xi32, #tpu.memory_space<vmem>>)
        tpu.yield
      }) : () -> ()
    } else {
    }
    %mul3A_25 = arith.constant 80 : i32
    %mul3A_26 = arith.muli %add3A, %mul3A_25 : i32
    %add3A_27 = arith.constant 80 : i32
    %add3A_28 = arith.addi %mul3A_26, %add3A_27 : i32
    %le3A_29 = arith.constant 2500 : i32
    %le3A_30 = arith.cmpi sle, %add3A_28, %le3A_29 : i32
    %convert_element_type3A_31 = arith.extui %le3A_30 : i1 to i32
    %cond3A_32 = arith.constant 0 : i32
    %cond3A_33 = arith.cmpi ne, %convert_element_type3A_31, %cond3A_32 : i32
    scf.if %cond3A_33 {
      %mul3A_123 = arith.constant 80 : i32
      %mul3A_124 = arith.muli %add3A, %mul3A_123 : i32
      %add3A_125 = arith.constant 60 : i32
      %add3A_126 = arith.addi %mul3A_124, %add3A_125 : i32
      %mul3A_127 = arith.constant 128 : i32
      %mul3A_128 = arith.muli %add3A_126, %mul3A_127 : i32
      "tpu.region"() ({
        %run_scoped3A = tpu.sem_alloc : memref<!tpu.dma_semaphore, #tpu.memory_space<semaphore_mem>>
        %dma_start3A_129 = arith.constant 7680 : i32
        %dma_start3A_130 = tpu.memref_slice %arg7[%dma_start3A_129] : memref<10240xi32, #tpu.memory_space<vmem>> -> memref<2560xi32, #tpu.memory_space<vmem>>
        %dma_start3A_131 = tpu.memref_slice %arg3[%mul3A_128] : memref<320000xi32, #tpu.memory_space<hbm>> -> memref<2560xi32, #tpu.memory_space<hbm>>
        %dma_start3A_132 = arith.constant 7680 : i32
        %dma_start3A_133 = tpu.memref_slice %arg7[%dma_start3A_132] : memref<10240xi32, #tpu.memory_space<vmem>> -> memref<2560xi32, #tpu.memory_space<vmem>>
        %dma_start3A_134 = tpu.memref_slice %arg3[%mul3A_128] : memref<320000xi32, #tpu.memory_space<hbm>> -> memref<2560xi32, #tpu.memory_space<hbm>>
        tpu.enqueue_dma source(%dma_start3A_134 : memref<2560xi32, #tpu.memory_space<hbm>>) target(%dma_start3A_133 : memref<2560xi32, #tpu.memory_space<vmem>>) target_semaphore(%run_scoped3A : memref<!tpu.dma_semaphore, #tpu.memory_space<semaphore_mem>>)
        %dma_wait3A = arith.constant 7680 : i32
        %dma_wait3A_135 = tpu.memref_slice %arg7[%dma_wait3A] : memref<10240xi32, #tpu.memory_space<vmem>> -> memref<2560xi32, #tpu.memory_space<vmem>>
        %dma_wait3A_136 = tpu.memref_slice %arg3[%mul3A_128] : memref<320000xi32, #tpu.memory_space<hbm>> -> memref<2560xi32, #tpu.memory_space<hbm>>
        %dma_wait3A_137 = arith.constant 7680 : i32
        %dma_wait3A_138 = tpu.memref_slice %arg7[%dma_wait3A_137] : memref<10240xi32, #tpu.memory_space<vmem>> -> memref<2560xi32, #tpu.memory_space<vmem>>
        %dma_wait3A_139 = tpu.memref_slice %arg3[%mul3A_128] : memref<320000xi32, #tpu.memory_space<hbm>> -> memref<2560xi32, #tpu.memory_space<hbm>>
        tpu.wait_dma2 semaphore(%run_scoped3A : memref<!tpu.dma_semaphore, #tpu.memory_space<semaphore_mem>>) src(%dma_wait3A_139 : memref<2560xi32, #tpu.memory_space<hbm>>) dst(%dma_wait3A_138 : memref<2560xi32, #tpu.memory_space<vmem>>)
        tpu.yield
      }) : () -> ()
    } else {
    }
    %mul3A_34 = arith.constant 80 : i32
    %mul3A_35 = arith.muli %add3A, %mul3A_34 : i32
    %add3A_36 = arith.constant 20 : i32
    %add3A_37 = arith.addi %mul3A_35, %add3A_36 : i32
    %le3A_38 = arith.constant 2500 : i32
    %le3A_39 = arith.cmpi sle, %add3A_37, %le3A_38 : i32
    %convert_element_type3A_40 = arith.extui %le3A_39 : i1 to i32
    %cond3A_41 = arith.constant 0 : i32
    %cond3A_42 = arith.cmpi ne, %convert_element_type3A_40, %cond3A_41 : i32
    scf.if %cond3A_42 {
      %mul3A_123 = arith.constant 80 : i32
      %mul3A_124 = arith.muli %add3A, %mul3A_123 : i32
      %add3A_125 = arith.constant 0 : i32
      %add3A_126 = arith.addi %mul3A_124, %add3A_125 : i32
      %mul3A_127 = arith.constant 128 : i32
      %mul3A_128 = arith.muli %add3A_126, %mul3A_127 : i32
      "tpu.region"() ({
        %run_scoped3A = tpu.sem_alloc : memref<!tpu.dma_semaphore, #tpu.memory_space<semaphore_mem>>
        %dma_start3A_129 = arith.constant 0 : i32
        %dma_start3A_130 = tpu.memref_slice %arg8[%dma_start3A_129] : memref<10240xi32, #tpu.memory_space<vmem>> -> memref<2560xi32, #tpu.memory_space<vmem>>
        %dma_start3A_131 = tpu.memref_slice %arg4[%mul3A_128] : memref<320000xi32, #tpu.memory_space<hbm>> -> memref<2560xi32, #tpu.memory_space<hbm>>
        %dma_start3A_132 = arith.constant 0 : i32
        %dma_start3A_133 = tpu.memref_slice %arg8[%dma_start3A_132] : memref<10240xi32, #tpu.memory_space<vmem>> -> memref<2560xi32, #tpu.memory_space<vmem>>
        %dma_start3A_134 = tpu.memref_slice %arg4[%mul3A_128] : memref<320000xi32, #tpu.memory_space<hbm>> -> memref<2560xi32, #tpu.memory_space<hbm>>
        tpu.enqueue_dma source(%dma_start3A_134 : memref<2560xi32, #tpu.memory_space<hbm>>) target(%dma_start3A_133 : memref<2560xi32, #tpu.memory_space<vmem>>) target_semaphore(%run_scoped3A : memref<!tpu.dma_semaphore, #tpu.memory_space<semaphore_mem>>)
        %dma_wait3A = arith.constant 0 : i32
        %dma_wait3A_135 = tpu.memref_slice %arg8[%dma_wait3A] : memref<10240xi32, #tpu.memory_space<vmem>> -> memref<2560xi32, #tpu.memory_space<vmem>>
        %dma_wait3A_136 = tpu.memref_slice %arg4[%mul3A_128] : memref<320000xi32, #tpu.memory_space<hbm>> -> memref<2560xi32, #tpu.memory_space<hbm>>
        %dma_wait3A_137 = arith.constant 0 : i32
        %dma_wait3A_138 = tpu.memref_slice %arg8[%dma_wait3A_137] : memref<10240xi32, #tpu.memory_space<vmem>> -> memref<2560xi32, #tpu.memory_space<vmem>>
        %dma_wait3A_139 = tpu.memref_slice %arg4[%mul3A_128] : memref<320000xi32, #tpu.memory_space<hbm>> -> memref<2560xi32, #tpu.memory_space<hbm>>
        tpu.wait_dma2 semaphore(%run_scoped3A : memref<!tpu.dma_semaphore, #tpu.memory_space<semaphore_mem>>) src(%dma_wait3A_139 : memref<2560xi32, #tpu.memory_space<hbm>>) dst(%dma_wait3A_138 : memref<2560xi32, #tpu.memory_space<vmem>>)
        tpu.yield
      }) : () -> ()
    } else {
    }
    %mul3A_43 = arith.constant 80 : i32
    %mul3A_44 = arith.muli %add3A, %mul3A_43 : i32
    %add3A_45 = arith.constant 40 : i32
    %add3A_46 = arith.addi %mul3A_44, %add3A_45 : i32
    %le3A_47 = arith.constant 2500 : i32
    %le3A_48 = arith.cmpi sle, %add3A_46, %le3A_47 : i32
    %convert_element_type3A_49 = arith.extui %le3A_48 : i1 to i32
    %cond3A_50 = arith.constant 0 : i32
    %cond3A_51 = arith.cmpi ne, %convert_element_type3A_49, %cond3A_50 : i32
    scf.if %cond3A_51 {
      %mul3A_123 = arith.constant 80 : i32
      %mul3A_124 = arith.muli %add3A, %mul3A_123 : i32
      %add3A_125 = arith.constant 20 : i32
      %add3A_126 = arith.addi %mul3A_124, %add3A_125 : i32
      %mul3A_127 = arith.constant 128 : i32
      %mul3A_128 = arith.muli %add3A_126, %mul3A_127 : i32
      "tpu.region"() ({
        %run_scoped3A = tpu.sem_alloc : memref<!tpu.dma_semaphore, #tpu.memory_space<semaphore_mem>>
        %dma_start3A_129 = arith.constant 2560 : i32
        %dma_start3A_130 = tpu.memref_slice %arg8[%dma_start3A_129] : memref<10240xi32, #tpu.memory_space<vmem>> -> memref<2560xi32, #tpu.memory_space<vmem>>
        %dma_start3A_131 = tpu.memref_slice %arg4[%mul3A_128] : memref<320000xi32, #tpu.memory_space<hbm>> -> memref<2560xi32, #tpu.memory_space<hbm>>
        %dma_start3A_132 = arith.constant 2560 : i32
        %dma_start3A_133 = tpu.memref_slice %arg8[%dma_start3A_132] : memref<10240xi32, #tpu.memory_space<vmem>> -> memref<2560xi32, #tpu.memory_space<vmem>>
        %dma_start3A_134 = tpu.memref_slice %arg4[%mul3A_128] : memref<320000xi32, #tpu.memory_space<hbm>> -> memref<2560xi32, #tpu.memory_space<hbm>>
        tpu.enqueue_dma source(%dma_start3A_134 : memref<2560xi32, #tpu.memory_space<hbm>>) target(%dma_start3A_133 : memref<2560xi32, #tpu.memory_space<vmem>>) target_semaphore(%run_scoped3A : memref<!tpu.dma_semaphore, #tpu.memory_space<semaphore_mem>>)
        %dma_wait3A = arith.constant 2560 : i32
        %dma_wait3A_135 = tpu.memref_slice %arg8[%dma_wait3A] : memref<10240xi32, #tpu.memory_space<vmem>> -> memref<2560xi32, #tpu.memory_space<vmem>>
        %dma_wait3A_136 = tpu.memref_slice %arg4[%mul3A_128] : memref<320000xi32, #tpu.memory_space<hbm>> -> memref<2560xi32, #tpu.memory_space<hbm>>
        %dma_wait3A_137 = arith.constant 2560 : i32
        %dma_wait3A_138 = tpu.memref_slice %arg8[%dma_wait3A_137] : memref<10240xi32, #tpu.memory_space<vmem>> -> memref<2560xi32, #tpu.memory_space<vmem>>
        %dma_wait3A_139 = tpu.memref_slice %arg4[%mul3A_128] : memref<320000xi32, #tpu.memory_space<hbm>> -> memref<2560xi32, #tpu.memory_space<hbm>>
        tpu.wait_dma2 semaphore(%run_scoped3A : memref<!tpu.dma_semaphore, #tpu.memory_space<semaphore_mem>>) src(%dma_wait3A_139 : memref<2560xi32, #tpu.memory_space<hbm>>) dst(%dma_wait3A_138 : memref<2560xi32, #tpu.memory_space<vmem>>)
        tpu.yield
      }) : () -> ()
    } else {
    }
    %mul3A_52 = arith.constant 80 : i32
    %mul3A_53 = arith.muli %add3A, %mul3A_52 : i32
    %add3A_54 = arith.constant 60 : i32
    %add3A_55 = arith.addi %mul3A_53, %add3A_54 : i32
    %le3A_56 = arith.constant 2500 : i32
    %le3A_57 = arith.cmpi sle, %add3A_55, %le3A_56 : i32
    %convert_element_type3A_58 = arith.extui %le3A_57 : i1 to i32
    %cond3A_59 = arith.constant 0 : i32
    %cond3A_60 = arith.cmpi ne, %convert_element_type3A_58, %cond3A_59 : i32
    scf.if %cond3A_60 {
      %mul3A_123 = arith.constant 80 : i32
      %mul3A_124 = arith.muli %add3A, %mul3A_123 : i32
      %add3A_125 = arith.constant 40 : i32
      %add3A_126 = arith.addi %mul3A_124, %add3A_125 : i32
      %mul3A_127 = arith.constant 128 : i32
      %mul3A_128 = arith.muli %add3A_126, %mul3A_127 : i32
      "tpu.region"() ({
        %run_scoped3A = tpu.sem_alloc : memref<!tpu.dma_semaphore, #tpu.memory_space<semaphore_mem>>
        %dma_start3A_129 = arith.constant 5120 : i32
        %dma_start3A_130 = tpu.memref_slice %arg8[%dma_start3A_129] : memref<10240xi32, #tpu.memory_space<vmem>> -> memref<2560xi32, #tpu.memory_space<vmem>>
        %dma_start3A_131 = tpu.memref_slice %arg4[%mul3A_128] : memref<320000xi32, #tpu.memory_space<hbm>> -> memref<2560xi32, #tpu.memory_space<hbm>>
        %dma_start3A_132 = arith.constant 5120 : i32
        %dma_start3A_133 = tpu.memref_slice %arg8[%dma_start3A_132] : memref<10240xi32, #tpu.memory_space<vmem>> -> memref<2560xi32, #tpu.memory_space<vmem>>
        %dma_start3A_134 = tpu.memref_slice %arg4[%mul3A_128] : memref<320000xi32, #tpu.memory_space<hbm>> -> memref<2560xi32, #tpu.memory_space<hbm>>
        tpu.enqueue_dma source(%dma_start3A_134 : memref<2560xi32, #tpu.memory_space<hbm>>) target(%dma_start3A_133 : memref<2560xi32, #tpu.memory_space<vmem>>) target_semaphore(%run_scoped3A : memref<!tpu.dma_semaphore, #tpu.memory_space<semaphore_mem>>)
        %dma_wait3A = arith.constant 5120 : i32
        %dma_wait3A_135 = tpu.memref_slice %arg8[%dma_wait3A] : memref<10240xi32, #tpu.memory_space<vmem>> -> memref<2560xi32, #tpu.memory_space<vmem>>
        %dma_wait3A_136 = tpu.memref_slice %arg4[%mul3A_128] : memref<320000xi32, #tpu.memory_space<hbm>> -> memref<2560xi32, #tpu.memory_space<hbm>>
        %dma_wait3A_137 = arith.constant 5120 : i32
        %dma_wait3A_138 = tpu.memref_slice %arg8[%dma_wait3A_137] : memref<10240xi32, #tpu.memory_space<vmem>> -> memref<2560xi32, #tpu.memory_space<vmem>>
        %dma_wait3A_139 = tpu.memref_slice %arg4[%mul3A_128] : memref<320000xi32, #tpu.memory_space<hbm>> -> memref<2560xi32, #tpu.memory_space<hbm>>
        tpu.wait_dma2 semaphore(%run_scoped3A : memref<!tpu.dma_semaphore, #tpu.memory_space<semaphore_mem>>) src(%dma_wait3A_139 : memref<2560xi32, #tpu.memory_space<hbm>>) dst(%dma_wait3A_138 : memref<2560xi32, #tpu.memory_space<vmem>>)
        tpu.yield
      }) : () -> ()
    } else {
    }
    %mul3A_61 = arith.constant 80 : i32
    %mul3A_62 = arith.muli %add3A, %mul3A_61 : i32
    %add3A_63 = arith.constant 80 : i32
    %add3A_64 = arith.addi %mul3A_62, %add3A_63 : i32
    %le3A_65 = arith.constant 2500 : i32
    %le3A_66 = arith.cmpi sle, %add3A_64, %le3A_65 : i32
    %convert_element_type3A_67 = arith.extui %le3A_66 : i1 to i32
    %cond3A_68 = arith.constant 0 : i32
    %cond3A_69 = arith.cmpi ne, %convert_element_type3A_67, %cond3A_68 : i32
    scf.if %cond3A_69 {
      %mul3A_123 = arith.constant 80 : i32
      %mul3A_124 = arith.muli %add3A, %mul3A_123 : i32
      %add3A_125 = arith.constant 60 : i32
      %add3A_126 = arith.addi %mul3A_124, %add3A_125 : i32
      %mul3A_127 = arith.constant 128 : i32
      %mul3A_128 = arith.muli %add3A_126, %mul3A_127 : i32
      "tpu.region"() ({
        %run_scoped3A = tpu.sem_alloc : memref<!tpu.dma_semaphore, #tpu.memory_space<semaphore_mem>>
        %dma_start3A_129 = arith.constant 7680 : i32
        %dma_start3A_130 = tpu.memref_slice %arg8[%dma_start3A_129] : memref<10240xi32, #tpu.memory_space<vmem>> -> memref<2560xi32, #tpu.memory_space<vmem>>
        %dma_start3A_131 = tpu.memref_slice %arg4[%mul3A_128] : memref<320000xi32, #tpu.memory_space<hbm>> -> memref<2560xi32, #tpu.memory_space<hbm>>
        %dma_start3A_132 = arith.constant 7680 : i32
        %dma_start3A_133 = tpu.memref_slice %arg8[%dma_start3A_132] : memref<10240xi32, #tpu.memory_space<vmem>> -> memref<2560xi32, #tpu.memory_space<vmem>>
        %dma_start3A_134 = tpu.memref_slice %arg4[%mul3A_128] : memref<320000xi32, #tpu.memory_space<hbm>> -> memref<2560xi32, #tpu.memory_space<hbm>>
        tpu.enqueue_dma source(%dma_start3A_134 : memref<2560xi32, #tpu.memory_space<hbm>>) target(%dma_start3A_133 : memref<2560xi32, #tpu.memory_space<vmem>>) target_semaphore(%run_scoped3A : memref<!tpu.dma_semaphore, #tpu.memory_space<semaphore_mem>>)
        %dma_wait3A = arith.constant 7680 : i32
        %dma_wait3A_135 = tpu.memref_slice %arg8[%dma_wait3A] : memref<10240xi32, #tpu.memory_space<vmem>> -> memref<2560xi32, #tpu.memory_space<vmem>>
        %dma_wait3A_136 = tpu.memref_slice %arg4[%mul3A_128] : memref<320000xi32, #tpu.memory_space<hbm>> -> memref<2560xi32, #tpu.memory_space<hbm>>
        %dma_wait3A_137 = arith.constant 7680 : i32
        %dma_wait3A_138 = tpu.memref_slice %arg8[%dma_wait3A_137] : memref<10240xi32, #tpu.memory_space<vmem>> -> memref<2560xi32, #tpu.memory_space<vmem>>
        %dma_wait3A_139 = tpu.memref_slice %arg4[%mul3A_128] : memref<320000xi32, #tpu.memory_space<hbm>> -> memref<2560xi32, #tpu.memory_space<hbm>>
        tpu.wait_dma2 semaphore(%run_scoped3A : memref<!tpu.dma_semaphore, #tpu.memory_space<semaphore_mem>>) src(%dma_wait3A_139 : memref<2560xi32, #tpu.memory_space<hbm>>) dst(%dma_wait3A_138 : memref<2560xi32, #tpu.memory_space<vmem>>)
        tpu.yield
      }) : () -> ()
    } else {
    }
    %mul3A_70 = arith.constant 632 : i32
    %mul3A_71 = arith.muli %arg1, %mul3A_70 : i32
    %mul3A_72 = arith.constant 632 : i32
    %mul3A_73 = arith.muli %arg1, %mul3A_72 : i32
    "tpu.region"() ({
      %run_scoped3A = tpu.sem_alloc : memref<!tpu.dma_semaphore, #tpu.memory_space<semaphore_mem>>
      %dma_start3A_123 = arith.constant 0 : i32
      %dma_start3A_124 = tpu.memref_slice %arg13[%mul3A_73, %dma_start3A_123] : memref<10112x8xf32, #tpu.memory_space<vmem_shared>> -> memref<632x8xf32, #tpu.memory_space<vmem_shared>>
      %dma_start3A_125 = arith.constant 0 : i32
      %dma_start3A_126 = tpu.memref_slice %arg2[%mul3A_71, %dma_start3A_125] : memref<10112x8xf32, #tpu.memory_space<hbm>> -> memref<632x8xf32, #tpu.memory_space<hbm>>
      tpu.enqueue_dma source(%dma_start3A_126 : memref<632x8xf32, #tpu.memory_space<hbm>>) target(%dma_start3A_124 : memref<632x8xf32, #tpu.memory_space<vmem_shared>>) target_semaphore(%run_scoped3A : memref<!tpu.dma_semaphore, #tpu.memory_space<semaphore_mem>>)
      %dma_wait3A = arith.constant 0 : i32
      %dma_wait3A_127 = tpu.memref_slice %arg13[%mul3A_73, %dma_wait3A] : memref<10112x8xf32, #tpu.memory_space<vmem_shared>> -> memref<632x8xf32, #tpu.memory_space<vmem_shared>>
      %dma_wait3A_128 = arith.constant 0 : i32
      %dma_wait3A_129 = tpu.memref_slice %arg2[%mul3A_71, %dma_wait3A_128] : memref<10112x8xf32, #tpu.memory_space<hbm>> -> memref<632x8xf32, #tpu.memory_space<hbm>>
      tpu.wait_dma2 semaphore(%run_scoped3A : memref<!tpu.dma_semaphore, #tpu.memory_space<semaphore_mem>>) src(%dma_wait3A_129 : memref<632x8xf32, #tpu.memory_space<hbm>>) dst(%dma_wait3A_127 : memref<632x8xf32, #tpu.memory_space<vmem_shared>>)
      tpu.yield
    }) : () -> ()
    %mul3A_74 = arith.constant 632 : i32
    %mul3A_75 = arith.muli %arg1, %mul3A_74 : i32
    "tpu.region"() ({
      %run_scoped3A = tpu.sem_alloc : memref<!tpu.dma_semaphore, #tpu.memory_space<semaphore_mem>>
      %dma_start3A_123 = arith.constant 0 : i32
      %dma_start3A_124 = tpu.memref_slice %arg5[%mul3A_75, %dma_start3A_123] : memref<10112x8xf32, #tpu.memory_space<hbm>> -> memref<632x8xf32, #tpu.memory_space<hbm>>
      %dma_start3A_125 = arith.constant 0 : i32
      %dma_start3A_126 = tpu.memref_slice %arg5[%mul3A_75, %dma_start3A_125] : memref<10112x8xf32, #tpu.memory_space<hbm>> -> memref<632x8xf32, #tpu.memory_space<hbm>>
      tpu.enqueue_dma source(%dma_start3A_126 : memref<632x8xf32, #tpu.memory_space<hbm>>) target(%arg11 : memref<632x8xf32, #tpu.memory_space<vmem>>) target_semaphore(%run_scoped3A : memref<!tpu.dma_semaphore, #tpu.memory_space<semaphore_mem>>)
      %dma_wait3A = arith.constant 0 : i32
      %dma_wait3A_127 = tpu.memref_slice %arg5[%mul3A_75, %dma_wait3A] : memref<10112x8xf32, #tpu.memory_space<hbm>> -> memref<632x8xf32, #tpu.memory_space<hbm>>
      %dma_wait3A_128 = arith.constant 0 : i32
      %dma_wait3A_129 = tpu.memref_slice %arg5[%mul3A_75, %dma_wait3A_128] : memref<10112x8xf32, #tpu.memory_space<hbm>> -> memref<632x8xf32, #tpu.memory_space<hbm>>
      tpu.wait_dma2 semaphore(%run_scoped3A : memref<!tpu.dma_semaphore, #tpu.memory_space<semaphore_mem>>) src(%dma_wait3A_129 : memref<632x8xf32, #tpu.memory_space<hbm>>) dst(%arg11 : memref<632x8xf32, #tpu.memory_space<vmem>>)
      tpu.yield
    }) : () -> ()
    %mul3A_76 = arith.constant 632 : i32
    %mul3A_77 = arith.muli %arg1, %mul3A_76 : i32
    "tpu.region"() ({
      %run_scoped3A = tpu.sem_alloc : memref<!tpu.dma_semaphore, #tpu.memory_space<semaphore_mem>>
      %dma_start3A_123 = arith.constant 0 : i32
      %dma_start3A_124 = tpu.memref_slice %arg12[%mul3A_77, %dma_start3A_123] : memref<10112x8xf32, #tpu.memory_space<vmem_shared>> -> memref<632x8xf32, #tpu.memory_space<vmem_shared>>
      %dma_start3A_125 = arith.constant 0 : i32
      %dma_start3A_126 = tpu.memref_slice %arg12[%mul3A_77, %dma_start3A_125] : memref<10112x8xf32, #tpu.memory_space<vmem_shared>> -> memref<632x8xf32, #tpu.memory_space<vmem_shared>>
      tpu.enqueue_dma source(%arg11 : memref<632x8xf32, #tpu.memory_space<vmem>>) target(%dma_start3A_126 : memref<632x8xf32, #tpu.memory_space<vmem_shared>>) target_semaphore(%run_scoped3A : memref<!tpu.dma_semaphore, #tpu.memory_space<semaphore_mem>>)
      %dma_wait3A = arith.constant 0 : i32
      %dma_wait3A_127 = tpu.memref_slice %arg12[%mul3A_77, %dma_wait3A] : memref<10112x8xf32, #tpu.memory_space<vmem_shared>> -> memref<632x8xf32, #tpu.memory_space<vmem_shared>>
      %dma_wait3A_128 = arith.constant 0 : i32
      %dma_wait3A_129 = tpu.memref_slice %arg12[%mul3A_77, %dma_wait3A_128] : memref<10112x8xf32, #tpu.memory_space<vmem_shared>> -> memref<632x8xf32, #tpu.memory_space<vmem_shared>>
      tpu.wait_dma2 semaphore(%run_scoped3A : memref<!tpu.dma_semaphore, #tpu.memory_space<semaphore_mem>>) src(%arg11 : memref<632x8xf32, #tpu.memory_space<vmem>>) dst(%dma_wait3A_129 : memref<632x8xf32, #tpu.memory_space<vmem_shared>>)
      tpu.yield
    }) : () -> ()
    %barrier3A = arith.constant 0 : index
    tpu.barrier barrier_id(%barrier3A)
    %mul3A_78 = arith.constant 80 : i32
    %mul3A_79 = arith.muli %add3A, %mul3A_78 : i32
    %sub3A = arith.constant 2500 : i32
    %sub3A_80 = arith.subi %sub3A, %mul3A_79 : i32
    %min3A = arith.constant 80 : i32
    %min3A_81 = arith.minsi %min3A, %sub3A_80 : i32
    %max3A = arith.constant 0 : i32
    %max3A_82 = arith.maxsi %max3A, %min3A_81 : i32
    %dma_start3A = arith.constant 0 : i32
    %dma_start3A_83 = tpu.memref_slice %arg7[%dma_start3A] : memref<10240xi32, #tpu.memory_space<vmem>> -> memref<128xi32, #tpu.memory_space<vmem>>
    %dma_start3A_84 = arith.constant 0 : i32
    %dma_start3A_85 = arith.constant 0 : i32
    %dma_start3A_86 = tpu.memref_slice %arg13[%dma_start3A_84, %dma_start3A_85] : memref<10112x8xf32, #tpu.memory_space<vmem_shared>> -> memref<10112x8xf32, #tpu.memory_space<vmem_shared>>
    tpu.enqueue_indirect_dma source(%dma_start3A_86 : memref<10112x8xf32, #tpu.memory_space<vmem_shared>>) target(%arg9 : memref<128x8xf32, #tpu.memory_space<vmem>>) offsets(%dma_start3A_83 : memref<128xi32, #tpu.memory_space<vmem>>) semaphore(%arg14 : memref<!tpu.dma_semaphore, #tpu.memory_space<semaphore_mem>>)
    %dma_start3A_87 = arith.constant 128 : i32
    %dma_start3A_88 = tpu.memref_slice %arg7[%dma_start3A_87] : memref<10240xi32, #tpu.memory_space<vmem>> -> memref<128xi32, #tpu.memory_space<vmem>>
    %dma_start3A_89 = arith.constant 0 : i32
    %dma_start3A_90 = arith.constant 0 : i32
    %dma_start3A_91 = tpu.memref_slice %arg13[%dma_start3A_89, %dma_start3A_90] : memref<10112x8xf32, #tpu.memory_space<vmem_shared>> -> memref<10112x8xf32, #tpu.memory_space<vmem_shared>>
    tpu.enqueue_indirect_dma source(%dma_start3A_91 : memref<10112x8xf32, #tpu.memory_space<vmem_shared>>) target(%arg10 : memref<128x8xf32, #tpu.memory_space<vmem>>) offsets(%dma_start3A_88 : memref<128xi32, #tpu.memory_space<vmem>>) semaphore(%arg14 : memref<!tpu.dma_semaphore, #tpu.memory_space<semaphore_mem>>)
    %jit3A = arith.constant 2 : i32
    %div3A = arith.divsi %max3A_82, %jit3A : i32
    %sign3A = arith.constant 0 : i32
    %sign3A_92 = arith.cmpi sgt, %max3A_82, %sign3A : i32
    %sign3A_93 = arith.extui %sign3A_92 : i1 to i32
    %sign3A_94 = arith.constant 0 : i32
    %sign3A_95 = arith.cmpi slt, %max3A_82, %sign3A_94 : i32
    %sign3A_96 = arith.extui %sign3A_95 : i1 to i32
    %sign3A_97 = arith.subi %sign3A_93, %sign3A_96 : i32
    %sign3A_98 = arith.constant 0 : i32
    %sign3A_99 = arith.cmpi sgt, %jit3A, %sign3A_98 : i32
    %sign3A_100 = arith.extui %sign3A_99 : i1 to i32
    %sign3A_101 = arith.constant 0 : i32
    %sign3A_102 = arith.cmpi slt, %jit3A, %sign3A_101 : i32
    %sign3A_103 = arith.extui %sign3A_102 : i1 to i32
    %sign3A_104 = arith.subi %sign3A_100, %sign3A_103 : i32
    %ne3A = arith.cmpi ne, %sign3A_97, %sign3A_104 : i32
    %rem3A = arith.remsi %max3A_82, %jit3A : i32
    %ne3A_105 = arith.constant 0 : i32
    %ne3A_106 = arith.cmpi ne, %rem3A, %ne3A_105 : i32
    %and3A = arith.andi %ne3A, %ne3A_106 : i1
    %sub3A_107 = arith.constant 1 : i32
    %sub3A_108 = arith.subi %div3A, %sub3A_107 : i32
    %select_n3A = arith.select %and3A, %sub3A_108, %div3A : i32
    %while3A = arith.constant 0 : i32
    %while3A_109 = arith.constant 0 : i32
    %while3A_110 = arith.subi %select_n3A, %while3A_109 : i32
    %while3A_111 = arith.addi %while3A_109, %while3A_110 : i32
    %while3A_112 = arith.constant 1 : i32
    %while3A_113 = arith.divsi %while3A_110, %while3A_112 : i32
    %while3A_114 = arith.muli %while3A_113, %while3A_112 : i32
    %while3A_115 = arith.addi %while3A_109, %while3A_114 : i32
    %while3A_116 = arith.constant 1 : i32
    scf.for %while3A_123 = %while3A_109 to %while3A_115 step %while3A_116  : i32 {
      %mul3A_124 = arith.constant 2 : i32
      %mul3A_125 = arith.muli %while3A_123, %mul3A_124 : i32
      %add3A_126 = arith.constant 0 : i32
      %add3A_127 = arith.addi %mul3A_125, %add3A_126 : i32
      %mul3A_128 = arith.constant 128 : i32
      %mul3A_129 = arith.muli %add3A_127, %mul3A_128 : i32
      %dma_wait3A = tpu.memref_slice %arg7[%mul3A_129] : memref<10240xi32, #tpu.memory_space<vmem>> -> memref<128xi32, #tpu.memory_space<vmem>>
      %dma_wait3A_130 = arith.constant 0 : i32
      %dma_wait3A_131 = arith.constant 0 : i32
      %dma_wait3A_132 = tpu.memref_slice %arg13[%dma_wait3A_130, %dma_wait3A_131] : memref<10112x8xf32, #tpu.memory_space<vmem_shared>> -> memref<10112x8xf32, #tpu.memory_space<vmem_shared>>
      tpu.wait_indirect_dma semaphore(%arg14 : memref<!tpu.dma_semaphore, #tpu.memory_space<semaphore_mem>>) src(%dma_wait3A_132 : memref<10112x8xf32, #tpu.memory_space<vmem_shared>>) dst(%arg9 : memref<128x8xf32, #tpu.memory_space<vmem>>)
      %mul3A_133 = arith.constant 128 : i32
      %mul3A_134 = arith.muli %add3A_127, %mul3A_133 : i32
      "tpu.region"() ({
        %run_scoped3A = tpu.sem_alloc : memref<!tpu.dma_semaphore, #tpu.memory_space<semaphore_mem>>
        %dma_start3A_158 = tpu.memref_slice %arg8[%mul3A_134] : memref<10240xi32, #tpu.memory_space<vmem>> -> memref<128xi32, #tpu.memory_space<vmem>>
        %dma_start3A_159 = arith.constant 0 : i32
        %dma_start3A_160 = arith.constant 0 : i32
        %dma_start3A_161 = tpu.memref_slice %arg12[%dma_start3A_159, %dma_start3A_160] : memref<10112x8xf32, #tpu.memory_space<vmem_shared>> -> memref<10112x8xf32, #tpu.memory_space<vmem_shared>>
        tpu.enqueue_indirect_dma source(%arg9 : memref<128x8xf32, #tpu.memory_space<vmem>>) target(%dma_start3A_161 : memref<10112x8xf32, #tpu.memory_space<vmem_shared>>) offsets(%dma_start3A_158 : memref<128xi32, #tpu.memory_space<vmem>>) semaphore(%run_scoped3A : memref<!tpu.dma_semaphore, #tpu.memory_space<semaphore_mem>>) {add = true}
        %dma_wait3A_162 = tpu.memref_slice %arg8[%mul3A_134] : memref<10240xi32, #tpu.memory_space<vmem>> -> memref<128xi32, #tpu.memory_space<vmem>>
        %dma_wait3A_163 = arith.constant 0 : i32
        %dma_wait3A_164 = arith.constant 0 : i32
        %dma_wait3A_165 = tpu.memref_slice %arg12[%dma_wait3A_163, %dma_wait3A_164] : memref<10112x8xf32, #tpu.memory_space<vmem_shared>> -> memref<10112x8xf32, #tpu.memory_space<vmem_shared>>
        tpu.wait_indirect_dma semaphore(%run_scoped3A : memref<!tpu.dma_semaphore, #tpu.memory_space<semaphore_mem>>) src(%arg9 : memref<128x8xf32, #tpu.memory_space<vmem>>) dst(%dma_wait3A_165 : memref<10112x8xf32, #tpu.memory_space<vmem_shared>>)
        tpu.yield
      }) : () -> ()
      %add3A_135 = arith.constant 2 : i32
      %add3A_136 = arith.addi %add3A_127, %add3A_135 : i32
      %lt3A = arith.cmpi slt, %add3A_136, %max3A_82 : i32
      %convert_element_type3A_137 = arith.extui %lt3A : i1 to i32
      %cond3A_138 = arith.constant 0 : i32
      %cond3A_139 = arith.cmpi ne, %convert_element_type3A_137, %cond3A_138 : i32
      scf.if %cond3A_139 {
        %add3A_158 = arith.constant 2 : i32
        %add3A_159 = arith.addi %add3A_127, %add3A_158 : i32
        %mul3A_160 = arith.constant 128 : i32
        %mul3A_161 = arith.muli %add3A_159, %mul3A_160 : i32
        %dma_start3A_162 = tpu.memref_slice %arg7[%mul3A_161] : memref<10240xi32, #tpu.memory_space<vmem>> -> memref<128xi32, #tpu.memory_space<vmem>>
        %dma_start3A_163 = arith.constant 0 : i32
        %dma_start3A_164 = arith.constant 0 : i32
        %dma_start3A_165 = tpu.memref_slice %arg13[%dma_start3A_163, %dma_start3A_164] : memref<10112x8xf32, #tpu.memory_space<vmem_shared>> -> memref<10112x8xf32, #tpu.memory_space<vmem_shared>>
        tpu.enqueue_indirect_dma source(%dma_start3A_165 : memref<10112x8xf32, #tpu.memory_space<vmem_shared>>) target(%arg9 : memref<128x8xf32, #tpu.memory_space<vmem>>) offsets(%dma_start3A_162 : memref<128xi32, #tpu.memory_space<vmem>>) semaphore(%arg14 : memref<!tpu.dma_semaphore, #tpu.memory_space<semaphore_mem>>)
      } else {
      }
      %mul3A_140 = arith.constant 2 : i32
      %mul3A_141 = arith.muli %while3A_123, %mul3A_140 : i32
      %add3A_142 = arith.constant 1 : i32
      %add3A_143 = arith.addi %mul3A_141, %add3A_142 : i32
      %mul3A_144 = arith.constant 128 : i32
      %mul3A_145 = arith.muli %add3A_143, %mul3A_144 : i32
      %dma_wait3A_146 = tpu.memref_slice %arg7[%mul3A_145] : memref<10240xi32, #tpu.memory_space<vmem>> -> memref<128xi32, #tpu.memory_space<vmem>>
      %dma_wait3A_147 = arith.constant 0 : i32
      %dma_wait3A_148 = arith.constant 0 : i32
      %dma_wait3A_149 = tpu.memref_slice %arg13[%dma_wait3A_147, %dma_wait3A_148] : memref<10112x8xf32, #tpu.memory_space<vmem_shared>> -> memref<10112x8xf32, #tpu.memory_space<vmem_shared>>
      tpu.wait_indirect_dma semaphore(%arg14 : memref<!tpu.dma_semaphore, #tpu.memory_space<semaphore_mem>>) src(%dma_wait3A_149 : memref<10112x8xf32, #tpu.memory_space<vmem_shared>>) dst(%arg10 : memref<128x8xf32, #tpu.memory_space<vmem>>)
      %mul3A_150 = arith.constant 128 : i32
      %mul3A_151 = arith.muli %add3A_143, %mul3A_150 : i32
      "tpu.region"() ({
        %run_scoped3A = tpu.sem_alloc : memref<!tpu.dma_semaphore, #tpu.memory_space<semaphore_mem>>
        %dma_start3A_158 = tpu.memref_slice %arg8[%mul3A_151] : memref<10240xi32, #tpu.memory_space<vmem>> -> memref<128xi32, #tpu.memory_space<vmem>>
        %dma_start3A_159 = arith.constant 0 : i32
        %dma_start3A_160 = arith.constant 0 : i32
        %dma_start3A_161 = tpu.memref_slice %arg12[%dma_start3A_159, %dma_start3A_160] : memref<10112x8xf32, #tpu.memory_space<vmem_shared>> -> memref<10112x8xf32, #tpu.memory_space<vmem_shared>>
        tpu.enqueue_indirect_dma source(%arg10 : memref<128x8xf32, #tpu.memory_space<vmem>>) target(%dma_start3A_161 : memref<10112x8xf32, #tpu.memory_space<vmem_shared>>) offsets(%dma_start3A_158 : memref<128xi32, #tpu.memory_space<vmem>>) semaphore(%run_scoped3A : memref<!tpu.dma_semaphore, #tpu.memory_space<semaphore_mem>>) {add = true}
        %dma_wait3A_162 = tpu.memref_slice %arg8[%mul3A_151] : memref<10240xi32, #tpu.memory_space<vmem>> -> memref<128xi32, #tpu.memory_space<vmem>>
        %dma_wait3A_163 = arith.constant 0 : i32
        %dma_wait3A_164 = arith.constant 0 : i32
        %dma_wait3A_165 = tpu.memref_slice %arg12[%dma_wait3A_163, %dma_wait3A_164] : memref<10112x8xf32, #tpu.memory_space<vmem_shared>> -> memref<10112x8xf32, #tpu.memory_space<vmem_shared>>
        tpu.wait_indirect_dma semaphore(%run_scoped3A : memref<!tpu.dma_semaphore, #tpu.memory_space<semaphore_mem>>) src(%arg10 : memref<128x8xf32, #tpu.memory_space<vmem>>) dst(%dma_wait3A_165 : memref<10112x8xf32, #tpu.memory_space<vmem_shared>>)
        tpu.yield
      }) : () -> ()
      %add3A_152 = arith.constant 2 : i32
      %add3A_153 = arith.addi %add3A_143, %add3A_152 : i32
      %lt3A_154 = arith.cmpi slt, %add3A_153, %max3A_82 : i32
      %convert_element_type3A_155 = arith.extui %lt3A_154 : i1 to i32
      %cond3A_156 = arith.constant 0 : i32
      %cond3A_157 = arith.cmpi ne, %convert_element_type3A_155, %cond3A_156 : i32
      scf.if %cond3A_157 {
        %add3A_158 = arith.constant 2 : i32
        %add3A_159 = arith.addi %add3A_143, %add3A_158 : i32
        %mul3A_160 = arith.constant 128 : i32
        %mul3A_161 = arith.muli %add3A_159, %mul3A_160 : i32
        %dma_start3A_162 = tpu.memref_slice %arg7[%mul3A_161] : memref<10240xi32, #tpu.memory_space<vmem>> -> memref<128xi32, #tpu.memory_space<vmem>>
        %dma_start3A_163 = arith.constant 0 : i32
        %dma_start3A_164 = arith.constant 0 : i32
        %dma_start3A_165 = tpu.memref_slice %arg13[%dma_start3A_163, %dma_start3A_164] : memref<10112x8xf32, #tpu.memory_space<vmem_shared>> -> memref<10112x8xf32, #tpu.memory_space<vmem_shared>>
        tpu.enqueue_indirect_dma source(%dma_start3A_165 : memref<10112x8xf32, #tpu.memory_space<vmem_shared>>) target(%arg10 : memref<128x8xf32, #tpu.memory_space<vmem>>) offsets(%dma_start3A_162 : memref<128xi32, #tpu.memory_space<vmem>>) semaphore(%arg14 : memref<!tpu.dma_semaphore, #tpu.memory_space<semaphore_mem>>)
      } else {
      }
    }
    %while3A_117 = arith.constant 1 : i32
    scf.for %while3A_123 = %while3A_115 to %while3A_111 step %while3A_117  : i32 {
      %mul3A_124 = arith.constant 2 : i32
      %mul3A_125 = arith.muli %while3A_123, %mul3A_124 : i32
      %add3A_126 = arith.constant 0 : i32
      %add3A_127 = arith.addi %mul3A_125, %add3A_126 : i32
      %mul3A_128 = arith.constant 128 : i32
      %mul3A_129 = arith.muli %add3A_127, %mul3A_128 : i32
      %dma_wait3A = tpu.memref_slice %arg7[%mul3A_129] : memref<10240xi32, #tpu.memory_space<vmem>> -> memref<128xi32, #tpu.memory_space<vmem>>
      %dma_wait3A_130 = arith.constant 0 : i32
      %dma_wait3A_131 = arith.constant 0 : i32
      %dma_wait3A_132 = tpu.memref_slice %arg13[%dma_wait3A_130, %dma_wait3A_131] : memref<10112x8xf32, #tpu.memory_space<vmem_shared>> -> memref<10112x8xf32, #tpu.memory_space<vmem_shared>>
      tpu.wait_indirect_dma semaphore(%arg14 : memref<!tpu.dma_semaphore, #tpu.memory_space<semaphore_mem>>) src(%dma_wait3A_132 : memref<10112x8xf32, #tpu.memory_space<vmem_shared>>) dst(%arg9 : memref<128x8xf32, #tpu.memory_space<vmem>>)
      %mul3A_133 = arith.constant 128 : i32
      %mul3A_134 = arith.muli %add3A_127, %mul3A_133 : i32
      "tpu.region"() ({
        %run_scoped3A = tpu.sem_alloc : memref<!tpu.dma_semaphore, #tpu.memory_space<semaphore_mem>>
        %dma_start3A_158 = tpu.memref_slice %arg8[%mul3A_134] : memref<10240xi32, #tpu.memory_space<vmem>> -> memref<128xi32, #tpu.memory_space<vmem>>
        %dma_start3A_159 = arith.constant 0 : i32
        %dma_start3A_160 = arith.constant 0 : i32
        %dma_start3A_161 = tpu.memref_slice %arg12[%dma_start3A_159, %dma_start3A_160] : memref<10112x8xf32, #tpu.memory_space<vmem_shared>> -> memref<10112x8xf32, #tpu.memory_space<vmem_shared>>
        tpu.enqueue_indirect_dma source(%arg9 : memref<128x8xf32, #tpu.memory_space<vmem>>) target(%dma_start3A_161 : memref<10112x8xf32, #tpu.memory_space<vmem_shared>>) offsets(%dma_start3A_158 : memref<128xi32, #tpu.memory_space<vmem>>) semaphore(%run_scoped3A : memref<!tpu.dma_semaphore, #tpu.memory_space<semaphore_mem>>) {add = true}
        %dma_wait3A_162 = tpu.memref_slice %arg8[%mul3A_134] : memref<10240xi32, #tpu.memory_space<vmem>> -> memref<128xi32, #tpu.memory_space<vmem>>
        %dma_wait3A_163 = arith.constant 0 : i32
        %dma_wait3A_164 = arith.constant 0 : i32
        %dma_wait3A_165 = tpu.memref_slice %arg12[%dma_wait3A_163, %dma_wait3A_164] : memref<10112x8xf32, #tpu.memory_space<vmem_shared>> -> memref<10112x8xf32, #tpu.memory_space<vmem_shared>>
        tpu.wait_indirect_dma semaphore(%run_scoped3A : memref<!tpu.dma_semaphore, #tpu.memory_space<semaphore_mem>>) src(%arg9 : memref<128x8xf32, #tpu.memory_space<vmem>>) dst(%dma_wait3A_165 : memref<10112x8xf32, #tpu.memory_space<vmem_shared>>)
        tpu.yield
      }) : () -> ()
      %add3A_135 = arith.constant 2 : i32
      %add3A_136 = arith.addi %add3A_127, %add3A_135 : i32
      %lt3A = arith.cmpi slt, %add3A_136, %max3A_82 : i32
      %convert_element_type3A_137 = arith.extui %lt3A : i1 to i32
      %cond3A_138 = arith.constant 0 : i32
      %cond3A_139 = arith.cmpi ne, %convert_element_type3A_137, %cond3A_138 : i32
      scf.if %cond3A_139 {
        %add3A_158 = arith.constant 2 : i32
        %add3A_159 = arith.addi %add3A_127, %add3A_158 : i32
        %mul3A_160 = arith.constant 128 : i32
        %mul3A_161 = arith.muli %add3A_159, %mul3A_160 : i32
        %dma_start3A_162 = tpu.memref_slice %arg7[%mul3A_161] : memref<10240xi32, #tpu.memory_space<vmem>> -> memref<128xi32, #tpu.memory_space<vmem>>
        %dma_start3A_163 = arith.constant 0 : i32
        %dma_start3A_164 = arith.constant 0 : i32
        %dma_start3A_165 = tpu.memref_slice %arg13[%dma_start3A_163, %dma_start3A_164] : memref<10112x8xf32, #tpu.memory_space<vmem_shared>> -> memref<10112x8xf32, #tpu.memory_space<vmem_shared>>
        tpu.enqueue_indirect_dma source(%dma_start3A_165 : memref<10112x8xf32, #tpu.memory_space<vmem_shared>>) target(%arg9 : memref<128x8xf32, #tpu.memory_space<vmem>>) offsets(%dma_start3A_162 : memref<128xi32, #tpu.memory_space<vmem>>) semaphore(%arg14 : memref<!tpu.dma_semaphore, #tpu.memory_space<semaphore_mem>>)
      } else {
      }
      %mul3A_140 = arith.constant 2 : i32
      %mul3A_141 = arith.muli %while3A_123, %mul3A_140 : i32
      %add3A_142 = arith.constant 1 : i32
      %add3A_143 = arith.addi %mul3A_141, %add3A_142 : i32
      %mul3A_144 = arith.constant 128 : i32
      %mul3A_145 = arith.muli %add3A_143, %mul3A_144 : i32
      %dma_wait3A_146 = tpu.memref_slice %arg7[%mul3A_145] : memref<10240xi32, #tpu.memory_space<vmem>> -> memref<128xi32, #tpu.memory_space<vmem>>
      %dma_wait3A_147 = arith.constant 0 : i32
      %dma_wait3A_148 = arith.constant 0 : i32
      %dma_wait3A_149 = tpu.memref_slice %arg13[%dma_wait3A_147, %dma_wait3A_148] : memref<10112x8xf32, #tpu.memory_space<vmem_shared>> -> memref<10112x8xf32, #tpu.memory_space<vmem_shared>>
      tpu.wait_indirect_dma semaphore(%arg14 : memref<!tpu.dma_semaphore, #tpu.memory_space<semaphore_mem>>) src(%dma_wait3A_149 : memref<10112x8xf32, #tpu.memory_space<vmem_shared>>) dst(%arg10 : memref<128x8xf32, #tpu.memory_space<vmem>>)
      %mul3A_150 = arith.constant 128 : i32
      %mul3A_151 = arith.muli %add3A_143, %mul3A_150 : i32
      "tpu.region"() ({
        %run_scoped3A = tpu.sem_alloc : memref<!tpu.dma_semaphore, #tpu.memory_space<semaphore_mem>>
        %dma_start3A_158 = tpu.memref_slice %arg8[%mul3A_151] : memref<10240xi32, #tpu.memory_space<vmem>> -> memref<128xi32, #tpu.memory_space<vmem>>
        %dma_start3A_159 = arith.constant 0 : i32
        %dma_start3A_160 = arith.constant 0 : i32
        %dma_start3A_161 = tpu.memref_slice %arg12[%dma_start3A_159, %dma_start3A_160] : memref<10112x8xf32, #tpu.memory_space<vmem_shared>> -> memref<10112x8xf32, #tpu.memory_space<vmem_shared>>
        tpu.enqueue_indirect_dma source(%arg10 : memref<128x8xf32, #tpu.memory_space<vmem>>) target(%dma_start3A_161 : memref<10112x8xf32, #tpu.memory_space<vmem_shared>>) offsets(%dma_start3A_158 : memref<128xi32, #tpu.memory_space<vmem>>) semaphore(%run_scoped3A : memref<!tpu.dma_semaphore, #tpu.memory_space<semaphore_mem>>) {add = true}
        %dma_wait3A_162 = tpu.memref_slice %arg8[%mul3A_151] : memref<10240xi32, #tpu.memory_space<vmem>> -> memref<128xi32, #tpu.memory_space<vmem>>
        %dma_wait3A_163 = arith.constant 0 : i32
        %dma_wait3A_164 = arith.constant 0 : i32
        %dma_wait3A_165 = tpu.memref_slice %arg12[%dma_wait3A_163, %dma_wait3A_164] : memref<10112x8xf32, #tpu.memory_space<vmem_shared>> -> memref<10112x8xf32, #tpu.memory_space<vmem_shared>>
        tpu.wait_indirect_dma semaphore(%run_scoped3A : memref<!tpu.dma_semaphore, #tpu.memory_space<semaphore_mem>>) src(%arg10 : memref<128x8xf32, #tpu.memory_space<vmem>>) dst(%dma_wait3A_165 : memref<10112x8xf32, #tpu.memory_space<vmem_shared>>)
        tpu.yield
      }) : () -> ()
      %add3A_152 = arith.constant 2 : i32
      %add3A_153 = arith.addi %add3A_143, %add3A_152 : i32
      %lt3A_154 = arith.cmpi slt, %add3A_153, %max3A_82 : i32
      %convert_element_type3A_155 = arith.extui %lt3A_154 : i1 to i32
      %cond3A_156 = arith.constant 0 : i32
      %cond3A_157 = arith.cmpi ne, %convert_element_type3A_155, %cond3A_156 : i32
      scf.if %cond3A_157 {
        %add3A_158 = arith.constant 2 : i32
        %add3A_159 = arith.addi %add3A_143, %add3A_158 : i32
        %mul3A_160 = arith.constant 128 : i32
        %mul3A_161 = arith.muli %add3A_159, %mul3A_160 : i32
        %dma_start3A_162 = tpu.memref_slice %arg7[%mul3A_161] : memref<10240xi32, #tpu.memory_space<vmem>> -> memref<128xi32, #tpu.memory_space<vmem>>
        %dma_start3A_163 = arith.constant 0 : i32
        %dma_start3A_164 = arith.constant 0 : i32
        %dma_start3A_165 = tpu.memref_slice %arg13[%dma_start3A_163, %dma_start3A_164] : memref<10112x8xf32, #tpu.memory_space<vmem_shared>> -> memref<10112x8xf32, #tpu.memory_space<vmem_shared>>
        tpu.enqueue_indirect_dma source(%dma_start3A_165 : memref<10112x8xf32, #tpu.memory_space<vmem_shared>>) target(%arg10 : memref<128x8xf32, #tpu.memory_space<vmem>>) offsets(%dma_start3A_162 : memref<128xi32, #tpu.memory_space<vmem>>) semaphore(%arg14 : memref<!tpu.dma_semaphore, #tpu.memory_space<semaphore_mem>>)
      } else {
      }
    }
    %barrier3A_118 = arith.constant 0 : index
    tpu.barrier barrier_id(%barrier3A_118)
    %mul3A_119 = arith.constant 632 : i32
    %mul3A_120 = arith.muli %arg1, %mul3A_119 : i32
    "tpu.region"() ({
      %run_scoped3A = tpu.sem_alloc : memref<!tpu.dma_semaphore, #tpu.memory_space<semaphore_mem>>
      %dma_start3A_123 = arith.constant 0 : i32
      %dma_start3A_124 = tpu.memref_slice %arg12[%mul3A_120, %dma_start3A_123] : memref<10112x8xf32, #tpu.memory_space<vmem_shared>> -> memref<632x8xf32, #tpu.memory_space<vmem_shared>>
      %dma_start3A_125 = arith.constant 0 : i32
      %dma_start3A_126 = tpu.memref_slice %arg12[%mul3A_120, %dma_start3A_125] : memref<10112x8xf32, #tpu.memory_space<vmem_shared>> -> memref<632x8xf32, #tpu.memory_space<vmem_shared>>
      tpu.enqueue_dma source(%dma_start3A_126 : memref<632x8xf32, #tpu.memory_space<vmem_shared>>) target(%arg11 : memref<632x8xf32, #tpu.memory_space<vmem>>) target_semaphore(%run_scoped3A : memref<!tpu.dma_semaphore, #tpu.memory_space<semaphore_mem>>)
      %dma_wait3A = arith.constant 0 : i32
      %dma_wait3A_127 = tpu.memref_slice %arg12[%mul3A_120, %dma_wait3A] : memref<10112x8xf32, #tpu.memory_space<vmem_shared>> -> memref<632x8xf32, #tpu.memory_space<vmem_shared>>
      %dma_wait3A_128 = arith.constant 0 : i32
      %dma_wait3A_129 = tpu.memref_slice %arg12[%mul3A_120, %dma_wait3A_128] : memref<10112x8xf32, #tpu.memory_space<vmem_shared>> -> memref<632x8xf32, #tpu.memory_space<vmem_shared>>
      tpu.wait_dma2 semaphore(%run_scoped3A : memref<!tpu.dma_semaphore, #tpu.memory_space<semaphore_mem>>) src(%dma_wait3A_129 : memref<632x8xf32, #tpu.memory_space<vmem_shared>>) dst(%arg11 : memref<632x8xf32, #tpu.memory_space<vmem>>)
      tpu.yield
    }) : () -> ()
    %mul3A_121 = arith.constant 632 : i32
    %mul3A_122 = arith.muli %arg1, %mul3A_121 : i32
    "tpu.region"() ({
      %run_scoped3A = tpu.sem_alloc : memref<!tpu.dma_semaphore, #tpu.memory_space<semaphore_mem>>
      %dma_start3A_123 = arith.constant 0 : i32
      %dma_start3A_124 = tpu.memref_slice %arg6[%arg0, %mul3A_122, %dma_start3A_123] : memref<2x10112x8xf32, #tpu.memory_space<hbm>> -> memref<1x632x8xf32, #tpu.memory_space<hbm>>
      %dma_start3A_125 = tpu.memref_squeeze %dma_start3A_124 : memref<1x632x8xf32, #tpu.memory_space<hbm>> -> memref<632x8xf32, #tpu.memory_space<hbm>>
      %dma_start3A_126 = arith.constant 0 : i32
      %dma_start3A_127 = tpu.memref_slice %arg6[%arg0, %mul3A_122, %dma_start3A_126] : memref<2x10112x8xf32, #tpu.memory_space<hbm>> -> memref<1x632x8xf32, #tpu.memory_space<hbm>>
      %dma_start3A_128 = tpu.memref_squeeze %dma_start3A_127 : memref<1x632x8xf32, #tpu.memory_space<hbm>> -> memref<632x8xf32, #tpu.memory_space<hbm>>
      tpu.enqueue_dma source(%arg11 : memref<632x8xf32, #tpu.memory_space<vmem>>) target(%dma_start3A_128 : memref<632x8xf32, #tpu.memory_space<hbm>>) target_semaphore(%run_scoped3A : memref<!tpu.dma_semaphore, #tpu.memory_space<semaphore_mem>>)
      %dma_wait3A = arith.constant 0 : i32
      %dma_wait3A_129 = tpu.memref_slice %arg6[%arg0, %mul3A_122, %dma_wait3A] : memref<2x10112x8xf32, #tpu.memory_space<hbm>> -> memref<1x632x8xf32, #tpu.memory_space<hbm>>
      %dma_wait3A_130 = tpu.memref_squeeze %dma_wait3A_129 : memref<1x632x8xf32, #tpu.memory_space<hbm>> -> memref<632x8xf32, #tpu.memory_space<hbm>>
      %dma_wait3A_131 = arith.constant 0 : i32
      %dma_wait3A_132 = tpu.memref_slice %arg6[%arg0, %mul3A_122, %dma_wait3A_131] : memref<2x10112x8xf32, #tpu.memory_space<hbm>> -> memref<1x632x8xf32, #tpu.memory_space<hbm>>
      %dma_wait3A_133 = tpu.memref_squeeze %dma_wait3A_132 : memref<1x632x8xf32, #tpu.memory_space<hbm>> -> memref<632x8xf32, #tpu.memory_space<hbm>>
      tpu.wait_dma2 semaphore(%run_scoped3A : memref<!tpu.dma_semaphore, #tpu.memory_space<semaphore_mem>>) src(%arg11 : memref<632x8xf32, #tpu.memory_space<vmem>>) dst(%dma_wait3A_133 : memref<632x8xf32, #tpu.memory_space<hbm>>)
      tpu.yield
    }) : () -> ()
    return
  }
}

#map = affine_map<(d0, d1) -> (0)>
#map1 = affine_map<(d0, d1) -> (0, 0)>
#map2 = affine_map<(d0, d1) -> (0, 0, 0)>
module attributes {stable_mosaic.version = 14 : i64} {
  func.func @deg_kernel(%arg0: i32, %arg1: i32, %arg2: memref<320000xi32, #tpu.memory_space<hbm>>, %arg3: memref<128x8xf32, #tpu.memory_space<hbm>>, %arg4: memref<10112x8xf32, #tpu.memory_space<hbm>>, %arg5: memref<2x10112x8xf32, #tpu.memory_space<hbm>>, %arg6: memref<10240xi32, #tpu.memory_space<vmem>>, %arg7: memref<128x8xf32, #tpu.memory_space<vmem>>, %arg8: memref<632x8xf32, #tpu.memory_space<vmem>>, %arg9: memref<10112x8xf32, #tpu.memory_space<vmem_shared>>) attributes {dimension_semantics = [#tpu.dimension_semantics<core_parallel>, #tpu.dimension_semantics<subcore_parallel>], iteration_bounds = array<i64: 2, 16>, scalar_prefetch = 0 : i64, scratch_operands = 4 : i64, tpu.core_type = #tpu.core_type<sc_vector_subcore>, window_params = [{transform_indices = #map}, {transform_indices = #map1}, {transform_indices = #map1}, {transform_indices = #map2}]} {
    %mul3A = arith.constant 16 : i32
    %mul3A_0 = arith.muli %arg0, %mul3A : i32
    %add3A = arith.addi %mul3A_0, %arg1 : i32
    %mul3A_1 = arith.constant 80 : i32
    %mul3A_2 = arith.muli %add3A, %mul3A_1 : i32
    %add3A_3 = arith.constant 20 : i32
    %add3A_4 = arith.addi %mul3A_2, %add3A_3 : i32
    %le3A = arith.constant 2500 : i32
    %le3A_5 = arith.cmpi sle, %add3A_4, %le3A : i32
    %convert_element_type3A = arith.extui %le3A_5 : i1 to i32
    %cond3A = arith.constant 0 : i32
    %cond3A_6 = arith.cmpi ne, %convert_element_type3A, %cond3A : i32
    scf.if %cond3A_6 {
      %mul3A_57 = arith.constant 80 : i32
      %mul3A_58 = arith.muli %add3A, %mul3A_57 : i32
      %add3A_59 = arith.constant 0 : i32
      %add3A_60 = arith.addi %mul3A_58, %add3A_59 : i32
      %mul3A_61 = arith.constant 128 : i32
      %mul3A_62 = arith.muli %add3A_60, %mul3A_61 : i32
      "tpu.region"() ({
        %run_scoped3A = tpu.sem_alloc : memref<!tpu.dma_semaphore, #tpu.memory_space<semaphore_mem>>
        %dma_start3A = arith.constant 0 : i32
        %dma_start3A_63 = tpu.memref_slice %arg6[%dma_start3A] : memref<10240xi32, #tpu.memory_space<vmem>> -> memref<2560xi32, #tpu.memory_space<vmem>>
        %dma_start3A_64 = tpu.memref_slice %arg2[%mul3A_62] : memref<320000xi32, #tpu.memory_space<hbm>> -> memref<2560xi32, #tpu.memory_space<hbm>>
        %dma_start3A_65 = arith.constant 0 : i32
        %dma_start3A_66 = tpu.memref_slice %arg6[%dma_start3A_65] : memref<10240xi32, #tpu.memory_space<vmem>> -> memref<2560xi32, #tpu.memory_space<vmem>>
        %dma_start3A_67 = tpu.memref_slice %arg2[%mul3A_62] : memref<320000xi32, #tpu.memory_space<hbm>> -> memref<2560xi32, #tpu.memory_space<hbm>>
        tpu.enqueue_dma source(%dma_start3A_67 : memref<2560xi32, #tpu.memory_space<hbm>>) target(%dma_start3A_66 : memref<2560xi32, #tpu.memory_space<vmem>>) target_semaphore(%run_scoped3A : memref<!tpu.dma_semaphore, #tpu.memory_space<semaphore_mem>>)
        %dma_wait3A = arith.constant 0 : i32
        %dma_wait3A_68 = tpu.memref_slice %arg6[%dma_wait3A] : memref<10240xi32, #tpu.memory_space<vmem>> -> memref<2560xi32, #tpu.memory_space<vmem>>
        %dma_wait3A_69 = tpu.memref_slice %arg2[%mul3A_62] : memref<320000xi32, #tpu.memory_space<hbm>> -> memref<2560xi32, #tpu.memory_space<hbm>>
        %dma_wait3A_70 = arith.constant 0 : i32
        %dma_wait3A_71 = tpu.memref_slice %arg6[%dma_wait3A_70] : memref<10240xi32, #tpu.memory_space<vmem>> -> memref<2560xi32, #tpu.memory_space<vmem>>
        %dma_wait3A_72 = tpu.memref_slice %arg2[%mul3A_62] : memref<320000xi32, #tpu.memory_space<hbm>> -> memref<2560xi32, #tpu.memory_space<hbm>>
        tpu.wait_dma2 semaphore(%run_scoped3A : memref<!tpu.dma_semaphore, #tpu.memory_space<semaphore_mem>>) src(%dma_wait3A_72 : memref<2560xi32, #tpu.memory_space<hbm>>) dst(%dma_wait3A_71 : memref<2560xi32, #tpu.memory_space<vmem>>)
        tpu.yield
      }) : () -> ()
    } else {
    }
    %mul3A_7 = arith.constant 80 : i32
    %mul3A_8 = arith.muli %add3A, %mul3A_7 : i32
    %add3A_9 = arith.constant 40 : i32
    %add3A_10 = arith.addi %mul3A_8, %add3A_9 : i32
    %le3A_11 = arith.constant 2500 : i32
    %le3A_12 = arith.cmpi sle, %add3A_10, %le3A_11 : i32
    %convert_element_type3A_13 = arith.extui %le3A_12 : i1 to i32
    %cond3A_14 = arith.constant 0 : i32
    %cond3A_15 = arith.cmpi ne, %convert_element_type3A_13, %cond3A_14 : i32
    scf.if %cond3A_15 {
      %mul3A_57 = arith.constant 80 : i32
      %mul3A_58 = arith.muli %add3A, %mul3A_57 : i32
      %add3A_59 = arith.constant 20 : i32
      %add3A_60 = arith.addi %mul3A_58, %add3A_59 : i32
      %mul3A_61 = arith.constant 128 : i32
      %mul3A_62 = arith.muli %add3A_60, %mul3A_61 : i32
      "tpu.region"() ({
        %run_scoped3A = tpu.sem_alloc : memref<!tpu.dma_semaphore, #tpu.memory_space<semaphore_mem>>
        %dma_start3A = arith.constant 2560 : i32
        %dma_start3A_63 = tpu.memref_slice %arg6[%dma_start3A] : memref<10240xi32, #tpu.memory_space<vmem>> -> memref<2560xi32, #tpu.memory_space<vmem>>
        %dma_start3A_64 = tpu.memref_slice %arg2[%mul3A_62] : memref<320000xi32, #tpu.memory_space<hbm>> -> memref<2560xi32, #tpu.memory_space<hbm>>
        %dma_start3A_65 = arith.constant 2560 : i32
        %dma_start3A_66 = tpu.memref_slice %arg6[%dma_start3A_65] : memref<10240xi32, #tpu.memory_space<vmem>> -> memref<2560xi32, #tpu.memory_space<vmem>>
        %dma_start3A_67 = tpu.memref_slice %arg2[%mul3A_62] : memref<320000xi32, #tpu.memory_space<hbm>> -> memref<2560xi32, #tpu.memory_space<hbm>>
        tpu.enqueue_dma source(%dma_start3A_67 : memref<2560xi32, #tpu.memory_space<hbm>>) target(%dma_start3A_66 : memref<2560xi32, #tpu.memory_space<vmem>>) target_semaphore(%run_scoped3A : memref<!tpu.dma_semaphore, #tpu.memory_space<semaphore_mem>>)
        %dma_wait3A = arith.constant 2560 : i32
        %dma_wait3A_68 = tpu.memref_slice %arg6[%dma_wait3A] : memref<10240xi32, #tpu.memory_space<vmem>> -> memref<2560xi32, #tpu.memory_space<vmem>>
        %dma_wait3A_69 = tpu.memref_slice %arg2[%mul3A_62] : memref<320000xi32, #tpu.memory_space<hbm>> -> memref<2560xi32, #tpu.memory_space<hbm>>
        %dma_wait3A_70 = arith.constant 2560 : i32
        %dma_wait3A_71 = tpu.memref_slice %arg6[%dma_wait3A_70] : memref<10240xi32, #tpu.memory_space<vmem>> -> memref<2560xi32, #tpu.memory_space<vmem>>
        %dma_wait3A_72 = tpu.memref_slice %arg2[%mul3A_62] : memref<320000xi32, #tpu.memory_space<hbm>> -> memref<2560xi32, #tpu.memory_space<hbm>>
        tpu.wait_dma2 semaphore(%run_scoped3A : memref<!tpu.dma_semaphore, #tpu.memory_space<semaphore_mem>>) src(%dma_wait3A_72 : memref<2560xi32, #tpu.memory_space<hbm>>) dst(%dma_wait3A_71 : memref<2560xi32, #tpu.memory_space<vmem>>)
        tpu.yield
      }) : () -> ()
    } else {
    }
    %mul3A_16 = arith.constant 80 : i32
    %mul3A_17 = arith.muli %add3A, %mul3A_16 : i32
    %add3A_18 = arith.constant 60 : i32
    %add3A_19 = arith.addi %mul3A_17, %add3A_18 : i32
    %le3A_20 = arith.constant 2500 : i32
    %le3A_21 = arith.cmpi sle, %add3A_19, %le3A_20 : i32
    %convert_element_type3A_22 = arith.extui %le3A_21 : i1 to i32
    %cond3A_23 = arith.constant 0 : i32
    %cond3A_24 = arith.cmpi ne, %convert_element_type3A_22, %cond3A_23 : i32
    scf.if %cond3A_24 {
      %mul3A_57 = arith.constant 80 : i32
      %mul3A_58 = arith.muli %add3A, %mul3A_57 : i32
      %add3A_59 = arith.constant 40 : i32
      %add3A_60 = arith.addi %mul3A_58, %add3A_59 : i32
      %mul3A_61 = arith.constant 128 : i32
      %mul3A_62 = arith.muli %add3A_60, %mul3A_61 : i32
      "tpu.region"() ({
        %run_scoped3A = tpu.sem_alloc : memref<!tpu.dma_semaphore, #tpu.memory_space<semaphore_mem>>
        %dma_start3A = arith.constant 5120 : i32
        %dma_start3A_63 = tpu.memref_slice %arg6[%dma_start3A] : memref<10240xi32, #tpu.memory_space<vmem>> -> memref<2560xi32, #tpu.memory_space<vmem>>
        %dma_start3A_64 = tpu.memref_slice %arg2[%mul3A_62] : memref<320000xi32, #tpu.memory_space<hbm>> -> memref<2560xi32, #tpu.memory_space<hbm>>
        %dma_start3A_65 = arith.constant 5120 : i32
        %dma_start3A_66 = tpu.memref_slice %arg6[%dma_start3A_65] : memref<10240xi32, #tpu.memory_space<vmem>> -> memref<2560xi32, #tpu.memory_space<vmem>>
        %dma_start3A_67 = tpu.memref_slice %arg2[%mul3A_62] : memref<320000xi32, #tpu.memory_space<hbm>> -> memref<2560xi32, #tpu.memory_space<hbm>>
        tpu.enqueue_dma source(%dma_start3A_67 : memref<2560xi32, #tpu.memory_space<hbm>>) target(%dma_start3A_66 : memref<2560xi32, #tpu.memory_space<vmem>>) target_semaphore(%run_scoped3A : memref<!tpu.dma_semaphore, #tpu.memory_space<semaphore_mem>>)
        %dma_wait3A = arith.constant 5120 : i32
        %dma_wait3A_68 = tpu.memref_slice %arg6[%dma_wait3A] : memref<10240xi32, #tpu.memory_space<vmem>> -> memref<2560xi32, #tpu.memory_space<vmem>>
        %dma_wait3A_69 = tpu.memref_slice %arg2[%mul3A_62] : memref<320000xi32, #tpu.memory_space<hbm>> -> memref<2560xi32, #tpu.memory_space<hbm>>
        %dma_wait3A_70 = arith.constant 5120 : i32
        %dma_wait3A_71 = tpu.memref_slice %arg6[%dma_wait3A_70] : memref<10240xi32, #tpu.memory_space<vmem>> -> memref<2560xi32, #tpu.memory_space<vmem>>
        %dma_wait3A_72 = tpu.memref_slice %arg2[%mul3A_62] : memref<320000xi32, #tpu.memory_space<hbm>> -> memref<2560xi32, #tpu.memory_space<hbm>>
        tpu.wait_dma2 semaphore(%run_scoped3A : memref<!tpu.dma_semaphore, #tpu.memory_space<semaphore_mem>>) src(%dma_wait3A_72 : memref<2560xi32, #tpu.memory_space<hbm>>) dst(%dma_wait3A_71 : memref<2560xi32, #tpu.memory_space<vmem>>)
        tpu.yield
      }) : () -> ()
    } else {
    }
    %mul3A_25 = arith.constant 80 : i32
    %mul3A_26 = arith.muli %add3A, %mul3A_25 : i32
    %add3A_27 = arith.constant 80 : i32
    %add3A_28 = arith.addi %mul3A_26, %add3A_27 : i32
    %le3A_29 = arith.constant 2500 : i32
    %le3A_30 = arith.cmpi sle, %add3A_28, %le3A_29 : i32
    %convert_element_type3A_31 = arith.extui %le3A_30 : i1 to i32
    %cond3A_32 = arith.constant 0 : i32
    %cond3A_33 = arith.cmpi ne, %convert_element_type3A_31, %cond3A_32 : i32
    scf.if %cond3A_33 {
      %mul3A_57 = arith.constant 80 : i32
      %mul3A_58 = arith.muli %add3A, %mul3A_57 : i32
      %add3A_59 = arith.constant 60 : i32
      %add3A_60 = arith.addi %mul3A_58, %add3A_59 : i32
      %mul3A_61 = arith.constant 128 : i32
      %mul3A_62 = arith.muli %add3A_60, %mul3A_61 : i32
      "tpu.region"() ({
        %run_scoped3A = tpu.sem_alloc : memref<!tpu.dma_semaphore, #tpu.memory_space<semaphore_mem>>
        %dma_start3A = arith.constant 7680 : i32
        %dma_start3A_63 = tpu.memref_slice %arg6[%dma_start3A] : memref<10240xi32, #tpu.memory_space<vmem>> -> memref<2560xi32, #tpu.memory_space<vmem>>
        %dma_start3A_64 = tpu.memref_slice %arg2[%mul3A_62] : memref<320000xi32, #tpu.memory_space<hbm>> -> memref<2560xi32, #tpu.memory_space<hbm>>
        %dma_start3A_65 = arith.constant 7680 : i32
        %dma_start3A_66 = tpu.memref_slice %arg6[%dma_start3A_65] : memref<10240xi32, #tpu.memory_space<vmem>> -> memref<2560xi32, #tpu.memory_space<vmem>>
        %dma_start3A_67 = tpu.memref_slice %arg2[%mul3A_62] : memref<320000xi32, #tpu.memory_space<hbm>> -> memref<2560xi32, #tpu.memory_space<hbm>>
        tpu.enqueue_dma source(%dma_start3A_67 : memref<2560xi32, #tpu.memory_space<hbm>>) target(%dma_start3A_66 : memref<2560xi32, #tpu.memory_space<vmem>>) target_semaphore(%run_scoped3A : memref<!tpu.dma_semaphore, #tpu.memory_space<semaphore_mem>>)
        %dma_wait3A = arith.constant 7680 : i32
        %dma_wait3A_68 = tpu.memref_slice %arg6[%dma_wait3A] : memref<10240xi32, #tpu.memory_space<vmem>> -> memref<2560xi32, #tpu.memory_space<vmem>>
        %dma_wait3A_69 = tpu.memref_slice %arg2[%mul3A_62] : memref<320000xi32, #tpu.memory_space<hbm>> -> memref<2560xi32, #tpu.memory_space<hbm>>
        %dma_wait3A_70 = arith.constant 7680 : i32
        %dma_wait3A_71 = tpu.memref_slice %arg6[%dma_wait3A_70] : memref<10240xi32, #tpu.memory_space<vmem>> -> memref<2560xi32, #tpu.memory_space<vmem>>
        %dma_wait3A_72 = tpu.memref_slice %arg2[%mul3A_62] : memref<320000xi32, #tpu.memory_space<hbm>> -> memref<2560xi32, #tpu.memory_space<hbm>>
        tpu.wait_dma2 semaphore(%run_scoped3A : memref<!tpu.dma_semaphore, #tpu.memory_space<semaphore_mem>>) src(%dma_wait3A_72 : memref<2560xi32, #tpu.memory_space<hbm>>) dst(%dma_wait3A_71 : memref<2560xi32, #tpu.memory_space<vmem>>)
        tpu.yield
      }) : () -> ()
    } else {
    }
    "tpu.region"() ({
      %run_scoped3A = tpu.sem_alloc : memref<!tpu.dma_semaphore, #tpu.memory_space<semaphore_mem>>
      tpu.enqueue_dma source(%arg3 : memref<128x8xf32, #tpu.memory_space<hbm>>) target(%arg7 : memref<128x8xf32, #tpu.memory_space<vmem>>) target_semaphore(%run_scoped3A : memref<!tpu.dma_semaphore, #tpu.memory_space<semaphore_mem>>)
      tpu.wait_dma2 semaphore(%run_scoped3A : memref<!tpu.dma_semaphore, #tpu.memory_space<semaphore_mem>>) src(%arg3 : memref<128x8xf32, #tpu.memory_space<hbm>>) dst(%arg7 : memref<128x8xf32, #tpu.memory_space<vmem>>)
      tpu.yield
    }) : () -> ()
    %mul3A_34 = arith.constant 632 : i32
    %mul3A_35 = arith.muli %arg1, %mul3A_34 : i32
    "tpu.region"() ({
      %run_scoped3A = tpu.sem_alloc : memref<!tpu.dma_semaphore, #tpu.memory_space<semaphore_mem>>
      %dma_start3A = arith.constant 0 : i32
      %dma_start3A_57 = tpu.memref_slice %arg4[%mul3A_35, %dma_start3A] : memref<10112x8xf32, #tpu.memory_space<hbm>> -> memref<632x8xf32, #tpu.memory_space<hbm>>
      %dma_start3A_58 = arith.constant 0 : i32
      %dma_start3A_59 = tpu.memref_slice %arg4[%mul3A_35, %dma_start3A_58] : memref<10112x8xf32, #tpu.memory_space<hbm>> -> memref<632x8xf32, #tpu.memory_space<hbm>>
      tpu.enqueue_dma source(%dma_start3A_59 : memref<632x8xf32, #tpu.memory_space<hbm>>) target(%arg8 : memref<632x8xf32, #tpu.memory_space<vmem>>) target_semaphore(%run_scoped3A : memref<!tpu.dma_semaphore, #tpu.memory_space<semaphore_mem>>)
      %dma_wait3A = arith.constant 0 : i32
      %dma_wait3A_60 = tpu.memref_slice %arg4[%mul3A_35, %dma_wait3A] : memref<10112x8xf32, #tpu.memory_space<hbm>> -> memref<632x8xf32, #tpu.memory_space<hbm>>
      %dma_wait3A_61 = arith.constant 0 : i32
      %dma_wait3A_62 = tpu.memref_slice %arg4[%mul3A_35, %dma_wait3A_61] : memref<10112x8xf32, #tpu.memory_space<hbm>> -> memref<632x8xf32, #tpu.memory_space<hbm>>
      tpu.wait_dma2 semaphore(%run_scoped3A : memref<!tpu.dma_semaphore, #tpu.memory_space<semaphore_mem>>) src(%dma_wait3A_62 : memref<632x8xf32, #tpu.memory_space<hbm>>) dst(%arg8 : memref<632x8xf32, #tpu.memory_space<vmem>>)
      tpu.yield
    }) : () -> ()
    %mul3A_36 = arith.constant 632 : i32
    %mul3A_37 = arith.muli %arg1, %mul3A_36 : i32
    "tpu.region"() ({
      %run_scoped3A = tpu.sem_alloc : memref<!tpu.dma_semaphore, #tpu.memory_space<semaphore_mem>>
      %dma_start3A = arith.constant 0 : i32
      %dma_start3A_57 = tpu.memref_slice %arg9[%mul3A_37, %dma_start3A] : memref<10112x8xf32, #tpu.memory_space<vmem_shared>> -> memref<632x8xf32, #tpu.memory_space<vmem_shared>>
      %dma_start3A_58 = arith.constant 0 : i32
      %dma_start3A_59 = tpu.memref_slice %arg9[%mul3A_37, %dma_start3A_58] : memref<10112x8xf32, #tpu.memory_space<vmem_shared>> -> memref<632x8xf32, #tpu.memory_space<vmem_shared>>
      tpu.enqueue_dma source(%arg8 : memref<632x8xf32, #tpu.memory_space<vmem>>) target(%dma_start3A_59 : memref<632x8xf32, #tpu.memory_space<vmem_shared>>) target_semaphore(%run_scoped3A : memref<!tpu.dma_semaphore, #tpu.memory_space<semaphore_mem>>)
      %dma_wait3A = arith.constant 0 : i32
      %dma_wait3A_60 = tpu.memref_slice %arg9[%mul3A_37, %dma_wait3A] : memref<10112x8xf32, #tpu.memory_space<vmem_shared>> -> memref<632x8xf32, #tpu.memory_space<vmem_shared>>
      %dma_wait3A_61 = arith.constant 0 : i32
      %dma_wait3A_62 = tpu.memref_slice %arg9[%mul3A_37, %dma_wait3A_61] : memref<10112x8xf32, #tpu.memory_space<vmem_shared>> -> memref<632x8xf32, #tpu.memory_space<vmem_shared>>
      tpu.wait_dma2 semaphore(%run_scoped3A : memref<!tpu.dma_semaphore, #tpu.memory_space<semaphore_mem>>) src(%arg8 : memref<632x8xf32, #tpu.memory_space<vmem>>) dst(%dma_wait3A_62 : memref<632x8xf32, #tpu.memory_space<vmem_shared>>)
      tpu.yield
    }) : () -> ()
    %barrier3A = arith.constant 0 : index
    tpu.barrier barrier_id(%barrier3A)
    %mul3A_38 = arith.constant 80 : i32
    %mul3A_39 = arith.muli %add3A, %mul3A_38 : i32
    %sub3A = arith.constant 2500 : i32
    %sub3A_40 = arith.subi %sub3A, %mul3A_39 : i32
    %min3A = arith.constant 80 : i32
    %min3A_41 = arith.minsi %min3A, %sub3A_40 : i32
    %max3A = arith.constant 0 : i32
    %max3A_42 = arith.maxsi %max3A, %min3A_41 : i32
    %while3A = arith.constant 0 : i32
    %while3A_43 = arith.constant 0 : i32
    %while3A_44 = arith.subi %max3A_42, %while3A_43 : i32
    %while3A_45 = arith.addi %while3A_43, %while3A_44 : i32
    %while3A_46 = arith.constant 1 : i32
    %while3A_47 = arith.divsi %while3A_44, %while3A_46 : i32
    %while3A_48 = arith.muli %while3A_47, %while3A_46 : i32
    %while3A_49 = arith.addi %while3A_43, %while3A_48 : i32
    %while3A_50 = arith.constant 1 : i32
    scf.for %while3A_57 = %while3A_43 to %while3A_49 step %while3A_50  : i32 {
      %mul3A_58 = arith.constant 128 : i32
      %mul3A_59 = arith.muli %while3A_57, %mul3A_58 : i32
      "tpu.region"() ({
        %run_scoped3A = tpu.sem_alloc : memref<!tpu.dma_semaphore, #tpu.memory_space<semaphore_mem>>
        %dma_start3A = tpu.memref_slice %arg6[%mul3A_59] : memref<10240xi32, #tpu.memory_space<vmem>> -> memref<128xi32, #tpu.memory_space<vmem>>
        %dma_start3A_60 = arith.constant 0 : i32
        %dma_start3A_61 = arith.constant 0 : i32
        %dma_start3A_62 = tpu.memref_slice %arg9[%dma_start3A_60, %dma_start3A_61] : memref<10112x8xf32, #tpu.memory_space<vmem_shared>> -> memref<10112x8xf32, #tpu.memory_space<vmem_shared>>
        tpu.enqueue_indirect_dma source(%arg7 : memref<128x8xf32, #tpu.memory_space<vmem>>) target(%dma_start3A_62 : memref<10112x8xf32, #tpu.memory_space<vmem_shared>>) offsets(%dma_start3A : memref<128xi32, #tpu.memory_space<vmem>>) semaphore(%run_scoped3A : memref<!tpu.dma_semaphore, #tpu.memory_space<semaphore_mem>>) {add = true}
        %dma_wait3A = tpu.memref_slice %arg6[%mul3A_59] : memref<10240xi32, #tpu.memory_space<vmem>> -> memref<128xi32, #tpu.memory_space<vmem>>
        %dma_wait3A_63 = arith.constant 0 : i32
        %dma_wait3A_64 = arith.constant 0 : i32
        %dma_wait3A_65 = tpu.memref_slice %arg9[%dma_wait3A_63, %dma_wait3A_64] : memref<10112x8xf32, #tpu.memory_space<vmem_shared>> -> memref<10112x8xf32, #tpu.memory_space<vmem_shared>>
        tpu.wait_indirect_dma semaphore(%run_scoped3A : memref<!tpu.dma_semaphore, #tpu.memory_space<semaphore_mem>>) src(%arg7 : memref<128x8xf32, #tpu.memory_space<vmem>>) dst(%dma_wait3A_65 : memref<10112x8xf32, #tpu.memory_space<vmem_shared>>)
        tpu.yield
      }) : () -> ()
    }
    %while3A_51 = arith.constant 1 : i32
    scf.for %while3A_57 = %while3A_49 to %while3A_45 step %while3A_51  : i32 {
      %mul3A_58 = arith.constant 128 : i32
      %mul3A_59 = arith.muli %while3A_57, %mul3A_58 : i32
      "tpu.region"() ({
        %run_scoped3A = tpu.sem_alloc : memref<!tpu.dma_semaphore, #tpu.memory_space<semaphore_mem>>
        %dma_start3A = tpu.memref_slice %arg6[%mul3A_59] : memref<10240xi32, #tpu.memory_space<vmem>> -> memref<128xi32, #tpu.memory_space<vmem>>
        %dma_start3A_60 = arith.constant 0 : i32
        %dma_start3A_61 = arith.constant 0 : i32
        %dma_start3A_62 = tpu.memref_slice %arg9[%dma_start3A_60, %dma_start3A_61] : memref<10112x8xf32, #tpu.memory_space<vmem_shared>> -> memref<10112x8xf32, #tpu.memory_space<vmem_shared>>
        tpu.enqueue_indirect_dma source(%arg7 : memref<128x8xf32, #tpu.memory_space<vmem>>) target(%dma_start3A_62 : memref<10112x8xf32, #tpu.memory_space<vmem_shared>>) offsets(%dma_start3A : memref<128xi32, #tpu.memory_space<vmem>>) semaphore(%run_scoped3A : memref<!tpu.dma_semaphore, #tpu.memory_space<semaphore_mem>>) {add = true}
        %dma_wait3A = tpu.memref_slice %arg6[%mul3A_59] : memref<10240xi32, #tpu.memory_space<vmem>> -> memref<128xi32, #tpu.memory_space<vmem>>
        %dma_wait3A_63 = arith.constant 0 : i32
        %dma_wait3A_64 = arith.constant 0 : i32
        %dma_wait3A_65 = tpu.memref_slice %arg9[%dma_wait3A_63, %dma_wait3A_64] : memref<10112x8xf32, #tpu.memory_space<vmem_shared>> -> memref<10112x8xf32, #tpu.memory_space<vmem_shared>>
        tpu.wait_indirect_dma semaphore(%run_scoped3A : memref<!tpu.dma_semaphore, #tpu.memory_space<semaphore_mem>>) src(%arg7 : memref<128x8xf32, #tpu.memory_space<vmem>>) dst(%dma_wait3A_65 : memref<10112x8xf32, #tpu.memory_space<vmem_shared>>)
        tpu.yield
      }) : () -> ()
    }
    %barrier3A_52 = arith.constant 0 : index
    tpu.barrier barrier_id(%barrier3A_52)
    %mul3A_53 = arith.constant 632 : i32
    %mul3A_54 = arith.muli %arg1, %mul3A_53 : i32
    "tpu.region"() ({
      %run_scoped3A = tpu.sem_alloc : memref<!tpu.dma_semaphore, #tpu.memory_space<semaphore_mem>>
      %dma_start3A = arith.constant 0 : i32
      %dma_start3A_57 = tpu.memref_slice %arg9[%mul3A_54, %dma_start3A] : memref<10112x8xf32, #tpu.memory_space<vmem_shared>> -> memref<632x8xf32, #tpu.memory_space<vmem_shared>>
      %dma_start3A_58 = arith.constant 0 : i32
      %dma_start3A_59 = tpu.memref_slice %arg9[%mul3A_54, %dma_start3A_58] : memref<10112x8xf32, #tpu.memory_space<vmem_shared>> -> memref<632x8xf32, #tpu.memory_space<vmem_shared>>
      tpu.enqueue_dma source(%dma_start3A_59 : memref<632x8xf32, #tpu.memory_space<vmem_shared>>) target(%arg8 : memref<632x8xf32, #tpu.memory_space<vmem>>) target_semaphore(%run_scoped3A : memref<!tpu.dma_semaphore, #tpu.memory_space<semaphore_mem>>)
      %dma_wait3A = arith.constant 0 : i32
      %dma_wait3A_60 = tpu.memref_slice %arg9[%mul3A_54, %dma_wait3A] : memref<10112x8xf32, #tpu.memory_space<vmem_shared>> -> memref<632x8xf32, #tpu.memory_space<vmem_shared>>
      %dma_wait3A_61 = arith.constant 0 : i32
      %dma_wait3A_62 = tpu.memref_slice %arg9[%mul3A_54, %dma_wait3A_61] : memref<10112x8xf32, #tpu.memory_space<vmem_shared>> -> memref<632x8xf32, #tpu.memory_space<vmem_shared>>
      tpu.wait_dma2 semaphore(%run_scoped3A : memref<!tpu.dma_semaphore, #tpu.memory_space<semaphore_mem>>) src(%dma_wait3A_62 : memref<632x8xf32, #tpu.memory_space<vmem_shared>>) dst(%arg8 : memref<632x8xf32, #tpu.memory_space<vmem>>)
      tpu.yield
    }) : () -> ()
    %mul3A_55 = arith.constant 632 : i32
    %mul3A_56 = arith.muli %arg1, %mul3A_55 : i32
    "tpu.region"() ({
      %run_scoped3A = tpu.sem_alloc : memref<!tpu.dma_semaphore, #tpu.memory_space<semaphore_mem>>
      %dma_start3A = arith.constant 0 : i32
      %dma_start3A_57 = tpu.memref_slice %arg5[%arg0, %mul3A_56, %dma_start3A] : memref<2x10112x8xf32, #tpu.memory_space<hbm>> -> memref<1x632x8xf32, #tpu.memory_space<hbm>>
      %dma_start3A_58 = tpu.memref_squeeze %dma_start3A_57 : memref<1x632x8xf32, #tpu.memory_space<hbm>> -> memref<632x8xf32, #tpu.memory_space<hbm>>
      %dma_start3A_59 = arith.constant 0 : i32
      %dma_start3A_60 = tpu.memref_slice %arg5[%arg0, %mul3A_56, %dma_start3A_59] : memref<2x10112x8xf32, #tpu.memory_space<hbm>> -> memref<1x632x8xf32, #tpu.memory_space<hbm>>
      %dma_start3A_61 = tpu.memref_squeeze %dma_start3A_60 : memref<1x632x8xf32, #tpu.memory_space<hbm>> -> memref<632x8xf32, #tpu.memory_space<hbm>>
      tpu.enqueue_dma source(%arg8 : memref<632x8xf32, #tpu.memory_space<vmem>>) target(%dma_start3A_61 : memref<632x8xf32, #tpu.memory_space<hbm>>) target_semaphore(%run_scoped3A : memref<!tpu.dma_semaphore, #tpu.memory_space<semaphore_mem>>)
      %dma_wait3A = arith.constant 0 : i32
      %dma_wait3A_62 = tpu.memref_slice %arg5[%arg0, %mul3A_56, %dma_wait3A] : memref<2x10112x8xf32, #tpu.memory_space<hbm>> -> memref<1x632x8xf32, #tpu.memory_space<hbm>>
      %dma_wait3A_63 = tpu.memref_squeeze %dma_wait3A_62 : memref<1x632x8xf32, #tpu.memory_space<hbm>> -> memref<632x8xf32, #tpu.memory_space<hbm>>
      %dma_wait3A_64 = arith.constant 0 : i32
      %dma_wait3A_65 = tpu.memref_slice %arg5[%arg0, %mul3A_56, %dma_wait3A_64] : memref<2x10112x8xf32, #tpu.memory_space<hbm>> -> memref<1x632x8xf32, #tpu.memory_space<hbm>>
      %dma_wait3A_66 = tpu.memref_squeeze %dma_wait3A_65 : memref<1x632x8xf32, #tpu.memory_space<hbm>> -> memref<632x8xf32, #tpu.memory_space<hbm>>
      tpu.wait_dma2 semaphore(%run_scoped3A : memref<!tpu.dma_semaphore, #tpu.memory_space<semaphore_mem>>) src(%arg8 : memref<632x8xf32, #tpu.memory_space<vmem>>) dst(%dma_wait3A_66 : memref<632x8xf32, #tpu.memory_space<hbm>>)
      tpu.yield
    }) : () -> ()
    return
  }
}

#map = affine_map<(d0, d1) -> (0, 0)>
#map1 = affine_map<(d0, d1) -> (0)>
#map2 = affine_map<(d0, d1) -> (0, 0, 0)>
module attributes {stable_mosaic.version = 14 : i64} {
  func.func @edge_kernel(%arg0: i32, %arg1: i32, %arg2: memref<10112x8xf32, #tpu.memory_space<hbm>>, %arg3: memref<320000xi32, #tpu.memory_space<hbm>>, %arg4: memref<320000xi32, #tpu.memory_space<hbm>>, %arg5: memref<10112x8xf32, #tpu.memory_space<hbm>>, %arg6: memref<2x10112x8xf32, #tpu.memory_space<hbm>>, %arg7: memref<10240xi32, #tpu.memory_space<vmem>>, %arg8: memref<10240xi32, #tpu.memory_space<vmem>>, %arg9: memref<128x8xf32, #tpu.memory_space<vmem>>, %arg10: memref<128x8xf32, #tpu.memory_space<vmem>>, %arg11: memref<632x8xf32, #tpu.memory_space<vmem>>, %arg12: memref<10112x8xf32, #tpu.memory_space<vmem_shared>>, %arg13: memref<10112x8xf32, #tpu.memory_space<vmem_shared>>, %arg14: memref<!tpu.dma_semaphore, #tpu.memory_space<semaphore_mem>>) attributes {dimension_semantics = [#tpu.dimension_semantics<core_parallel>, #tpu.dimension_semantics<subcore_parallel>], iteration_bounds = array<i64: 2, 16>, scalar_prefetch = 0 : i64, scratch_operands = 8 : i64, tpu.core_type = #tpu.core_type<sc_vector_subcore>, window_params = [{transform_indices = #map}, {transform_indices = #map1}, {transform_indices = #map1}, {transform_indices = #map}, {transform_indices = #map2}]} {
    %mul3A = arith.constant 16 : i32
    %mul3A_0 = arith.muli %arg0, %mul3A : i32
    %add3A = arith.addi %mul3A_0, %arg1 : i32
    %mul3A_1 = arith.constant 80 : i32
    %mul3A_2 = arith.muli %add3A, %mul3A_1 : i32
    %add3A_3 = arith.constant 20 : i32
    %add3A_4 = arith.addi %mul3A_2, %add3A_3 : i32
    %le3A = arith.constant 2500 : i32
    %le3A_5 = arith.cmpi sle, %add3A_4, %le3A : i32
    %convert_element_type3A = arith.extui %le3A_5 : i1 to i32
    %cond3A = arith.constant 0 : i32
    %cond3A_6 = arith.cmpi ne, %convert_element_type3A, %cond3A : i32
    scf.if %cond3A_6 {
      %mul3A_123 = arith.constant 80 : i32
      %mul3A_124 = arith.muli %add3A, %mul3A_123 : i32
      %add3A_125 = arith.constant 0 : i32
      %add3A_126 = arith.addi %mul3A_124, %add3A_125 : i32
      %mul3A_127 = arith.constant 128 : i32
      %mul3A_128 = arith.muli %add3A_126, %mul3A_127 : i32
      "tpu.region"() ({
        %run_scoped3A = tpu.sem_alloc : memref<!tpu.dma_semaphore, #tpu.memory_space<semaphore_mem>>
        %dma_start3A_129 = arith.constant 0 : i32
        %dma_start3A_130 = tpu.memref_slice %arg7[%dma_start3A_129] : memref<10240xi32, #tpu.memory_space<vmem>> -> memref<2560xi32, #tpu.memory_space<vmem>>
        %dma_start3A_131 = tpu.memref_slice %arg3[%mul3A_128] : memref<320000xi32, #tpu.memory_space<hbm>> -> memref<2560xi32, #tpu.memory_space<hbm>>
        %dma_start3A_132 = arith.constant 0 : i32
        %dma_start3A_133 = tpu.memref_slice %arg7[%dma_start3A_132] : memref<10240xi32, #tpu.memory_space<vmem>> -> memref<2560xi32, #tpu.memory_space<vmem>>
        %dma_start3A_134 = tpu.memref_slice %arg3[%mul3A_128] : memref<320000xi32, #tpu.memory_space<hbm>> -> memref<2560xi32, #tpu.memory_space<hbm>>
        tpu.enqueue_dma source(%dma_start3A_134 : memref<2560xi32, #tpu.memory_space<hbm>>) target(%dma_start3A_133 : memref<2560xi32, #tpu.memory_space<vmem>>) target_semaphore(%run_scoped3A : memref<!tpu.dma_semaphore, #tpu.memory_space<semaphore_mem>>)
        %dma_wait3A = arith.constant 0 : i32
        %dma_wait3A_135 = tpu.memref_slice %arg7[%dma_wait3A] : memref<10240xi32, #tpu.memory_space<vmem>> -> memref<2560xi32, #tpu.memory_space<vmem>>
        %dma_wait3A_136 = tpu.memref_slice %arg3[%mul3A_128] : memref<320000xi32, #tpu.memory_space<hbm>> -> memref<2560xi32, #tpu.memory_space<hbm>>
        %dma_wait3A_137 = arith.constant 0 : i32
        %dma_wait3A_138 = tpu.memref_slice %arg7[%dma_wait3A_137] : memref<10240xi32, #tpu.memory_space<vmem>> -> memref<2560xi32, #tpu.memory_space<vmem>>
        %dma_wait3A_139 = tpu.memref_slice %arg3[%mul3A_128] : memref<320000xi32, #tpu.memory_space<hbm>> -> memref<2560xi32, #tpu.memory_space<hbm>>
        tpu.wait_dma2 semaphore(%run_scoped3A : memref<!tpu.dma_semaphore, #tpu.memory_space<semaphore_mem>>) src(%dma_wait3A_139 : memref<2560xi32, #tpu.memory_space<hbm>>) dst(%dma_wait3A_138 : memref<2560xi32, #tpu.memory_space<vmem>>)
        tpu.yield
      }) : () -> ()
    } else {
    }
    %mul3A_7 = arith.constant 80 : i32
    %mul3A_8 = arith.muli %add3A, %mul3A_7 : i32
    %add3A_9 = arith.constant 40 : i32
    %add3A_10 = arith.addi %mul3A_8, %add3A_9 : i32
    %le3A_11 = arith.constant 2500 : i32
    %le3A_12 = arith.cmpi sle, %add3A_10, %le3A_11 : i32
    %convert_element_type3A_13 = arith.extui %le3A_12 : i1 to i32
    %cond3A_14 = arith.constant 0 : i32
    %cond3A_15 = arith.cmpi ne, %convert_element_type3A_13, %cond3A_14 : i32
    scf.if %cond3A_15 {
      %mul3A_123 = arith.constant 80 : i32
      %mul3A_124 = arith.muli %add3A, %mul3A_123 : i32
      %add3A_125 = arith.constant 20 : i32
      %add3A_126 = arith.addi %mul3A_124, %add3A_125 : i32
      %mul3A_127 = arith.constant 128 : i32
      %mul3A_128 = arith.muli %add3A_126, %mul3A_127 : i32
      "tpu.region"() ({
        %run_scoped3A = tpu.sem_alloc : memref<!tpu.dma_semaphore, #tpu.memory_space<semaphore_mem>>
        %dma_start3A_129 = arith.constant 2560 : i32
        %dma_start3A_130 = tpu.memref_slice %arg7[%dma_start3A_129] : memref<10240xi32, #tpu.memory_space<vmem>> -> memref<2560xi32, #tpu.memory_space<vmem>>
        %dma_start3A_131 = tpu.memref_slice %arg3[%mul3A_128] : memref<320000xi32, #tpu.memory_space<hbm>> -> memref<2560xi32, #tpu.memory_space<hbm>>
        %dma_start3A_132 = arith.constant 2560 : i32
        %dma_start3A_133 = tpu.memref_slice %arg7[%dma_start3A_132] : memref<10240xi32, #tpu.memory_space<vmem>> -> memref<2560xi32, #tpu.memory_space<vmem>>
        %dma_start3A_134 = tpu.memref_slice %arg3[%mul3A_128] : memref<320000xi32, #tpu.memory_space<hbm>> -> memref<2560xi32, #tpu.memory_space<hbm>>
        tpu.enqueue_dma source(%dma_start3A_134 : memref<2560xi32, #tpu.memory_space<hbm>>) target(%dma_start3A_133 : memref<2560xi32, #tpu.memory_space<vmem>>) target_semaphore(%run_scoped3A : memref<!tpu.dma_semaphore, #tpu.memory_space<semaphore_mem>>)
        %dma_wait3A = arith.constant 2560 : i32
        %dma_wait3A_135 = tpu.memref_slice %arg7[%dma_wait3A] : memref<10240xi32, #tpu.memory_space<vmem>> -> memref<2560xi32, #tpu.memory_space<vmem>>
        %dma_wait3A_136 = tpu.memref_slice %arg3[%mul3A_128] : memref<320000xi32, #tpu.memory_space<hbm>> -> memref<2560xi32, #tpu.memory_space<hbm>>
        %dma_wait3A_137 = arith.constant 2560 : i32
        %dma_wait3A_138 = tpu.memref_slice %arg7[%dma_wait3A_137] : memref<10240xi32, #tpu.memory_space<vmem>> -> memref<2560xi32, #tpu.memory_space<vmem>>
        %dma_wait3A_139 = tpu.memref_slice %arg3[%mul3A_128] : memref<320000xi32, #tpu.memory_space<hbm>> -> memref<2560xi32, #tpu.memory_space<hbm>>
        tpu.wait_dma2 semaphore(%run_scoped3A : memref<!tpu.dma_semaphore, #tpu.memory_space<semaphore_mem>>) src(%dma_wait3A_139 : memref<2560xi32, #tpu.memory_space<hbm>>) dst(%dma_wait3A_138 : memref<2560xi32, #tpu.memory_space<vmem>>)
        tpu.yield
      }) : () -> ()
    } else {
    }
    %mul3A_16 = arith.constant 80 : i32
    %mul3A_17 = arith.muli %add3A, %mul3A_16 : i32
    %add3A_18 = arith.constant 60 : i32
    %add3A_19 = arith.addi %mul3A_17, %add3A_18 : i32
    %le3A_20 = arith.constant 2500 : i32
    %le3A_21 = arith.cmpi sle, %add3A_19, %le3A_20 : i32
    %convert_element_type3A_22 = arith.extui %le3A_21 : i1 to i32
    %cond3A_23 = arith.constant 0 : i32
    %cond3A_24 = arith.cmpi ne, %convert_element_type3A_22, %cond3A_23 : i32
    scf.if %cond3A_24 {
      %mul3A_123 = arith.constant 80 : i32
      %mul3A_124 = arith.muli %add3A, %mul3A_123 : i32
      %add3A_125 = arith.constant 40 : i32
      %add3A_126 = arith.addi %mul3A_124, %add3A_125 : i32
      %mul3A_127 = arith.constant 128 : i32
      %mul3A_128 = arith.muli %add3A_126, %mul3A_127 : i32
      "tpu.region"() ({
        %run_scoped3A = tpu.sem_alloc : memref<!tpu.dma_semaphore, #tpu.memory_space<semaphore_mem>>
        %dma_start3A_129 = arith.constant 5120 : i32
        %dma_start3A_130 = tpu.memref_slice %arg7[%dma_start3A_129] : memref<10240xi32, #tpu.memory_space<vmem>> -> memref<2560xi32, #tpu.memory_space<vmem>>
        %dma_start3A_131 = tpu.memref_slice %arg3[%mul3A_128] : memref<320000xi32, #tpu.memory_space<hbm>> -> memref<2560xi32, #tpu.memory_space<hbm>>
        %dma_start3A_132 = arith.constant 5120 : i32
        %dma_start3A_133 = tpu.memref_slice %arg7[%dma_start3A_132] : memref<10240xi32, #tpu.memory_space<vmem>> -> memref<2560xi32, #tpu.memory_space<vmem>>
        %dma_start3A_134 = tpu.memref_slice %arg3[%mul3A_128] : memref<320000xi32, #tpu.memory_space<hbm>> -> memref<2560xi32, #tpu.memory_space<hbm>>
        tpu.enqueue_dma source(%dma_start3A_134 : memref<2560xi32, #tpu.memory_space<hbm>>) target(%dma_start3A_133 : memref<2560xi32, #tpu.memory_space<vmem>>) target_semaphore(%run_scoped3A : memref<!tpu.dma_semaphore, #tpu.memory_space<semaphore_mem>>)
        %dma_wait3A = arith.constant 5120 : i32
        %dma_wait3A_135 = tpu.memref_slice %arg7[%dma_wait3A] : memref<10240xi32, #tpu.memory_space<vmem>> -> memref<2560xi32, #tpu.memory_space<vmem>>
        %dma_wait3A_136 = tpu.memref_slice %arg3[%mul3A_128] : memref<320000xi32, #tpu.memory_space<hbm>> -> memref<2560xi32, #tpu.memory_space<hbm>>
        %dma_wait3A_137 = arith.constant 5120 : i32
        %dma_wait3A_138 = tpu.memref_slice %arg7[%dma_wait3A_137] : memref<10240xi32, #tpu.memory_space<vmem>> -> memref<2560xi32, #tpu.memory_space<vmem>>
        %dma_wait3A_139 = tpu.memref_slice %arg3[%mul3A_128] : memref<320000xi32, #tpu.memory_space<hbm>> -> memref<2560xi32, #tpu.memory_space<hbm>>
        tpu.wait_dma2 semaphore(%run_scoped3A : memref<!tpu.dma_semaphore, #tpu.memory_space<semaphore_mem>>) src(%dma_wait3A_139 : memref<2560xi32, #tpu.memory_space<hbm>>) dst(%dma_wait3A_138 : memref<2560xi32, #tpu.memory_space<vmem>>)
        tpu.yield
      }) : () -> ()
    } else {
    }
    %mul3A_25 = arith.constant 80 : i32
    %mul3A_26 = arith.muli %add3A, %mul3A_25 : i32
    %add3A_27 = arith.constant 80 : i32
    %add3A_28 = arith.addi %mul3A_26, %add3A_27 : i32
    %le3A_29 = arith.constant 2500 : i32
    %le3A_30 = arith.cmpi sle, %add3A_28, %le3A_29 : i32
    %convert_element_type3A_31 = arith.extui %le3A_30 : i1 to i32
    %cond3A_32 = arith.constant 0 : i32
    %cond3A_33 = arith.cmpi ne, %convert_element_type3A_31, %cond3A_32 : i32
    scf.if %cond3A_33 {
      %mul3A_123 = arith.constant 80 : i32
      %mul3A_124 = arith.muli %add3A, %mul3A_123 : i32
      %add3A_125 = arith.constant 60 : i32
      %add3A_126 = arith.addi %mul3A_124, %add3A_125 : i32
      %mul3A_127 = arith.constant 128 : i32
      %mul3A_128 = arith.muli %add3A_126, %mul3A_127 : i32
      "tpu.region"() ({
        %run_scoped3A = tpu.sem_alloc : memref<!tpu.dma_semaphore, #tpu.memory_space<semaphore_mem>>
        %dma_start3A_129 = arith.constant 7680 : i32
        %dma_start3A_130 = tpu.memref_slice %arg7[%dma_start3A_129] : memref<10240xi32, #tpu.memory_space<vmem>> -> memref<2560xi32, #tpu.memory_space<vmem>>
        %dma_start3A_131 = tpu.memref_slice %arg3[%mul3A_128] : memref<320000xi32, #tpu.memory_space<hbm>> -> memref<2560xi32, #tpu.memory_space<hbm>>
        %dma_start3A_132 = arith.constant 7680 : i32
        %dma_start3A_133 = tpu.memref_slice %arg7[%dma_start3A_132] : memref<10240xi32, #tpu.memory_space<vmem>> -> memref<2560xi32, #tpu.memory_space<vmem>>
        %dma_start3A_134 = tpu.memref_slice %arg3[%mul3A_128] : memref<320000xi32, #tpu.memory_space<hbm>> -> memref<2560xi32, #tpu.memory_space<hbm>>
        tpu.enqueue_dma source(%dma_start3A_134 : memref<2560xi32, #tpu.memory_space<hbm>>) target(%dma_start3A_133 : memref<2560xi32, #tpu.memory_space<vmem>>) target_semaphore(%run_scoped3A : memref<!tpu.dma_semaphore, #tpu.memory_space<semaphore_mem>>)
        %dma_wait3A = arith.constant 7680 : i32
        %dma_wait3A_135 = tpu.memref_slice %arg7[%dma_wait3A] : memref<10240xi32, #tpu.memory_space<vmem>> -> memref<2560xi32, #tpu.memory_space<vmem>>
        %dma_wait3A_136 = tpu.memref_slice %arg3[%mul3A_128] : memref<320000xi32, #tpu.memory_space<hbm>> -> memref<2560xi32, #tpu.memory_space<hbm>>
        %dma_wait3A_137 = arith.constant 7680 : i32
        %dma_wait3A_138 = tpu.memref_slice %arg7[%dma_wait3A_137] : memref<10240xi32, #tpu.memory_space<vmem>> -> memref<2560xi32, #tpu.memory_space<vmem>>
        %dma_wait3A_139 = tpu.memref_slice %arg3[%mul3A_128] : memref<320000xi32, #tpu.memory_space<hbm>> -> memref<2560xi32, #tpu.memory_space<hbm>>
        tpu.wait_dma2 semaphore(%run_scoped3A : memref<!tpu.dma_semaphore, #tpu.memory_space<semaphore_mem>>) src(%dma_wait3A_139 : memref<2560xi32, #tpu.memory_space<hbm>>) dst(%dma_wait3A_138 : memref<2560xi32, #tpu.memory_space<vmem>>)
        tpu.yield
      }) : () -> ()
    } else {
    }
    %mul3A_34 = arith.constant 80 : i32
    %mul3A_35 = arith.muli %add3A, %mul3A_34 : i32
    %add3A_36 = arith.constant 20 : i32
    %add3A_37 = arith.addi %mul3A_35, %add3A_36 : i32
    %le3A_38 = arith.constant 2500 : i32
    %le3A_39 = arith.cmpi sle, %add3A_37, %le3A_38 : i32
    %convert_element_type3A_40 = arith.extui %le3A_39 : i1 to i32
    %cond3A_41 = arith.constant 0 : i32
    %cond3A_42 = arith.cmpi ne, %convert_element_type3A_40, %cond3A_41 : i32
    scf.if %cond3A_42 {
      %mul3A_123 = arith.constant 80 : i32
      %mul3A_124 = arith.muli %add3A, %mul3A_123 : i32
      %add3A_125 = arith.constant 0 : i32
      %add3A_126 = arith.addi %mul3A_124, %add3A_125 : i32
      %mul3A_127 = arith.constant 128 : i32
      %mul3A_128 = arith.muli %add3A_126, %mul3A_127 : i32
      "tpu.region"() ({
        %run_scoped3A = tpu.sem_alloc : memref<!tpu.dma_semaphore, #tpu.memory_space<semaphore_mem>>
        %dma_start3A_129 = arith.constant 0 : i32
        %dma_start3A_130 = tpu.memref_slice %arg8[%dma_start3A_129] : memref<10240xi32, #tpu.memory_space<vmem>> -> memref<2560xi32, #tpu.memory_space<vmem>>
        %dma_start3A_131 = tpu.memref_slice %arg4[%mul3A_128] : memref<320000xi32, #tpu.memory_space<hbm>> -> memref<2560xi32, #tpu.memory_space<hbm>>
        %dma_start3A_132 = arith.constant 0 : i32
        %dma_start3A_133 = tpu.memref_slice %arg8[%dma_start3A_132] : memref<10240xi32, #tpu.memory_space<vmem>> -> memref<2560xi32, #tpu.memory_space<vmem>>
        %dma_start3A_134 = tpu.memref_slice %arg4[%mul3A_128] : memref<320000xi32, #tpu.memory_space<hbm>> -> memref<2560xi32, #tpu.memory_space<hbm>>
        tpu.enqueue_dma source(%dma_start3A_134 : memref<2560xi32, #tpu.memory_space<hbm>>) target(%dma_start3A_133 : memref<2560xi32, #tpu.memory_space<vmem>>) target_semaphore(%run_scoped3A : memref<!tpu.dma_semaphore, #tpu.memory_space<semaphore_mem>>)
        %dma_wait3A = arith.constant 0 : i32
        %dma_wait3A_135 = tpu.memref_slice %arg8[%dma_wait3A] : memref<10240xi32, #tpu.memory_space<vmem>> -> memref<2560xi32, #tpu.memory_space<vmem>>
        %dma_wait3A_136 = tpu.memref_slice %arg4[%mul3A_128] : memref<320000xi32, #tpu.memory_space<hbm>> -> memref<2560xi32, #tpu.memory_space<hbm>>
        %dma_wait3A_137 = arith.constant 0 : i32
        %dma_wait3A_138 = tpu.memref_slice %arg8[%dma_wait3A_137] : memref<10240xi32, #tpu.memory_space<vmem>> -> memref<2560xi32, #tpu.memory_space<vmem>>
        %dma_wait3A_139 = tpu.memref_slice %arg4[%mul3A_128] : memref<320000xi32, #tpu.memory_space<hbm>> -> memref<2560xi32, #tpu.memory_space<hbm>>
        tpu.wait_dma2 semaphore(%run_scoped3A : memref<!tpu.dma_semaphore, #tpu.memory_space<semaphore_mem>>) src(%dma_wait3A_139 : memref<2560xi32, #tpu.memory_space<hbm>>) dst(%dma_wait3A_138 : memref<2560xi32, #tpu.memory_space<vmem>>)
        tpu.yield
      }) : () -> ()
    } else {
    }
    %mul3A_43 = arith.constant 80 : i32
    %mul3A_44 = arith.muli %add3A, %mul3A_43 : i32
    %add3A_45 = arith.constant 40 : i32
    %add3A_46 = arith.addi %mul3A_44, %add3A_45 : i32
    %le3A_47 = arith.constant 2500 : i32
    %le3A_48 = arith.cmpi sle, %add3A_46, %le3A_47 : i32
    %convert_element_type3A_49 = arith.extui %le3A_48 : i1 to i32
    %cond3A_50 = arith.constant 0 : i32
    %cond3A_51 = arith.cmpi ne, %convert_element_type3A_49, %cond3A_50 : i32
    scf.if %cond3A_51 {
      %mul3A_123 = arith.constant 80 : i32
      %mul3A_124 = arith.muli %add3A, %mul3A_123 : i32
      %add3A_125 = arith.constant 20 : i32
      %add3A_126 = arith.addi %mul3A_124, %add3A_125 : i32
      %mul3A_127 = arith.constant 128 : i32
      %mul3A_128 = arith.muli %add3A_126, %mul3A_127 : i32
      "tpu.region"() ({
        %run_scoped3A = tpu.sem_alloc : memref<!tpu.dma_semaphore, #tpu.memory_space<semaphore_mem>>
        %dma_start3A_129 = arith.constant 2560 : i32
        %dma_start3A_130 = tpu.memref_slice %arg8[%dma_start3A_129] : memref<10240xi32, #tpu.memory_space<vmem>> -> memref<2560xi32, #tpu.memory_space<vmem>>
        %dma_start3A_131 = tpu.memref_slice %arg4[%mul3A_128] : memref<320000xi32, #tpu.memory_space<hbm>> -> memref<2560xi32, #tpu.memory_space<hbm>>
        %dma_start3A_132 = arith.constant 2560 : i32
        %dma_start3A_133 = tpu.memref_slice %arg8[%dma_start3A_132] : memref<10240xi32, #tpu.memory_space<vmem>> -> memref<2560xi32, #tpu.memory_space<vmem>>
        %dma_start3A_134 = tpu.memref_slice %arg4[%mul3A_128] : memref<320000xi32, #tpu.memory_space<hbm>> -> memref<2560xi32, #tpu.memory_space<hbm>>
        tpu.enqueue_dma source(%dma_start3A_134 : memref<2560xi32, #tpu.memory_space<hbm>>) target(%dma_start3A_133 : memref<2560xi32, #tpu.memory_space<vmem>>) target_semaphore(%run_scoped3A : memref<!tpu.dma_semaphore, #tpu.memory_space<semaphore_mem>>)
        %dma_wait3A = arith.constant 2560 : i32
        %dma_wait3A_135 = tpu.memref_slice %arg8[%dma_wait3A] : memref<10240xi32, #tpu.memory_space<vmem>> -> memref<2560xi32, #tpu.memory_space<vmem>>
        %dma_wait3A_136 = tpu.memref_slice %arg4[%mul3A_128] : memref<320000xi32, #tpu.memory_space<hbm>> -> memref<2560xi32, #tpu.memory_space<hbm>>
        %dma_wait3A_137 = arith.constant 2560 : i32
        %dma_wait3A_138 = tpu.memref_slice %arg8[%dma_wait3A_137] : memref<10240xi32, #tpu.memory_space<vmem>> -> memref<2560xi32, #tpu.memory_space<vmem>>
        %dma_wait3A_139 = tpu.memref_slice %arg4[%mul3A_128] : memref<320000xi32, #tpu.memory_space<hbm>> -> memref<2560xi32, #tpu.memory_space<hbm>>
        tpu.wait_dma2 semaphore(%run_scoped3A : memref<!tpu.dma_semaphore, #tpu.memory_space<semaphore_mem>>) src(%dma_wait3A_139 : memref<2560xi32, #tpu.memory_space<hbm>>) dst(%dma_wait3A_138 : memref<2560xi32, #tpu.memory_space<vmem>>)
        tpu.yield
      }) : () -> ()
    } else {
    }
    %mul3A_52 = arith.constant 80 : i32
    %mul3A_53 = arith.muli %add3A, %mul3A_52 : i32
    %add3A_54 = arith.constant 60 : i32
    %add3A_55 = arith.addi %mul3A_53, %add3A_54 : i32
    %le3A_56 = arith.constant 2500 : i32
    %le3A_57 = arith.cmpi sle, %add3A_55, %le3A_56 : i32
    %convert_element_type3A_58 = arith.extui %le3A_57 : i1 to i32
    %cond3A_59 = arith.constant 0 : i32
    %cond3A_60 = arith.cmpi ne, %convert_element_type3A_58, %cond3A_59 : i32
    scf.if %cond3A_60 {
      %mul3A_123 = arith.constant 80 : i32
      %mul3A_124 = arith.muli %add3A, %mul3A_123 : i32
      %add3A_125 = arith.constant 40 : i32
      %add3A_126 = arith.addi %mul3A_124, %add3A_125 : i32
      %mul3A_127 = arith.constant 128 : i32
      %mul3A_128 = arith.muli %add3A_126, %mul3A_127 : i32
      "tpu.region"() ({
        %run_scoped3A = tpu.sem_alloc : memref<!tpu.dma_semaphore, #tpu.memory_space<semaphore_mem>>
        %dma_start3A_129 = arith.constant 5120 : i32
        %dma_start3A_130 = tpu.memref_slice %arg8[%dma_start3A_129] : memref<10240xi32, #tpu.memory_space<vmem>> -> memref<2560xi32, #tpu.memory_space<vmem>>
        %dma_start3A_131 = tpu.memref_slice %arg4[%mul3A_128] : memref<320000xi32, #tpu.memory_space<hbm>> -> memref<2560xi32, #tpu.memory_space<hbm>>
        %dma_start3A_132 = arith.constant 5120 : i32
        %dma_start3A_133 = tpu.memref_slice %arg8[%dma_start3A_132] : memref<10240xi32, #tpu.memory_space<vmem>> -> memref<2560xi32, #tpu.memory_space<vmem>>
        %dma_start3A_134 = tpu.memref_slice %arg4[%mul3A_128] : memref<320000xi32, #tpu.memory_space<hbm>> -> memref<2560xi32, #tpu.memory_space<hbm>>
        tpu.enqueue_dma source(%dma_start3A_134 : memref<2560xi32, #tpu.memory_space<hbm>>) target(%dma_start3A_133 : memref<2560xi32, #tpu.memory_space<vmem>>) target_semaphore(%run_scoped3A : memref<!tpu.dma_semaphore, #tpu.memory_space<semaphore_mem>>)
        %dma_wait3A = arith.constant 5120 : i32
        %dma_wait3A_135 = tpu.memref_slice %arg8[%dma_wait3A] : memref<10240xi32, #tpu.memory_space<vmem>> -> memref<2560xi32, #tpu.memory_space<vmem>>
        %dma_wait3A_136 = tpu.memref_slice %arg4[%mul3A_128] : memref<320000xi32, #tpu.memory_space<hbm>> -> memref<2560xi32, #tpu.memory_space<hbm>>
        %dma_wait3A_137 = arith.constant 5120 : i32
        %dma_wait3A_138 = tpu.memref_slice %arg8[%dma_wait3A_137] : memref<10240xi32, #tpu.memory_space<vmem>> -> memref<2560xi32, #tpu.memory_space<vmem>>
        %dma_wait3A_139 = tpu.memref_slice %arg4[%mul3A_128] : memref<320000xi32, #tpu.memory_space<hbm>> -> memref<2560xi32, #tpu.memory_space<hbm>>
        tpu.wait_dma2 semaphore(%run_scoped3A : memref<!tpu.dma_semaphore, #tpu.memory_space<semaphore_mem>>) src(%dma_wait3A_139 : memref<2560xi32, #tpu.memory_space<hbm>>) dst(%dma_wait3A_138 : memref<2560xi32, #tpu.memory_space<vmem>>)
        tpu.yield
      }) : () -> ()
    } else {
    }
    %mul3A_61 = arith.constant 80 : i32
    %mul3A_62 = arith.muli %add3A, %mul3A_61 : i32
    %add3A_63 = arith.constant 80 : i32
    %add3A_64 = arith.addi %mul3A_62, %add3A_63 : i32
    %le3A_65 = arith.constant 2500 : i32
    %le3A_66 = arith.cmpi sle, %add3A_64, %le3A_65 : i32
    %convert_element_type3A_67 = arith.extui %le3A_66 : i1 to i32
    %cond3A_68 = arith.constant 0 : i32
    %cond3A_69 = arith.cmpi ne, %convert_element_type3A_67, %cond3A_68 : i32
    scf.if %cond3A_69 {
      %mul3A_123 = arith.constant 80 : i32
      %mul3A_124 = arith.muli %add3A, %mul3A_123 : i32
      %add3A_125 = arith.constant 60 : i32
      %add3A_126 = arith.addi %mul3A_124, %add3A_125 : i32
      %mul3A_127 = arith.constant 128 : i32
      %mul3A_128 = arith.muli %add3A_126, %mul3A_127 : i32
      "tpu.region"() ({
        %run_scoped3A = tpu.sem_alloc : memref<!tpu.dma_semaphore, #tpu.memory_space<semaphore_mem>>
        %dma_start3A_129 = arith.constant 7680 : i32
        %dma_start3A_130 = tpu.memref_slice %arg8[%dma_start3A_129] : memref<10240xi32, #tpu.memory_space<vmem>> -> memref<2560xi32, #tpu.memory_space<vmem>>
        %dma_start3A_131 = tpu.memref_slice %arg4[%mul3A_128] : memref<320000xi32, #tpu.memory_space<hbm>> -> memref<2560xi32, #tpu.memory_space<hbm>>
        %dma_start3A_132 = arith.constant 7680 : i32
        %dma_start3A_133 = tpu.memref_slice %arg8[%dma_start3A_132] : memref<10240xi32, #tpu.memory_space<vmem>> -> memref<2560xi32, #tpu.memory_space<vmem>>
        %dma_start3A_134 = tpu.memref_slice %arg4[%mul3A_128] : memref<320000xi32, #tpu.memory_space<hbm>> -> memref<2560xi32, #tpu.memory_space<hbm>>
        tpu.enqueue_dma source(%dma_start3A_134 : memref<2560xi32, #tpu.memory_space<hbm>>) target(%dma_start3A_133 : memref<2560xi32, #tpu.memory_space<vmem>>) target_semaphore(%run_scoped3A : memref<!tpu.dma_semaphore, #tpu.memory_space<semaphore_mem>>)
        %dma_wait3A = arith.constant 7680 : i32
        %dma_wait3A_135 = tpu.memref_slice %arg8[%dma_wait3A] : memref<10240xi32, #tpu.memory_space<vmem>> -> memref<2560xi32, #tpu.memory_space<vmem>>
        %dma_wait3A_136 = tpu.memref_slice %arg4[%mul3A_128] : memref<320000xi32, #tpu.memory_space<hbm>> -> memref<2560xi32, #tpu.memory_space<hbm>>
        %dma_wait3A_137 = arith.constant 7680 : i32
        %dma_wait3A_138 = tpu.memref_slice %arg8[%dma_wait3A_137] : memref<10240xi32, #tpu.memory_space<vmem>> -> memref<2560xi32, #tpu.memory_space<vmem>>
        %dma_wait3A_139 = tpu.memref_slice %arg4[%mul3A_128] : memref<320000xi32, #tpu.memory_space<hbm>> -> memref<2560xi32, #tpu.memory_space<hbm>>
        tpu.wait_dma2 semaphore(%run_scoped3A : memref<!tpu.dma_semaphore, #tpu.memory_space<semaphore_mem>>) src(%dma_wait3A_139 : memref<2560xi32, #tpu.memory_space<hbm>>) dst(%dma_wait3A_138 : memref<2560xi32, #tpu.memory_space<vmem>>)
        tpu.yield
      }) : () -> ()
    } else {
    }
    %mul3A_70 = arith.constant 632 : i32
    %mul3A_71 = arith.muli %arg1, %mul3A_70 : i32
    %mul3A_72 = arith.constant 632 : i32
    %mul3A_73 = arith.muli %arg1, %mul3A_72 : i32
    "tpu.region"() ({
      %run_scoped3A = tpu.sem_alloc : memref<!tpu.dma_semaphore, #tpu.memory_space<semaphore_mem>>
      %dma_start3A_123 = arith.constant 0 : i32
      %dma_start3A_124 = tpu.memref_slice %arg13[%mul3A_73, %dma_start3A_123] : memref<10112x8xf32, #tpu.memory_space<vmem_shared>> -> memref<632x8xf32, #tpu.memory_space<vmem_shared>>
      %dma_start3A_125 = arith.constant 0 : i32
      %dma_start3A_126 = tpu.memref_slice %arg2[%mul3A_71, %dma_start3A_125] : memref<10112x8xf32, #tpu.memory_space<hbm>> -> memref<632x8xf32, #tpu.memory_space<hbm>>
      tpu.enqueue_dma source(%dma_start3A_126 : memref<632x8xf32, #tpu.memory_space<hbm>>) target(%dma_start3A_124 : memref<632x8xf32, #tpu.memory_space<vmem_shared>>) target_semaphore(%run_scoped3A : memref<!tpu.dma_semaphore, #tpu.memory_space<semaphore_mem>>)
      %dma_wait3A = arith.constant 0 : i32
      %dma_wait3A_127 = tpu.memref_slice %arg13[%mul3A_73, %dma_wait3A] : memref<10112x8xf32, #tpu.memory_space<vmem_shared>> -> memref<632x8xf32, #tpu.memory_space<vmem_shared>>
      %dma_wait3A_128 = arith.constant 0 : i32
      %dma_wait3A_129 = tpu.memref_slice %arg2[%mul3A_71, %dma_wait3A_128] : memref<10112x8xf32, #tpu.memory_space<hbm>> -> memref<632x8xf32, #tpu.memory_space<hbm>>
      tpu.wait_dma2 semaphore(%run_scoped3A : memref<!tpu.dma_semaphore, #tpu.memory_space<semaphore_mem>>) src(%dma_wait3A_129 : memref<632x8xf32, #tpu.memory_space<hbm>>) dst(%dma_wait3A_127 : memref<632x8xf32, #tpu.memory_space<vmem_shared>>)
      tpu.yield
    }) : () -> ()
    %mul3A_74 = arith.constant 632 : i32
    %mul3A_75 = arith.muli %arg1, %mul3A_74 : i32
    "tpu.region"() ({
      %run_scoped3A = tpu.sem_alloc : memref<!tpu.dma_semaphore, #tpu.memory_space<semaphore_mem>>
      %dma_start3A_123 = arith.constant 0 : i32
      %dma_start3A_124 = tpu.memref_slice %arg5[%mul3A_75, %dma_start3A_123] : memref<10112x8xf32, #tpu.memory_space<hbm>> -> memref<632x8xf32, #tpu.memory_space<hbm>>
      %dma_start3A_125 = arith.constant 0 : i32
      %dma_start3A_126 = tpu.memref_slice %arg5[%mul3A_75, %dma_start3A_125] : memref<10112x8xf32, #tpu.memory_space<hbm>> -> memref<632x8xf32, #tpu.memory_space<hbm>>
      tpu.enqueue_dma source(%dma_start3A_126 : memref<632x8xf32, #tpu.memory_space<hbm>>) target(%arg11 : memref<632x8xf32, #tpu.memory_space<vmem>>) target_semaphore(%run_scoped3A : memref<!tpu.dma_semaphore, #tpu.memory_space<semaphore_mem>>)
      %dma_wait3A = arith.constant 0 : i32
      %dma_wait3A_127 = tpu.memref_slice %arg5[%mul3A_75, %dma_wait3A] : memref<10112x8xf32, #tpu.memory_space<hbm>> -> memref<632x8xf32, #tpu.memory_space<hbm>>
      %dma_wait3A_128 = arith.constant 0 : i32
      %dma_wait3A_129 = tpu.memref_slice %arg5[%mul3A_75, %dma_wait3A_128] : memref<10112x8xf32, #tpu.memory_space<hbm>> -> memref<632x8xf32, #tpu.memory_space<hbm>>
      tpu.wait_dma2 semaphore(%run_scoped3A : memref<!tpu.dma_semaphore, #tpu.memory_space<semaphore_mem>>) src(%dma_wait3A_129 : memref<632x8xf32, #tpu.memory_space<hbm>>) dst(%arg11 : memref<632x8xf32, #tpu.memory_space<vmem>>)
      tpu.yield
    }) : () -> ()
    %mul3A_76 = arith.constant 632 : i32
    %mul3A_77 = arith.muli %arg1, %mul3A_76 : i32
    "tpu.region"() ({
      %run_scoped3A = tpu.sem_alloc : memref<!tpu.dma_semaphore, #tpu.memory_space<semaphore_mem>>
      %dma_start3A_123 = arith.constant 0 : i32
      %dma_start3A_124 = tpu.memref_slice %arg12[%mul3A_77, %dma_start3A_123] : memref<10112x8xf32, #tpu.memory_space<vmem_shared>> -> memref<632x8xf32, #tpu.memory_space<vmem_shared>>
      %dma_start3A_125 = arith.constant 0 : i32
      %dma_start3A_126 = tpu.memref_slice %arg12[%mul3A_77, %dma_start3A_125] : memref<10112x8xf32, #tpu.memory_space<vmem_shared>> -> memref<632x8xf32, #tpu.memory_space<vmem_shared>>
      tpu.enqueue_dma source(%arg11 : memref<632x8xf32, #tpu.memory_space<vmem>>) target(%dma_start3A_126 : memref<632x8xf32, #tpu.memory_space<vmem_shared>>) target_semaphore(%run_scoped3A : memref<!tpu.dma_semaphore, #tpu.memory_space<semaphore_mem>>)
      %dma_wait3A = arith.constant 0 : i32
      %dma_wait3A_127 = tpu.memref_slice %arg12[%mul3A_77, %dma_wait3A] : memref<10112x8xf32, #tpu.memory_space<vmem_shared>> -> memref<632x8xf32, #tpu.memory_space<vmem_shared>>
      %dma_wait3A_128 = arith.constant 0 : i32
      %dma_wait3A_129 = tpu.memref_slice %arg12[%mul3A_77, %dma_wait3A_128] : memref<10112x8xf32, #tpu.memory_space<vmem_shared>> -> memref<632x8xf32, #tpu.memory_space<vmem_shared>>
      tpu.wait_dma2 semaphore(%run_scoped3A : memref<!tpu.dma_semaphore, #tpu.memory_space<semaphore_mem>>) src(%arg11 : memref<632x8xf32, #tpu.memory_space<vmem>>) dst(%dma_wait3A_129 : memref<632x8xf32, #tpu.memory_space<vmem_shared>>)
      tpu.yield
    }) : () -> ()
    %barrier3A = arith.constant 0 : index
    tpu.barrier barrier_id(%barrier3A)
    %mul3A_78 = arith.constant 80 : i32
    %mul3A_79 = arith.muli %add3A, %mul3A_78 : i32
    %sub3A = arith.constant 2500 : i32
    %sub3A_80 = arith.subi %sub3A, %mul3A_79 : i32
    %min3A = arith.constant 80 : i32
    %min3A_81 = arith.minsi %min3A, %sub3A_80 : i32
    %max3A = arith.constant 0 : i32
    %max3A_82 = arith.maxsi %max3A, %min3A_81 : i32
    %dma_start3A = arith.constant 0 : i32
    %dma_start3A_83 = tpu.memref_slice %arg7[%dma_start3A] : memref<10240xi32, #tpu.memory_space<vmem>> -> memref<128xi32, #tpu.memory_space<vmem>>
    %dma_start3A_84 = arith.constant 0 : i32
    %dma_start3A_85 = arith.constant 0 : i32
    %dma_start3A_86 = tpu.memref_slice %arg13[%dma_start3A_84, %dma_start3A_85] : memref<10112x8xf32, #tpu.memory_space<vmem_shared>> -> memref<10112x8xf32, #tpu.memory_space<vmem_shared>>
    tpu.enqueue_indirect_dma source(%dma_start3A_86 : memref<10112x8xf32, #tpu.memory_space<vmem_shared>>) target(%arg9 : memref<128x8xf32, #tpu.memory_space<vmem>>) offsets(%dma_start3A_83 : memref<128xi32, #tpu.memory_space<vmem>>) semaphore(%arg14 : memref<!tpu.dma_semaphore, #tpu.memory_space<semaphore_mem>>)
    %dma_start3A_87 = arith.constant 128 : i32
    %dma_start3A_88 = tpu.memref_slice %arg7[%dma_start3A_87] : memref<10240xi32, #tpu.memory_space<vmem>> -> memref<128xi32, #tpu.memory_space<vmem>>
    %dma_start3A_89 = arith.constant 0 : i32
    %dma_start3A_90 = arith.constant 0 : i32
    %dma_start3A_91 = tpu.memref_slice %arg13[%dma_start3A_89, %dma_start3A_90] : memref<10112x8xf32, #tpu.memory_space<vmem_shared>> -> memref<10112x8xf32, #tpu.memory_space<vmem_shared>>
    tpu.enqueue_indirect_dma source(%dma_start3A_91 : memref<10112x8xf32, #tpu.memory_space<vmem_shared>>) target(%arg10 : memref<128x8xf32, #tpu.memory_space<vmem>>) offsets(%dma_start3A_88 : memref<128xi32, #tpu.memory_space<vmem>>) semaphore(%arg14 : memref<!tpu.dma_semaphore, #tpu.memory_space<semaphore_mem>>)
    %jit3A = arith.constant 2 : i32
    %div3A = arith.divsi %max3A_82, %jit3A : i32
    %sign3A = arith.constant 0 : i32
    %sign3A_92 = arith.cmpi sgt, %max3A_82, %sign3A : i32
    %sign3A_93 = arith.extui %sign3A_92 : i1 to i32
    %sign3A_94 = arith.constant 0 : i32
    %sign3A_95 = arith.cmpi slt, %max3A_82, %sign3A_94 : i32
    %sign3A_96 = arith.extui %sign3A_95 : i1 to i32
    %sign3A_97 = arith.subi %sign3A_93, %sign3A_96 : i32
    %sign3A_98 = arith.constant 0 : i32
    %sign3A_99 = arith.cmpi sgt, %jit3A, %sign3A_98 : i32
    %sign3A_100 = arith.extui %sign3A_99 : i1 to i32
    %sign3A_101 = arith.constant 0 : i32
    %sign3A_102 = arith.cmpi slt, %jit3A, %sign3A_101 : i32
    %sign3A_103 = arith.extui %sign3A_102 : i1 to i32
    %sign3A_104 = arith.subi %sign3A_100, %sign3A_103 : i32
    %ne3A = arith.cmpi ne, %sign3A_97, %sign3A_104 : i32
    %rem3A = arith.remsi %max3A_82, %jit3A : i32
    %ne3A_105 = arith.constant 0 : i32
    %ne3A_106 = arith.cmpi ne, %rem3A, %ne3A_105 : i32
    %and3A = arith.andi %ne3A, %ne3A_106 : i1
    %sub3A_107 = arith.constant 1 : i32
    %sub3A_108 = arith.subi %div3A, %sub3A_107 : i32
    %select_n3A = arith.select %and3A, %sub3A_108, %div3A : i32
    %while3A = arith.constant 0 : i32
    %while3A_109 = arith.constant 0 : i32
    %while3A_110 = arith.subi %select_n3A, %while3A_109 : i32
    %while3A_111 = arith.addi %while3A_109, %while3A_110 : i32
    %while3A_112 = arith.constant 1 : i32
    %while3A_113 = arith.divsi %while3A_110, %while3A_112 : i32
    %while3A_114 = arith.muli %while3A_113, %while3A_112 : i32
    %while3A_115 = arith.addi %while3A_109, %while3A_114 : i32
    %while3A_116 = arith.constant 1 : i32
    scf.for %while3A_123 = %while3A_109 to %while3A_115 step %while3A_116  : i32 {
      %mul3A_124 = arith.constant 2 : i32
      %mul3A_125 = arith.muli %while3A_123, %mul3A_124 : i32
      %add3A_126 = arith.constant 0 : i32
      %add3A_127 = arith.addi %mul3A_125, %add3A_126 : i32
      %mul3A_128 = arith.constant 128 : i32
      %mul3A_129 = arith.muli %add3A_127, %mul3A_128 : i32
      %dma_wait3A = tpu.memref_slice %arg7[%mul3A_129] : memref<10240xi32, #tpu.memory_space<vmem>> -> memref<128xi32, #tpu.memory_space<vmem>>
      %dma_wait3A_130 = arith.constant 0 : i32
      %dma_wait3A_131 = arith.constant 0 : i32
      %dma_wait3A_132 = tpu.memref_slice %arg13[%dma_wait3A_130, %dma_wait3A_131] : memref<10112x8xf32, #tpu.memory_space<vmem_shared>> -> memref<10112x8xf32, #tpu.memory_space<vmem_shared>>
      tpu.wait_indirect_dma semaphore(%arg14 : memref<!tpu.dma_semaphore, #tpu.memory_space<semaphore_mem>>) src(%dma_wait3A_132 : memref<10112x8xf32, #tpu.memory_space<vmem_shared>>) dst(%arg9 : memref<128x8xf32, #tpu.memory_space<vmem>>)
      %mul3A_133 = arith.constant 128 : i32
      %mul3A_134 = arith.muli %add3A_127, %mul3A_133 : i32
      "tpu.region"() ({
        %run_scoped3A = tpu.sem_alloc : memref<!tpu.dma_semaphore, #tpu.memory_space<semaphore_mem>>
        %dma_start3A_158 = tpu.memref_slice %arg8[%mul3A_134] : memref<10240xi32, #tpu.memory_space<vmem>> -> memref<128xi32, #tpu.memory_space<vmem>>
        %dma_start3A_159 = arith.constant 0 : i32
        %dma_start3A_160 = arith.constant 0 : i32
        %dma_start3A_161 = tpu.memref_slice %arg12[%dma_start3A_159, %dma_start3A_160] : memref<10112x8xf32, #tpu.memory_space<vmem_shared>> -> memref<10112x8xf32, #tpu.memory_space<vmem_shared>>
        tpu.enqueue_indirect_dma source(%arg9 : memref<128x8xf32, #tpu.memory_space<vmem>>) target(%dma_start3A_161 : memref<10112x8xf32, #tpu.memory_space<vmem_shared>>) offsets(%dma_start3A_158 : memref<128xi32, #tpu.memory_space<vmem>>) semaphore(%run_scoped3A : memref<!tpu.dma_semaphore, #tpu.memory_space<semaphore_mem>>) {add = true}
        %dma_wait3A_162 = tpu.memref_slice %arg8[%mul3A_134] : memref<10240xi32, #tpu.memory_space<vmem>> -> memref<128xi32, #tpu.memory_space<vmem>>
        %dma_wait3A_163 = arith.constant 0 : i32
        %dma_wait3A_164 = arith.constant 0 : i32
        %dma_wait3A_165 = tpu.memref_slice %arg12[%dma_wait3A_163, %dma_wait3A_164] : memref<10112x8xf32, #tpu.memory_space<vmem_shared>> -> memref<10112x8xf32, #tpu.memory_space<vmem_shared>>
        tpu.wait_indirect_dma semaphore(%run_scoped3A : memref<!tpu.dma_semaphore, #tpu.memory_space<semaphore_mem>>) src(%arg9 : memref<128x8xf32, #tpu.memory_space<vmem>>) dst(%dma_wait3A_165 : memref<10112x8xf32, #tpu.memory_space<vmem_shared>>)
        tpu.yield
      }) : () -> ()
      %add3A_135 = arith.constant 2 : i32
      %add3A_136 = arith.addi %add3A_127, %add3A_135 : i32
      %lt3A = arith.cmpi slt, %add3A_136, %max3A_82 : i32
      %convert_element_type3A_137 = arith.extui %lt3A : i1 to i32
      %cond3A_138 = arith.constant 0 : i32
      %cond3A_139 = arith.cmpi ne, %convert_element_type3A_137, %cond3A_138 : i32
      scf.if %cond3A_139 {
        %add3A_158 = arith.constant 2 : i32
        %add3A_159 = arith.addi %add3A_127, %add3A_158 : i32
        %mul3A_160 = arith.constant 128 : i32
        %mul3A_161 = arith.muli %add3A_159, %mul3A_160 : i32
        %dma_start3A_162 = tpu.memref_slice %arg7[%mul3A_161] : memref<10240xi32, #tpu.memory_space<vmem>> -> memref<128xi32, #tpu.memory_space<vmem>>
        %dma_start3A_163 = arith.constant 0 : i32
        %dma_start3A_164 = arith.constant 0 : i32
        %dma_start3A_165 = tpu.memref_slice %arg13[%dma_start3A_163, %dma_start3A_164] : memref<10112x8xf32, #tpu.memory_space<vmem_shared>> -> memref<10112x8xf32, #tpu.memory_space<vmem_shared>>
        tpu.enqueue_indirect_dma source(%dma_start3A_165 : memref<10112x8xf32, #tpu.memory_space<vmem_shared>>) target(%arg9 : memref<128x8xf32, #tpu.memory_space<vmem>>) offsets(%dma_start3A_162 : memref<128xi32, #tpu.memory_space<vmem>>) semaphore(%arg14 : memref<!tpu.dma_semaphore, #tpu.memory_space<semaphore_mem>>)
      } else {
      }
      %mul3A_140 = arith.constant 2 : i32
      %mul3A_141 = arith.muli %while3A_123, %mul3A_140 : i32
      %add3A_142 = arith.constant 1 : i32
      %add3A_143 = arith.addi %mul3A_141, %add3A_142 : i32
      %mul3A_144 = arith.constant 128 : i32
      %mul3A_145 = arith.muli %add3A_143, %mul3A_144 : i32
      %dma_wait3A_146 = tpu.memref_slice %arg7[%mul3A_145] : memref<10240xi32, #tpu.memory_space<vmem>> -> memref<128xi32, #tpu.memory_space<vmem>>
      %dma_wait3A_147 = arith.constant 0 : i32
      %dma_wait3A_148 = arith.constant 0 : i32
      %dma_wait3A_149 = tpu.memref_slice %arg13[%dma_wait3A_147, %dma_wait3A_148] : memref<10112x8xf32, #tpu.memory_space<vmem_shared>> -> memref<10112x8xf32, #tpu.memory_space<vmem_shared>>
      tpu.wait_indirect_dma semaphore(%arg14 : memref<!tpu.dma_semaphore, #tpu.memory_space<semaphore_mem>>) src(%dma_wait3A_149 : memref<10112x8xf32, #tpu.memory_space<vmem_shared>>) dst(%arg10 : memref<128x8xf32, #tpu.memory_space<vmem>>)
      %mul3A_150 = arith.constant 128 : i32
      %mul3A_151 = arith.muli %add3A_143, %mul3A_150 : i32
      "tpu.region"() ({
        %run_scoped3A = tpu.sem_alloc : memref<!tpu.dma_semaphore, #tpu.memory_space<semaphore_mem>>
        %dma_start3A_158 = tpu.memref_slice %arg8[%mul3A_151] : memref<10240xi32, #tpu.memory_space<vmem>> -> memref<128xi32, #tpu.memory_space<vmem>>
        %dma_start3A_159 = arith.constant 0 : i32
        %dma_start3A_160 = arith.constant 0 : i32
        %dma_start3A_161 = tpu.memref_slice %arg12[%dma_start3A_159, %dma_start3A_160] : memref<10112x8xf32, #tpu.memory_space<vmem_shared>> -> memref<10112x8xf32, #tpu.memory_space<vmem_shared>>
        tpu.enqueue_indirect_dma source(%arg10 : memref<128x8xf32, #tpu.memory_space<vmem>>) target(%dma_start3A_161 : memref<10112x8xf32, #tpu.memory_space<vmem_shared>>) offsets(%dma_start3A_158 : memref<128xi32, #tpu.memory_space<vmem>>) semaphore(%run_scoped3A : memref<!tpu.dma_semaphore, #tpu.memory_space<semaphore_mem>>) {add = true}
        %dma_wait3A_162 = tpu.memref_slice %arg8[%mul3A_151] : memref<10240xi32, #tpu.memory_space<vmem>> -> memref<128xi32, #tpu.memory_space<vmem>>
        %dma_wait3A_163 = arith.constant 0 : i32
        %dma_wait3A_164 = arith.constant 0 : i32
        %dma_wait3A_165 = tpu.memref_slice %arg12[%dma_wait3A_163, %dma_wait3A_164] : memref<10112x8xf32, #tpu.memory_space<vmem_shared>> -> memref<10112x8xf32, #tpu.memory_space<vmem_shared>>
        tpu.wait_indirect_dma semaphore(%run_scoped3A : memref<!tpu.dma_semaphore, #tpu.memory_space<semaphore_mem>>) src(%arg10 : memref<128x8xf32, #tpu.memory_space<vmem>>) dst(%dma_wait3A_165 : memref<10112x8xf32, #tpu.memory_space<vmem_shared>>)
        tpu.yield
      }) : () -> ()
      %add3A_152 = arith.constant 2 : i32
      %add3A_153 = arith.addi %add3A_143, %add3A_152 : i32
      %lt3A_154 = arith.cmpi slt, %add3A_153, %max3A_82 : i32
      %convert_element_type3A_155 = arith.extui %lt3A_154 : i1 to i32
      %cond3A_156 = arith.constant 0 : i32
      %cond3A_157 = arith.cmpi ne, %convert_element_type3A_155, %cond3A_156 : i32
      scf.if %cond3A_157 {
        %add3A_158 = arith.constant 2 : i32
        %add3A_159 = arith.addi %add3A_143, %add3A_158 : i32
        %mul3A_160 = arith.constant 128 : i32
        %mul3A_161 = arith.muli %add3A_159, %mul3A_160 : i32
        %dma_start3A_162 = tpu.memref_slice %arg7[%mul3A_161] : memref<10240xi32, #tpu.memory_space<vmem>> -> memref<128xi32, #tpu.memory_space<vmem>>
        %dma_start3A_163 = arith.constant 0 : i32
        %dma_start3A_164 = arith.constant 0 : i32
        %dma_start3A_165 = tpu.memref_slice %arg13[%dma_start3A_163, %dma_start3A_164] : memref<10112x8xf32, #tpu.memory_space<vmem_shared>> -> memref<10112x8xf32, #tpu.memory_space<vmem_shared>>
        tpu.enqueue_indirect_dma source(%dma_start3A_165 : memref<10112x8xf32, #tpu.memory_space<vmem_shared>>) target(%arg10 : memref<128x8xf32, #tpu.memory_space<vmem>>) offsets(%dma_start3A_162 : memref<128xi32, #tpu.memory_space<vmem>>) semaphore(%arg14 : memref<!tpu.dma_semaphore, #tpu.memory_space<semaphore_mem>>)
      } else {
      }
    }
    %while3A_117 = arith.constant 1 : i32
    scf.for %while3A_123 = %while3A_115 to %while3A_111 step %while3A_117  : i32 {
      %mul3A_124 = arith.constant 2 : i32
      %mul3A_125 = arith.muli %while3A_123, %mul3A_124 : i32
      %add3A_126 = arith.constant 0 : i32
      %add3A_127 = arith.addi %mul3A_125, %add3A_126 : i32
      %mul3A_128 = arith.constant 128 : i32
      %mul3A_129 = arith.muli %add3A_127, %mul3A_128 : i32
      %dma_wait3A = tpu.memref_slice %arg7[%mul3A_129] : memref<10240xi32, #tpu.memory_space<vmem>> -> memref<128xi32, #tpu.memory_space<vmem>>
      %dma_wait3A_130 = arith.constant 0 : i32
      %dma_wait3A_131 = arith.constant 0 : i32
      %dma_wait3A_132 = tpu.memref_slice %arg13[%dma_wait3A_130, %dma_wait3A_131] : memref<10112x8xf32, #tpu.memory_space<vmem_shared>> -> memref<10112x8xf32, #tpu.memory_space<vmem_shared>>
      tpu.wait_indirect_dma semaphore(%arg14 : memref<!tpu.dma_semaphore, #tpu.memory_space<semaphore_mem>>) src(%dma_wait3A_132 : memref<10112x8xf32, #tpu.memory_space<vmem_shared>>) dst(%arg9 : memref<128x8xf32, #tpu.memory_space<vmem>>)
      %mul3A_133 = arith.constant 128 : i32
      %mul3A_134 = arith.muli %add3A_127, %mul3A_133 : i32
      "tpu.region"() ({
        %run_scoped3A = tpu.sem_alloc : memref<!tpu.dma_semaphore, #tpu.memory_space<semaphore_mem>>
        %dma_start3A_158 = tpu.memref_slice %arg8[%mul3A_134] : memref<10240xi32, #tpu.memory_space<vmem>> -> memref<128xi32, #tpu.memory_space<vmem>>
        %dma_start3A_159 = arith.constant 0 : i32
        %dma_start3A_160 = arith.constant 0 : i32
        %dma_start3A_161 = tpu.memref_slice %arg12[%dma_start3A_159, %dma_start3A_160] : memref<10112x8xf32, #tpu.memory_space<vmem_shared>> -> memref<10112x8xf32, #tpu.memory_space<vmem_shared>>
        tpu.enqueue_indirect_dma source(%arg9 : memref<128x8xf32, #tpu.memory_space<vmem>>) target(%dma_start3A_161 : memref<10112x8xf32, #tpu.memory_space<vmem_shared>>) offsets(%dma_start3A_158 : memref<128xi32, #tpu.memory_space<vmem>>) semaphore(%run_scoped3A : memref<!tpu.dma_semaphore, #tpu.memory_space<semaphore_mem>>) {add = true}
        %dma_wait3A_162 = tpu.memref_slice %arg8[%mul3A_134] : memref<10240xi32, #tpu.memory_space<vmem>> -> memref<128xi32, #tpu.memory_space<vmem>>
        %dma_wait3A_163 = arith.constant 0 : i32
        %dma_wait3A_164 = arith.constant 0 : i32
        %dma_wait3A_165 = tpu.memref_slice %arg12[%dma_wait3A_163, %dma_wait3A_164] : memref<10112x8xf32, #tpu.memory_space<vmem_shared>> -> memref<10112x8xf32, #tpu.memory_space<vmem_shared>>
        tpu.wait_indirect_dma semaphore(%run_scoped3A : memref<!tpu.dma_semaphore, #tpu.memory_space<semaphore_mem>>) src(%arg9 : memref<128x8xf32, #tpu.memory_space<vmem>>) dst(%dma_wait3A_165 : memref<10112x8xf32, #tpu.memory_space<vmem_shared>>)
        tpu.yield
      }) : () -> ()
      %add3A_135 = arith.constant 2 : i32
      %add3A_136 = arith.addi %add3A_127, %add3A_135 : i32
      %lt3A = arith.cmpi slt, %add3A_136, %max3A_82 : i32
      %convert_element_type3A_137 = arith.extui %lt3A : i1 to i32
      %cond3A_138 = arith.constant 0 : i32
      %cond3A_139 = arith.cmpi ne, %convert_element_type3A_137, %cond3A_138 : i32
      scf.if %cond3A_139 {
        %add3A_158 = arith.constant 2 : i32
        %add3A_159 = arith.addi %add3A_127, %add3A_158 : i32
        %mul3A_160 = arith.constant 128 : i32
        %mul3A_161 = arith.muli %add3A_159, %mul3A_160 : i32
        %dma_start3A_162 = tpu.memref_slice %arg7[%mul3A_161] : memref<10240xi32, #tpu.memory_space<vmem>> -> memref<128xi32, #tpu.memory_space<vmem>>
        %dma_start3A_163 = arith.constant 0 : i32
        %dma_start3A_164 = arith.constant 0 : i32
        %dma_start3A_165 = tpu.memref_slice %arg13[%dma_start3A_163, %dma_start3A_164] : memref<10112x8xf32, #tpu.memory_space<vmem_shared>> -> memref<10112x8xf32, #tpu.memory_space<vmem_shared>>
        tpu.enqueue_indirect_dma source(%dma_start3A_165 : memref<10112x8xf32, #tpu.memory_space<vmem_shared>>) target(%arg9 : memref<128x8xf32, #tpu.memory_space<vmem>>) offsets(%dma_start3A_162 : memref<128xi32, #tpu.memory_space<vmem>>) semaphore(%arg14 : memref<!tpu.dma_semaphore, #tpu.memory_space<semaphore_mem>>)
      } else {
      }
      %mul3A_140 = arith.constant 2 : i32
      %mul3A_141 = arith.muli %while3A_123, %mul3A_140 : i32
      %add3A_142 = arith.constant 1 : i32
      %add3A_143 = arith.addi %mul3A_141, %add3A_142 : i32
      %mul3A_144 = arith.constant 128 : i32
      %mul3A_145 = arith.muli %add3A_143, %mul3A_144 : i32
      %dma_wait3A_146 = tpu.memref_slice %arg7[%mul3A_145] : memref<10240xi32, #tpu.memory_space<vmem>> -> memref<128xi32, #tpu.memory_space<vmem>>
      %dma_wait3A_147 = arith.constant 0 : i32
      %dma_wait3A_148 = arith.constant 0 : i32
      %dma_wait3A_149 = tpu.memref_slice %arg13[%dma_wait3A_147, %dma_wait3A_148] : memref<10112x8xf32, #tpu.memory_space<vmem_shared>> -> memref<10112x8xf32, #tpu.memory_space<vmem_shared>>
      tpu.wait_indirect_dma semaphore(%arg14 : memref<!tpu.dma_semaphore, #tpu.memory_space<semaphore_mem>>) src(%dma_wait3A_149 : memref<10112x8xf32, #tpu.memory_space<vmem_shared>>) dst(%arg10 : memref<128x8xf32, #tpu.memory_space<vmem>>)
      %mul3A_150 = arith.constant 128 : i32
      %mul3A_151 = arith.muli %add3A_143, %mul3A_150 : i32
      "tpu.region"() ({
        %run_scoped3A = tpu.sem_alloc : memref<!tpu.dma_semaphore, #tpu.memory_space<semaphore_mem>>
        %dma_start3A_158 = tpu.memref_slice %arg8[%mul3A_151] : memref<10240xi32, #tpu.memory_space<vmem>> -> memref<128xi32, #tpu.memory_space<vmem>>
        %dma_start3A_159 = arith.constant 0 : i32
        %dma_start3A_160 = arith.constant 0 : i32
        %dma_start3A_161 = tpu.memref_slice %arg12[%dma_start3A_159, %dma_start3A_160] : memref<10112x8xf32, #tpu.memory_space<vmem_shared>> -> memref<10112x8xf32, #tpu.memory_space<vmem_shared>>
        tpu.enqueue_indirect_dma source(%arg10 : memref<128x8xf32, #tpu.memory_space<vmem>>) target(%dma_start3A_161 : memref<10112x8xf32, #tpu.memory_space<vmem_shared>>) offsets(%dma_start3A_158 : memref<128xi32, #tpu.memory_space<vmem>>) semaphore(%run_scoped3A : memref<!tpu.dma_semaphore, #tpu.memory_space<semaphore_mem>>) {add = true}
        %dma_wait3A_162 = tpu.memref_slice %arg8[%mul3A_151] : memref<10240xi32, #tpu.memory_space<vmem>> -> memref<128xi32, #tpu.memory_space<vmem>>
        %dma_wait3A_163 = arith.constant 0 : i32
        %dma_wait3A_164 = arith.constant 0 : i32
        %dma_wait3A_165 = tpu.memref_slice %arg12[%dma_wait3A_163, %dma_wait3A_164] : memref<10112x8xf32, #tpu.memory_space<vmem_shared>> -> memref<10112x8xf32, #tpu.memory_space<vmem_shared>>
        tpu.wait_indirect_dma semaphore(%run_scoped3A : memref<!tpu.dma_semaphore, #tpu.memory_space<semaphore_mem>>) src(%arg10 : memref<128x8xf32, #tpu.memory_space<vmem>>) dst(%dma_wait3A_165 : memref<10112x8xf32, #tpu.memory_space<vmem_shared>>)
        tpu.yield
      }) : () -> ()
      %add3A_152 = arith.constant 2 : i32
      %add3A_153 = arith.addi %add3A_143, %add3A_152 : i32
      %lt3A_154 = arith.cmpi slt, %add3A_153, %max3A_82 : i32
      %convert_element_type3A_155 = arith.extui %lt3A_154 : i1 to i32
      %cond3A_156 = arith.constant 0 : i32
      %cond3A_157 = arith.cmpi ne, %convert_element_type3A_155, %cond3A_156 : i32
      scf.if %cond3A_157 {
        %add3A_158 = arith.constant 2 : i32
        %add3A_159 = arith.addi %add3A_143, %add3A_158 : i32
        %mul3A_160 = arith.constant 128 : i32
        %mul3A_161 = arith.muli %add3A_159, %mul3A_160 : i32
        %dma_start3A_162 = tpu.memref_slice %arg7[%mul3A_161] : memref<10240xi32, #tpu.memory_space<vmem>> -> memref<128xi32, #tpu.memory_space<vmem>>
        %dma_start3A_163 = arith.constant 0 : i32
        %dma_start3A_164 = arith.constant 0 : i32
        %dma_start3A_165 = tpu.memref_slice %arg13[%dma_start3A_163, %dma_start3A_164] : memref<10112x8xf32, #tpu.memory_space<vmem_shared>> -> memref<10112x8xf32, #tpu.memory_space<vmem_shared>>
        tpu.enqueue_indirect_dma source(%dma_start3A_165 : memref<10112x8xf32, #tpu.memory_space<vmem_shared>>) target(%arg10 : memref<128x8xf32, #tpu.memory_space<vmem>>) offsets(%dma_start3A_162 : memref<128xi32, #tpu.memory_space<vmem>>) semaphore(%arg14 : memref<!tpu.dma_semaphore, #tpu.memory_space<semaphore_mem>>)
      } else {
      }
    }
    %barrier3A_118 = arith.constant 0 : index
    tpu.barrier barrier_id(%barrier3A_118)
    %mul3A_119 = arith.constant 632 : i32
    %mul3A_120 = arith.muli %arg1, %mul3A_119 : i32
    "tpu.region"() ({
      %run_scoped3A = tpu.sem_alloc : memref<!tpu.dma_semaphore, #tpu.memory_space<semaphore_mem>>
      %dma_start3A_123 = arith.constant 0 : i32
      %dma_start3A_124 = tpu.memref_slice %arg12[%mul3A_120, %dma_start3A_123] : memref<10112x8xf32, #tpu.memory_space<vmem_shared>> -> memref<632x8xf32, #tpu.memory_space<vmem_shared>>
      %dma_start3A_125 = arith.constant 0 : i32
      %dma_start3A_126 = tpu.memref_slice %arg12[%mul3A_120, %dma_start3A_125] : memref<10112x8xf32, #tpu.memory_space<vmem_shared>> -> memref<632x8xf32, #tpu.memory_space<vmem_shared>>
      tpu.enqueue_dma source(%dma_start3A_126 : memref<632x8xf32, #tpu.memory_space<vmem_shared>>) target(%arg11 : memref<632x8xf32, #tpu.memory_space<vmem>>) target_semaphore(%run_scoped3A : memref<!tpu.dma_semaphore, #tpu.memory_space<semaphore_mem>>)
      %dma_wait3A = arith.constant 0 : i32
      %dma_wait3A_127 = tpu.memref_slice %arg12[%mul3A_120, %dma_wait3A] : memref<10112x8xf32, #tpu.memory_space<vmem_shared>> -> memref<632x8xf32, #tpu.memory_space<vmem_shared>>
      %dma_wait3A_128 = arith.constant 0 : i32
      %dma_wait3A_129 = tpu.memref_slice %arg12[%mul3A_120, %dma_wait3A_128] : memref<10112x8xf32, #tpu.memory_space<vmem_shared>> -> memref<632x8xf32, #tpu.memory_space<vmem_shared>>
      tpu.wait_dma2 semaphore(%run_scoped3A : memref<!tpu.dma_semaphore, #tpu.memory_space<semaphore_mem>>) src(%dma_wait3A_129 : memref<632x8xf32, #tpu.memory_space<vmem_shared>>) dst(%arg11 : memref<632x8xf32, #tpu.memory_space<vmem>>)
      tpu.yield
    }) : () -> ()
    %mul3A_121 = arith.constant 632 : i32
    %mul3A_122 = arith.muli %arg1, %mul3A_121 : i32
    "tpu.region"() ({
      %run_scoped3A = tpu.sem_alloc : memref<!tpu.dma_semaphore, #tpu.memory_space<semaphore_mem>>
      %dma_start3A_123 = arith.constant 0 : i32
      %dma_start3A_124 = tpu.memref_slice %arg6[%arg0, %mul3A_122, %dma_start3A_123] : memref<2x10112x8xf32, #tpu.memory_space<hbm>> -> memref<1x632x8xf32, #tpu.memory_space<hbm>>
      %dma_start3A_125 = tpu.memref_squeeze %dma_start3A_124 : memref<1x632x8xf32, #tpu.memory_space<hbm>> -> memref<632x8xf32, #tpu.memory_space<hbm>>
      %dma_start3A_126 = arith.constant 0 : i32
      %dma_start3A_127 = tpu.memref_slice %arg6[%arg0, %mul3A_122, %dma_start3A_126] : memref<2x10112x8xf32, #tpu.memory_space<hbm>> -> memref<1x632x8xf32, #tpu.memory_space<hbm>>
      %dma_start3A_128 = tpu.memref_squeeze %dma_start3A_127 : memref<1x632x8xf32, #tpu.memory_space<hbm>> -> memref<632x8xf32, #tpu.memory_space<hbm>>
      tpu.enqueue_dma source(%arg11 : memref<632x8xf32, #tpu.memory_space<vmem>>) target(%dma_start3A_128 : memref<632x8xf32, #tpu.memory_space<hbm>>) target_semaphore(%run_scoped3A : memref<!tpu.dma_semaphore, #tpu.memory_space<semaphore_mem>>)
      %dma_wait3A = arith.constant 0 : i32
      %dma_wait3A_129 = tpu.memref_slice %arg6[%arg0, %mul3A_122, %dma_wait3A] : memref<2x10112x8xf32, #tpu.memory_space<hbm>> -> memref<1x632x8xf32, #tpu.memory_space<hbm>>
      %dma_wait3A_130 = tpu.memref_squeeze %dma_wait3A_129 : memref<1x632x8xf32, #tpu.memory_space<hbm>> -> memref<632x8xf32, #tpu.memory_space<hbm>>
      %dma_wait3A_131 = arith.constant 0 : i32
      %dma_wait3A_132 = tpu.memref_slice %arg6[%arg0, %mul3A_122, %dma_wait3A_131] : memref<2x10112x8xf32, #tpu.memory_space<hbm>> -> memref<1x632x8xf32, #tpu.memory_space<hbm>>
      %dma_wait3A_133 = tpu.memref_squeeze %dma_wait3A_132 : memref<1x632x8xf32, #tpu.memory_space<hbm>> -> memref<632x8xf32, #tpu.memory_space<hbm>>
      tpu.wait_dma2 semaphore(%run_scoped3A : memref<!tpu.dma_semaphore, #tpu.memory_space<semaphore_mem>>) src(%arg11 : memref<632x8xf32, #tpu.memory_space<vmem>>) dst(%dma_wait3A_133 : memref<632x8xf32, #tpu.memory_space<hbm>>)
      tpu.yield
    }) : () -> ()
    return
  }
}

#map = affine_map<(d0, d1) -> (0, 0)>
#map1 = affine_map<(d0, d1) -> (0)>
#map2 = affine_map<(d0, d1) -> (0, 0, 0)>
module attributes {stable_mosaic.version = 14 : i64} {
  func.func @edge_kernel(%arg0: i32, %arg1: i32, %arg2: memref<10112x8xf32, #tpu.memory_space<hbm>>, %arg3: memref<320000xi32, #tpu.memory_space<hbm>>, %arg4: memref<320000xi32, #tpu.memory_space<hbm>>, %arg5: memref<10112x8xf32, #tpu.memory_space<hbm>>, %arg6: memref<2x10112x8xf32, #tpu.memory_space<hbm>>, %arg7: memref<10240xi32, #tpu.memory_space<vmem>>, %arg8: memref<10240xi32, #tpu.memory_space<vmem>>, %arg9: memref<128x8xf32, #tpu.memory_space<vmem>>, %arg10: memref<128x8xf32, #tpu.memory_space<vmem>>, %arg11: memref<632x8xf32, #tpu.memory_space<vmem>>, %arg12: memref<10112x8xf32, #tpu.memory_space<vmem_shared>>, %arg13: memref<10112x8xf32, #tpu.memory_space<vmem_shared>>, %arg14: memref<!tpu.dma_semaphore, #tpu.memory_space<semaphore_mem>>) attributes {dimension_semantics = [#tpu.dimension_semantics<core_parallel>, #tpu.dimension_semantics<subcore_parallel>], iteration_bounds = array<i64: 2, 16>, scalar_prefetch = 0 : i64, scratch_operands = 8 : i64, tpu.core_type = #tpu.core_type<sc_vector_subcore>, window_params = [{transform_indices = #map}, {transform_indices = #map1}, {transform_indices = #map1}, {transform_indices = #map}, {transform_indices = #map2}]} {
    %mul3A = arith.constant 16 : i32
    %mul3A_0 = arith.muli %arg0, %mul3A : i32
    %add3A = arith.addi %mul3A_0, %arg1 : i32
    %mul3A_1 = arith.constant 80 : i32
    %mul3A_2 = arith.muli %add3A, %mul3A_1 : i32
    %add3A_3 = arith.constant 20 : i32
    %add3A_4 = arith.addi %mul3A_2, %add3A_3 : i32
    %le3A = arith.constant 2500 : i32
    %le3A_5 = arith.cmpi sle, %add3A_4, %le3A : i32
    %convert_element_type3A = arith.extui %le3A_5 : i1 to i32
    %cond3A = arith.constant 0 : i32
    %cond3A_6 = arith.cmpi ne, %convert_element_type3A, %cond3A : i32
    scf.if %cond3A_6 {
      %mul3A_123 = arith.constant 80 : i32
      %mul3A_124 = arith.muli %add3A, %mul3A_123 : i32
      %add3A_125 = arith.constant 0 : i32
      %add3A_126 = arith.addi %mul3A_124, %add3A_125 : i32
      %mul3A_127 = arith.constant 128 : i32
      %mul3A_128 = arith.muli %add3A_126, %mul3A_127 : i32
      "tpu.region"() ({
        %run_scoped3A = tpu.sem_alloc : memref<!tpu.dma_semaphore, #tpu.memory_space<semaphore_mem>>
        %dma_start3A_129 = arith.constant 0 : i32
        %dma_start3A_130 = tpu.memref_slice %arg7[%dma_start3A_129] : memref<10240xi32, #tpu.memory_space<vmem>> -> memref<2560xi32, #tpu.memory_space<vmem>>
        %dma_start3A_131 = tpu.memref_slice %arg3[%mul3A_128] : memref<320000xi32, #tpu.memory_space<hbm>> -> memref<2560xi32, #tpu.memory_space<hbm>>
        %dma_start3A_132 = arith.constant 0 : i32
        %dma_start3A_133 = tpu.memref_slice %arg7[%dma_start3A_132] : memref<10240xi32, #tpu.memory_space<vmem>> -> memref<2560xi32, #tpu.memory_space<vmem>>
        %dma_start3A_134 = tpu.memref_slice %arg3[%mul3A_128] : memref<320000xi32, #tpu.memory_space<hbm>> -> memref<2560xi32, #tpu.memory_space<hbm>>
        tpu.enqueue_dma source(%dma_start3A_134 : memref<2560xi32, #tpu.memory_space<hbm>>) target(%dma_start3A_133 : memref<2560xi32, #tpu.memory_space<vmem>>) target_semaphore(%run_scoped3A : memref<!tpu.dma_semaphore, #tpu.memory_space<semaphore_mem>>)
        %dma_wait3A = arith.constant 0 : i32
        %dma_wait3A_135 = tpu.memref_slice %arg7[%dma_wait3A] : memref<10240xi32, #tpu.memory_space<vmem>> -> memref<2560xi32, #tpu.memory_space<vmem>>
        %dma_wait3A_136 = tpu.memref_slice %arg3[%mul3A_128] : memref<320000xi32, #tpu.memory_space<hbm>> -> memref<2560xi32, #tpu.memory_space<hbm>>
        %dma_wait3A_137 = arith.constant 0 : i32
        %dma_wait3A_138 = tpu.memref_slice %arg7[%dma_wait3A_137] : memref<10240xi32, #tpu.memory_space<vmem>> -> memref<2560xi32, #tpu.memory_space<vmem>>
        %dma_wait3A_139 = tpu.memref_slice %arg3[%mul3A_128] : memref<320000xi32, #tpu.memory_space<hbm>> -> memref<2560xi32, #tpu.memory_space<hbm>>
        tpu.wait_dma2 semaphore(%run_scoped3A : memref<!tpu.dma_semaphore, #tpu.memory_space<semaphore_mem>>) src(%dma_wait3A_139 : memref<2560xi32, #tpu.memory_space<hbm>>) dst(%dma_wait3A_138 : memref<2560xi32, #tpu.memory_space<vmem>>)
        tpu.yield
      }) : () -> ()
    } else {
    }
    %mul3A_7 = arith.constant 80 : i32
    %mul3A_8 = arith.muli %add3A, %mul3A_7 : i32
    %add3A_9 = arith.constant 40 : i32
    %add3A_10 = arith.addi %mul3A_8, %add3A_9 : i32
    %le3A_11 = arith.constant 2500 : i32
    %le3A_12 = arith.cmpi sle, %add3A_10, %le3A_11 : i32
    %convert_element_type3A_13 = arith.extui %le3A_12 : i1 to i32
    %cond3A_14 = arith.constant 0 : i32
    %cond3A_15 = arith.cmpi ne, %convert_element_type3A_13, %cond3A_14 : i32
    scf.if %cond3A_15 {
      %mul3A_123 = arith.constant 80 : i32
      %mul3A_124 = arith.muli %add3A, %mul3A_123 : i32
      %add3A_125 = arith.constant 20 : i32
      %add3A_126 = arith.addi %mul3A_124, %add3A_125 : i32
      %mul3A_127 = arith.constant 128 : i32
      %mul3A_128 = arith.muli %add3A_126, %mul3A_127 : i32
      "tpu.region"() ({
        %run_scoped3A = tpu.sem_alloc : memref<!tpu.dma_semaphore, #tpu.memory_space<semaphore_mem>>
        %dma_start3A_129 = arith.constant 2560 : i32
        %dma_start3A_130 = tpu.memref_slice %arg7[%dma_start3A_129] : memref<10240xi32, #tpu.memory_space<vmem>> -> memref<2560xi32, #tpu.memory_space<vmem>>
        %dma_start3A_131 = tpu.memref_slice %arg3[%mul3A_128] : memref<320000xi32, #tpu.memory_space<hbm>> -> memref<2560xi32, #tpu.memory_space<hbm>>
        %dma_start3A_132 = arith.constant 2560 : i32
        %dma_start3A_133 = tpu.memref_slice %arg7[%dma_start3A_132] : memref<10240xi32, #tpu.memory_space<vmem>> -> memref<2560xi32, #tpu.memory_space<vmem>>
        %dma_start3A_134 = tpu.memref_slice %arg3[%mul3A_128] : memref<320000xi32, #tpu.memory_space<hbm>> -> memref<2560xi32, #tpu.memory_space<hbm>>
        tpu.enqueue_dma source(%dma_start3A_134 : memref<2560xi32, #tpu.memory_space<hbm>>) target(%dma_start3A_133 : memref<2560xi32, #tpu.memory_space<vmem>>) target_semaphore(%run_scoped3A : memref<!tpu.dma_semaphore, #tpu.memory_space<semaphore_mem>>)
        %dma_wait3A = arith.constant 2560 : i32
        %dma_wait3A_135 = tpu.memref_slice %arg7[%dma_wait3A] : memref<10240xi32, #tpu.memory_space<vmem>> -> memref<2560xi32, #tpu.memory_space<vmem>>
        %dma_wait3A_136 = tpu.memref_slice %arg3[%mul3A_128] : memref<320000xi32, #tpu.memory_space<hbm>> -> memref<2560xi32, #tpu.memory_space<hbm>>
        %dma_wait3A_137 = arith.constant 2560 : i32
        %dma_wait3A_138 = tpu.memref_slice %arg7[%dma_wait3A_137] : memref<10240xi32, #tpu.memory_space<vmem>> -> memref<2560xi32, #tpu.memory_space<vmem>>
        %dma_wait3A_139 = tpu.memref_slice %arg3[%mul3A_128] : memref<320000xi32, #tpu.memory_space<hbm>> -> memref<2560xi32, #tpu.memory_space<hbm>>
        tpu.wait_dma2 semaphore(%run_scoped3A : memref<!tpu.dma_semaphore, #tpu.memory_space<semaphore_mem>>) src(%dma_wait3A_139 : memref<2560xi32, #tpu.memory_space<hbm>>) dst(%dma_wait3A_138 : memref<2560xi32, #tpu.memory_space<vmem>>)
        tpu.yield
      }) : () -> ()
    } else {
    }
    %mul3A_16 = arith.constant 80 : i32
    %mul3A_17 = arith.muli %add3A, %mul3A_16 : i32
    %add3A_18 = arith.constant 60 : i32
    %add3A_19 = arith.addi %mul3A_17, %add3A_18 : i32
    %le3A_20 = arith.constant 2500 : i32
    %le3A_21 = arith.cmpi sle, %add3A_19, %le3A_20 : i32
    %convert_element_type3A_22 = arith.extui %le3A_21 : i1 to i32
    %cond3A_23 = arith.constant 0 : i32
    %cond3A_24 = arith.cmpi ne, %convert_element_type3A_22, %cond3A_23 : i32
    scf.if %cond3A_24 {
      %mul3A_123 = arith.constant 80 : i32
      %mul3A_124 = arith.muli %add3A, %mul3A_123 : i32
      %add3A_125 = arith.constant 40 : i32
      %add3A_126 = arith.addi %mul3A_124, %add3A_125 : i32
      %mul3A_127 = arith.constant 128 : i32
      %mul3A_128 = arith.muli %add3A_126, %mul3A_127 : i32
      "tpu.region"() ({
        %run_scoped3A = tpu.sem_alloc : memref<!tpu.dma_semaphore, #tpu.memory_space<semaphore_mem>>
        %dma_start3A_129 = arith.constant 5120 : i32
        %dma_start3A_130 = tpu.memref_slice %arg7[%dma_start3A_129] : memref<10240xi32, #tpu.memory_space<vmem>> -> memref<2560xi32, #tpu.memory_space<vmem>>
        %dma_start3A_131 = tpu.memref_slice %arg3[%mul3A_128] : memref<320000xi32, #tpu.memory_space<hbm>> -> memref<2560xi32, #tpu.memory_space<hbm>>
        %dma_start3A_132 = arith.constant 5120 : i32
        %dma_start3A_133 = tpu.memref_slice %arg7[%dma_start3A_132] : memref<10240xi32, #tpu.memory_space<vmem>> -> memref<2560xi32, #tpu.memory_space<vmem>>
        %dma_start3A_134 = tpu.memref_slice %arg3[%mul3A_128] : memref<320000xi32, #tpu.memory_space<hbm>> -> memref<2560xi32, #tpu.memory_space<hbm>>
        tpu.enqueue_dma source(%dma_start3A_134 : memref<2560xi32, #tpu.memory_space<hbm>>) target(%dma_start3A_133 : memref<2560xi32, #tpu.memory_space<vmem>>) target_semaphore(%run_scoped3A : memref<!tpu.dma_semaphore, #tpu.memory_space<semaphore_mem>>)
        %dma_wait3A = arith.constant 5120 : i32
        %dma_wait3A_135 = tpu.memref_slice %arg7[%dma_wait3A] : memref<10240xi32, #tpu.memory_space<vmem>> -> memref<2560xi32, #tpu.memory_space<vmem>>
        %dma_wait3A_136 = tpu.memref_slice %arg3[%mul3A_128] : memref<320000xi32, #tpu.memory_space<hbm>> -> memref<2560xi32, #tpu.memory_space<hbm>>
        %dma_wait3A_137 = arith.constant 5120 : i32
        %dma_wait3A_138 = tpu.memref_slice %arg7[%dma_wait3A_137] : memref<10240xi32, #tpu.memory_space<vmem>> -> memref<2560xi32, #tpu.memory_space<vmem>>
        %dma_wait3A_139 = tpu.memref_slice %arg3[%mul3A_128] : memref<320000xi32, #tpu.memory_space<hbm>> -> memref<2560xi32, #tpu.memory_space<hbm>>
        tpu.wait_dma2 semaphore(%run_scoped3A : memref<!tpu.dma_semaphore, #tpu.memory_space<semaphore_mem>>) src(%dma_wait3A_139 : memref<2560xi32, #tpu.memory_space<hbm>>) dst(%dma_wait3A_138 : memref<2560xi32, #tpu.memory_space<vmem>>)
        tpu.yield
      }) : () -> ()
    } else {
    }
    %mul3A_25 = arith.constant 80 : i32
    %mul3A_26 = arith.muli %add3A, %mul3A_25 : i32
    %add3A_27 = arith.constant 80 : i32
    %add3A_28 = arith.addi %mul3A_26, %add3A_27 : i32
    %le3A_29 = arith.constant 2500 : i32
    %le3A_30 = arith.cmpi sle, %add3A_28, %le3A_29 : i32
    %convert_element_type3A_31 = arith.extui %le3A_30 : i1 to i32
    %cond3A_32 = arith.constant 0 : i32
    %cond3A_33 = arith.cmpi ne, %convert_element_type3A_31, %cond3A_32 : i32
    scf.if %cond3A_33 {
      %mul3A_123 = arith.constant 80 : i32
      %mul3A_124 = arith.muli %add3A, %mul3A_123 : i32
      %add3A_125 = arith.constant 60 : i32
      %add3A_126 = arith.addi %mul3A_124, %add3A_125 : i32
      %mul3A_127 = arith.constant 128 : i32
      %mul3A_128 = arith.muli %add3A_126, %mul3A_127 : i32
      "tpu.region"() ({
        %run_scoped3A = tpu.sem_alloc : memref<!tpu.dma_semaphore, #tpu.memory_space<semaphore_mem>>
        %dma_start3A_129 = arith.constant 7680 : i32
        %dma_start3A_130 = tpu.memref_slice %arg7[%dma_start3A_129] : memref<10240xi32, #tpu.memory_space<vmem>> -> memref<2560xi32, #tpu.memory_space<vmem>>
        %dma_start3A_131 = tpu.memref_slice %arg3[%mul3A_128] : memref<320000xi32, #tpu.memory_space<hbm>> -> memref<2560xi32, #tpu.memory_space<hbm>>
        %dma_start3A_132 = arith.constant 7680 : i32
        %dma_start3A_133 = tpu.memref_slice %arg7[%dma_start3A_132] : memref<10240xi32, #tpu.memory_space<vmem>> -> memref<2560xi32, #tpu.memory_space<vmem>>
        %dma_start3A_134 = tpu.memref_slice %arg3[%mul3A_128] : memref<320000xi32, #tpu.memory_space<hbm>> -> memref<2560xi32, #tpu.memory_space<hbm>>
        tpu.enqueue_dma source(%dma_start3A_134 : memref<2560xi32, #tpu.memory_space<hbm>>) target(%dma_start3A_133 : memref<2560xi32, #tpu.memory_space<vmem>>) target_semaphore(%run_scoped3A : memref<!tpu.dma_semaphore, #tpu.memory_space<semaphore_mem>>)
        %dma_wait3A = arith.constant 7680 : i32
        %dma_wait3A_135 = tpu.memref_slice %arg7[%dma_wait3A] : memref<10240xi32, #tpu.memory_space<vmem>> -> memref<2560xi32, #tpu.memory_space<vmem>>
        %dma_wait3A_136 = tpu.memref_slice %arg3[%mul3A_128] : memref<320000xi32, #tpu.memory_space<hbm>> -> memref<2560xi32, #tpu.memory_space<hbm>>
        %dma_wait3A_137 = arith.constant 7680 : i32
        %dma_wait3A_138 = tpu.memref_slice %arg7[%dma_wait3A_137] : memref<10240xi32, #tpu.memory_space<vmem>> -> memref<2560xi32, #tpu.memory_space<vmem>>
        %dma_wait3A_139 = tpu.memref_slice %arg3[%mul3A_128] : memref<320000xi32, #tpu.memory_space<hbm>> -> memref<2560xi32, #tpu.memory_space<hbm>>
        tpu.wait_dma2 semaphore(%run_scoped3A : memref<!tpu.dma_semaphore, #tpu.memory_space<semaphore_mem>>) src(%dma_wait3A_139 : memref<2560xi32, #tpu.memory_space<hbm>>) dst(%dma_wait3A_138 : memref<2560xi32, #tpu.memory_space<vmem>>)
        tpu.yield
      }) : () -> ()
    } else {
    }
    %mul3A_34 = arith.constant 80 : i32
    %mul3A_35 = arith.muli %add3A, %mul3A_34 : i32
    %add3A_36 = arith.constant 20 : i32
    %add3A_37 = arith.addi %mul3A_35, %add3A_36 : i32
    %le3A_38 = arith.constant 2500 : i32
    %le3A_39 = arith.cmpi sle, %add3A_37, %le3A_38 : i32
    %convert_element_type3A_40 = arith.extui %le3A_39 : i1 to i32
    %cond3A_41 = arith.constant 0 : i32
    %cond3A_42 = arith.cmpi ne, %convert_element_type3A_40, %cond3A_41 : i32
    scf.if %cond3A_42 {
      %mul3A_123 = arith.constant 80 : i32
      %mul3A_124 = arith.muli %add3A, %mul3A_123 : i32
      %add3A_125 = arith.constant 0 : i32
      %add3A_126 = arith.addi %mul3A_124, %add3A_125 : i32
      %mul3A_127 = arith.constant 128 : i32
      %mul3A_128 = arith.muli %add3A_126, %mul3A_127 : i32
      "tpu.region"() ({
        %run_scoped3A = tpu.sem_alloc : memref<!tpu.dma_semaphore, #tpu.memory_space<semaphore_mem>>
        %dma_start3A_129 = arith.constant 0 : i32
        %dma_start3A_130 = tpu.memref_slice %arg8[%dma_start3A_129] : memref<10240xi32, #tpu.memory_space<vmem>> -> memref<2560xi32, #tpu.memory_space<vmem>>
        %dma_start3A_131 = tpu.memref_slice %arg4[%mul3A_128] : memref<320000xi32, #tpu.memory_space<hbm>> -> memref<2560xi32, #tpu.memory_space<hbm>>
        %dma_start3A_132 = arith.constant 0 : i32
        %dma_start3A_133 = tpu.memref_slice %arg8[%dma_start3A_132] : memref<10240xi32, #tpu.memory_space<vmem>> -> memref<2560xi32, #tpu.memory_space<vmem>>
        %dma_start3A_134 = tpu.memref_slice %arg4[%mul3A_128] : memref<320000xi32, #tpu.memory_space<hbm>> -> memref<2560xi32, #tpu.memory_space<hbm>>
        tpu.enqueue_dma source(%dma_start3A_134 : memref<2560xi32, #tpu.memory_space<hbm>>) target(%dma_start3A_133 : memref<2560xi32, #tpu.memory_space<vmem>>) target_semaphore(%run_scoped3A : memref<!tpu.dma_semaphore, #tpu.memory_space<semaphore_mem>>)
        %dma_wait3A = arith.constant 0 : i32
        %dma_wait3A_135 = tpu.memref_slice %arg8[%dma_wait3A] : memref<10240xi32, #tpu.memory_space<vmem>> -> memref<2560xi32, #tpu.memory_space<vmem>>
        %dma_wait3A_136 = tpu.memref_slice %arg4[%mul3A_128] : memref<320000xi32, #tpu.memory_space<hbm>> -> memref<2560xi32, #tpu.memory_space<hbm>>
        %dma_wait3A_137 = arith.constant 0 : i32
        %dma_wait3A_138 = tpu.memref_slice %arg8[%dma_wait3A_137] : memref<10240xi32, #tpu.memory_space<vmem>> -> memref<2560xi32, #tpu.memory_space<vmem>>
        %dma_wait3A_139 = tpu.memref_slice %arg4[%mul3A_128] : memref<320000xi32, #tpu.memory_space<hbm>> -> memref<2560xi32, #tpu.memory_space<hbm>>
        tpu.wait_dma2 semaphore(%run_scoped3A : memref<!tpu.dma_semaphore, #tpu.memory_space<semaphore_mem>>) src(%dma_wait3A_139 : memref<2560xi32, #tpu.memory_space<hbm>>) dst(%dma_wait3A_138 : memref<2560xi32, #tpu.memory_space<vmem>>)
        tpu.yield
      }) : () -> ()
    } else {
    }
    %mul3A_43 = arith.constant 80 : i32
    %mul3A_44 = arith.muli %add3A, %mul3A_43 : i32
    %add3A_45 = arith.constant 40 : i32
    %add3A_46 = arith.addi %mul3A_44, %add3A_45 : i32
    %le3A_47 = arith.constant 2500 : i32
    %le3A_48 = arith.cmpi sle, %add3A_46, %le3A_47 : i32
    %convert_element_type3A_49 = arith.extui %le3A_48 : i1 to i32
    %cond3A_50 = arith.constant 0 : i32
    %cond3A_51 = arith.cmpi ne, %convert_element_type3A_49, %cond3A_50 : i32
    scf.if %cond3A_51 {
      %mul3A_123 = arith.constant 80 : i32
      %mul3A_124 = arith.muli %add3A, %mul3A_123 : i32
      %add3A_125 = arith.constant 20 : i32
      %add3A_126 = arith.addi %mul3A_124, %add3A_125 : i32
      %mul3A_127 = arith.constant 128 : i32
      %mul3A_128 = arith.muli %add3A_126, %mul3A_127 : i32
      "tpu.region"() ({
        %run_scoped3A = tpu.sem_alloc : memref<!tpu.dma_semaphore, #tpu.memory_space<semaphore_mem>>
        %dma_start3A_129 = arith.constant 2560 : i32
        %dma_start3A_130 = tpu.memref_slice %arg8[%dma_start3A_129] : memref<10240xi32, #tpu.memory_space<vmem>> -> memref<2560xi32, #tpu.memory_space<vmem>>
        %dma_start3A_131 = tpu.memref_slice %arg4[%mul3A_128] : memref<320000xi32, #tpu.memory_space<hbm>> -> memref<2560xi32, #tpu.memory_space<hbm>>
        %dma_start3A_132 = arith.constant 2560 : i32
        %dma_start3A_133 = tpu.memref_slice %arg8[%dma_start3A_132] : memref<10240xi32, #tpu.memory_space<vmem>> -> memref<2560xi32, #tpu.memory_space<vmem>>
        %dma_start3A_134 = tpu.memref_slice %arg4[%mul3A_128] : memref<320000xi32, #tpu.memory_space<hbm>> -> memref<2560xi32, #tpu.memory_space<hbm>>
        tpu.enqueue_dma source(%dma_start3A_134 : memref<2560xi32, #tpu.memory_space<hbm>>) target(%dma_start3A_133 : memref<2560xi32, #tpu.memory_space<vmem>>) target_semaphore(%run_scoped3A : memref<!tpu.dma_semaphore, #tpu.memory_space<semaphore_mem>>)
        %dma_wait3A = arith.constant 2560 : i32
        %dma_wait3A_135 = tpu.memref_slice %arg8[%dma_wait3A] : memref<10240xi32, #tpu.memory_space<vmem>> -> memref<2560xi32, #tpu.memory_space<vmem>>
        %dma_wait3A_136 = tpu.memref_slice %arg4[%mul3A_128] : memref<320000xi32, #tpu.memory_space<hbm>> -> memref<2560xi32, #tpu.memory_space<hbm>>
        %dma_wait3A_137 = arith.constant 2560 : i32
        %dma_wait3A_138 = tpu.memref_slice %arg8[%dma_wait3A_137] : memref<10240xi32, #tpu.memory_space<vmem>> -> memref<2560xi32, #tpu.memory_space<vmem>>
        %dma_wait3A_139 = tpu.memref_slice %arg4[%mul3A_128] : memref<320000xi32, #tpu.memory_space<hbm>> -> memref<2560xi32, #tpu.memory_space<hbm>>
        tpu.wait_dma2 semaphore(%run_scoped3A : memref<!tpu.dma_semaphore, #tpu.memory_space<semaphore_mem>>) src(%dma_wait3A_139 : memref<2560xi32, #tpu.memory_space<hbm>>) dst(%dma_wait3A_138 : memref<2560xi32, #tpu.memory_space<vmem>>)
        tpu.yield
      }) : () -> ()
    } else {
    }
    %mul3A_52 = arith.constant 80 : i32
    %mul3A_53 = arith.muli %add3A, %mul3A_52 : i32
    %add3A_54 = arith.constant 60 : i32
    %add3A_55 = arith.addi %mul3A_53, %add3A_54 : i32
    %le3A_56 = arith.constant 2500 : i32
    %le3A_57 = arith.cmpi sle, %add3A_55, %le3A_56 : i32
    %convert_element_type3A_58 = arith.extui %le3A_57 : i1 to i32
    %cond3A_59 = arith.constant 0 : i32
    %cond3A_60 = arith.cmpi ne, %convert_element_type3A_58, %cond3A_59 : i32
    scf.if %cond3A_60 {
      %mul3A_123 = arith.constant 80 : i32
      %mul3A_124 = arith.muli %add3A, %mul3A_123 : i32
      %add3A_125 = arith.constant 40 : i32
      %add3A_126 = arith.addi %mul3A_124, %add3A_125 : i32
      %mul3A_127 = arith.constant 128 : i32
      %mul3A_128 = arith.muli %add3A_126, %mul3A_127 : i32
      "tpu.region"() ({
        %run_scoped3A = tpu.sem_alloc : memref<!tpu.dma_semaphore, #tpu.memory_space<semaphore_mem>>
        %dma_start3A_129 = arith.constant 5120 : i32
        %dma_start3A_130 = tpu.memref_slice %arg8[%dma_start3A_129] : memref<10240xi32, #tpu.memory_space<vmem>> -> memref<2560xi32, #tpu.memory_space<vmem>>
        %dma_start3A_131 = tpu.memref_slice %arg4[%mul3A_128] : memref<320000xi32, #tpu.memory_space<hbm>> -> memref<2560xi32, #tpu.memory_space<hbm>>
        %dma_start3A_132 = arith.constant 5120 : i32
        %dma_start3A_133 = tpu.memref_slice %arg8[%dma_start3A_132] : memref<10240xi32, #tpu.memory_space<vmem>> -> memref<2560xi32, #tpu.memory_space<vmem>>
        %dma_start3A_134 = tpu.memref_slice %arg4[%mul3A_128] : memref<320000xi32, #tpu.memory_space<hbm>> -> memref<2560xi32, #tpu.memory_space<hbm>>
        tpu.enqueue_dma source(%dma_start3A_134 : memref<2560xi32, #tpu.memory_space<hbm>>) target(%dma_start3A_133 : memref<2560xi32, #tpu.memory_space<vmem>>) target_semaphore(%run_scoped3A : memref<!tpu.dma_semaphore, #tpu.memory_space<semaphore_mem>>)
        %dma_wait3A = arith.constant 5120 : i32
        %dma_wait3A_135 = tpu.memref_slice %arg8[%dma_wait3A] : memref<10240xi32, #tpu.memory_space<vmem>> -> memref<2560xi32, #tpu.memory_space<vmem>>
        %dma_wait3A_136 = tpu.memref_slice %arg4[%mul3A_128] : memref<320000xi32, #tpu.memory_space<hbm>> -> memref<2560xi32, #tpu.memory_space<hbm>>
        %dma_wait3A_137 = arith.constant 5120 : i32
        %dma_wait3A_138 = tpu.memref_slice %arg8[%dma_wait3A_137] : memref<10240xi32, #tpu.memory_space<vmem>> -> memref<2560xi32, #tpu.memory_space<vmem>>
        %dma_wait3A_139 = tpu.memref_slice %arg4[%mul3A_128] : memref<320000xi32, #tpu.memory_space<hbm>> -> memref<2560xi32, #tpu.memory_space<hbm>>
        tpu.wait_dma2 semaphore(%run_scoped3A : memref<!tpu.dma_semaphore, #tpu.memory_space<semaphore_mem>>) src(%dma_wait3A_139 : memref<2560xi32, #tpu.memory_space<hbm>>) dst(%dma_wait3A_138 : memref<2560xi32, #tpu.memory_space<vmem>>)
        tpu.yield
      }) : () -> ()
    } else {
    }
    %mul3A_61 = arith.constant 80 : i32
    %mul3A_62 = arith.muli %add3A, %mul3A_61 : i32
    %add3A_63 = arith.constant 80 : i32
    %add3A_64 = arith.addi %mul3A_62, %add3A_63 : i32
    %le3A_65 = arith.constant 2500 : i32
    %le3A_66 = arith.cmpi sle, %add3A_64, %le3A_65 : i32
    %convert_element_type3A_67 = arith.extui %le3A_66 : i1 to i32
    %cond3A_68 = arith.constant 0 : i32
    %cond3A_69 = arith.cmpi ne, %convert_element_type3A_67, %cond3A_68 : i32
    scf.if %cond3A_69 {
      %mul3A_123 = arith.constant 80 : i32
      %mul3A_124 = arith.muli %add3A, %mul3A_123 : i32
      %add3A_125 = arith.constant 60 : i32
      %add3A_126 = arith.addi %mul3A_124, %add3A_125 : i32
      %mul3A_127 = arith.constant 128 : i32
      %mul3A_128 = arith.muli %add3A_126, %mul3A_127 : i32
      "tpu.region"() ({
        %run_scoped3A = tpu.sem_alloc : memref<!tpu.dma_semaphore, #tpu.memory_space<semaphore_mem>>
        %dma_start3A_129 = arith.constant 7680 : i32
        %dma_start3A_130 = tpu.memref_slice %arg8[%dma_start3A_129] : memref<10240xi32, #tpu.memory_space<vmem>> -> memref<2560xi32, #tpu.memory_space<vmem>>
        %dma_start3A_131 = tpu.memref_slice %arg4[%mul3A_128] : memref<320000xi32, #tpu.memory_space<hbm>> -> memref<2560xi32, #tpu.memory_space<hbm>>
        %dma_start3A_132 = arith.constant 7680 : i32
        %dma_start3A_133 = tpu.memref_slice %arg8[%dma_start3A_132] : memref<10240xi32, #tpu.memory_space<vmem>> -> memref<2560xi32, #tpu.memory_space<vmem>>
        %dma_start3A_134 = tpu.memref_slice %arg4[%mul3A_128] : memref<320000xi32, #tpu.memory_space<hbm>> -> memref<2560xi32, #tpu.memory_space<hbm>>
        tpu.enqueue_dma source(%dma_start3A_134 : memref<2560xi32, #tpu.memory_space<hbm>>) target(%dma_start3A_133 : memref<2560xi32, #tpu.memory_space<vmem>>) target_semaphore(%run_scoped3A : memref<!tpu.dma_semaphore, #tpu.memory_space<semaphore_mem>>)
        %dma_wait3A = arith.constant 7680 : i32
        %dma_wait3A_135 = tpu.memref_slice %arg8[%dma_wait3A] : memref<10240xi32, #tpu.memory_space<vmem>> -> memref<2560xi32, #tpu.memory_space<vmem>>
        %dma_wait3A_136 = tpu.memref_slice %arg4[%mul3A_128] : memref<320000xi32, #tpu.memory_space<hbm>> -> memref<2560xi32, #tpu.memory_space<hbm>>
        %dma_wait3A_137 = arith.constant 7680 : i32
        %dma_wait3A_138 = tpu.memref_slice %arg8[%dma_wait3A_137] : memref<10240xi32, #tpu.memory_space<vmem>> -> memref<2560xi32, #tpu.memory_space<vmem>>
        %dma_wait3A_139 = tpu.memref_slice %arg4[%mul3A_128] : memref<320000xi32, #tpu.memory_space<hbm>> -> memref<2560xi32, #tpu.memory_space<hbm>>
        tpu.wait_dma2 semaphore(%run_scoped3A : memref<!tpu.dma_semaphore, #tpu.memory_space<semaphore_mem>>) src(%dma_wait3A_139 : memref<2560xi32, #tpu.memory_space<hbm>>) dst(%dma_wait3A_138 : memref<2560xi32, #tpu.memory_space<vmem>>)
        tpu.yield
      }) : () -> ()
    } else {
    }
    %mul3A_70 = arith.constant 632 : i32
    %mul3A_71 = arith.muli %arg1, %mul3A_70 : i32
    %mul3A_72 = arith.constant 632 : i32
    %mul3A_73 = arith.muli %arg1, %mul3A_72 : i32
    "tpu.region"() ({
      %run_scoped3A = tpu.sem_alloc : memref<!tpu.dma_semaphore, #tpu.memory_space<semaphore_mem>>
      %dma_start3A_123 = arith.constant 0 : i32
      %dma_start3A_124 = tpu.memref_slice %arg13[%mul3A_73, %dma_start3A_123] : memref<10112x8xf32, #tpu.memory_space<vmem_shared>> -> memref<632x8xf32, #tpu.memory_space<vmem_shared>>
      %dma_start3A_125 = arith.constant 0 : i32
      %dma_start3A_126 = tpu.memref_slice %arg2[%mul3A_71, %dma_start3A_125] : memref<10112x8xf32, #tpu.memory_space<hbm>> -> memref<632x8xf32, #tpu.memory_space<hbm>>
      tpu.enqueue_dma source(%dma_start3A_126 : memref<632x8xf32, #tpu.memory_space<hbm>>) target(%dma_start3A_124 : memref<632x8xf32, #tpu.memory_space<vmem_shared>>) target_semaphore(%run_scoped3A : memref<!tpu.dma_semaphore, #tpu.memory_space<semaphore_mem>>)
      %dma_wait3A = arith.constant 0 : i32
      %dma_wait3A_127 = tpu.memref_slice %arg13[%mul3A_73, %dma_wait3A] : memref<10112x8xf32, #tpu.memory_space<vmem_shared>> -> memref<632x8xf32, #tpu.memory_space<vmem_shared>>
      %dma_wait3A_128 = arith.constant 0 : i32
      %dma_wait3A_129 = tpu.memref_slice %arg2[%mul3A_71, %dma_wait3A_128] : memref<10112x8xf32, #tpu.memory_space<hbm>> -> memref<632x8xf32, #tpu.memory_space<hbm>>
      tpu.wait_dma2 semaphore(%run_scoped3A : memref<!tpu.dma_semaphore, #tpu.memory_space<semaphore_mem>>) src(%dma_wait3A_129 : memref<632x8xf32, #tpu.memory_space<hbm>>) dst(%dma_wait3A_127 : memref<632x8xf32, #tpu.memory_space<vmem_shared>>)
      tpu.yield
    }) : () -> ()
    %mul3A_74 = arith.constant 632 : i32
    %mul3A_75 = arith.muli %arg1, %mul3A_74 : i32
    "tpu.region"() ({
      %run_scoped3A = tpu.sem_alloc : memref<!tpu.dma_semaphore, #tpu.memory_space<semaphore_mem>>
      %dma_start3A_123 = arith.constant 0 : i32
      %dma_start3A_124 = tpu.memref_slice %arg5[%mul3A_75, %dma_start3A_123] : memref<10112x8xf32, #tpu.memory_space<hbm>> -> memref<632x8xf32, #tpu.memory_space<hbm>>
      %dma_start3A_125 = arith.constant 0 : i32
      %dma_start3A_126 = tpu.memref_slice %arg5[%mul3A_75, %dma_start3A_125] : memref<10112x8xf32, #tpu.memory_space<hbm>> -> memref<632x8xf32, #tpu.memory_space<hbm>>
      tpu.enqueue_dma source(%dma_start3A_126 : memref<632x8xf32, #tpu.memory_space<hbm>>) target(%arg11 : memref<632x8xf32, #tpu.memory_space<vmem>>) target_semaphore(%run_scoped3A : memref<!tpu.dma_semaphore, #tpu.memory_space<semaphore_mem>>)
      %dma_wait3A = arith.constant 0 : i32
      %dma_wait3A_127 = tpu.memref_slice %arg5[%mul3A_75, %dma_wait3A] : memref<10112x8xf32, #tpu.memory_space<hbm>> -> memref<632x8xf32, #tpu.memory_space<hbm>>
      %dma_wait3A_128 = arith.constant 0 : i32
      %dma_wait3A_129 = tpu.memref_slice %arg5[%mul3A_75, %dma_wait3A_128] : memref<10112x8xf32, #tpu.memory_space<hbm>> -> memref<632x8xf32, #tpu.memory_space<hbm>>
      tpu.wait_dma2 semaphore(%run_scoped3A : memref<!tpu.dma_semaphore, #tpu.memory_space<semaphore_mem>>) src(%dma_wait3A_129 : memref<632x8xf32, #tpu.memory_space<hbm>>) dst(%arg11 : memref<632x8xf32, #tpu.memory_space<vmem>>)
      tpu.yield
    }) : () -> ()
    %mul3A_76 = arith.constant 632 : i32
    %mul3A_77 = arith.muli %arg1, %mul3A_76 : i32
    "tpu.region"() ({
      %run_scoped3A = tpu.sem_alloc : memref<!tpu.dma_semaphore, #tpu.memory_space<semaphore_mem>>
      %dma_start3A_123 = arith.constant 0 : i32
      %dma_start3A_124 = tpu.memref_slice %arg12[%mul3A_77, %dma_start3A_123] : memref<10112x8xf32, #tpu.memory_space<vmem_shared>> -> memref<632x8xf32, #tpu.memory_space<vmem_shared>>
      %dma_start3A_125 = arith.constant 0 : i32
      %dma_start3A_126 = tpu.memref_slice %arg12[%mul3A_77, %dma_start3A_125] : memref<10112x8xf32, #tpu.memory_space<vmem_shared>> -> memref<632x8xf32, #tpu.memory_space<vmem_shared>>
      tpu.enqueue_dma source(%arg11 : memref<632x8xf32, #tpu.memory_space<vmem>>) target(%dma_start3A_126 : memref<632x8xf32, #tpu.memory_space<vmem_shared>>) target_semaphore(%run_scoped3A : memref<!tpu.dma_semaphore, #tpu.memory_space<semaphore_mem>>)
      %dma_wait3A = arith.constant 0 : i32
      %dma_wait3A_127 = tpu.memref_slice %arg12[%mul3A_77, %dma_wait3A] : memref<10112x8xf32, #tpu.memory_space<vmem_shared>> -> memref<632x8xf32, #tpu.memory_space<vmem_shared>>
      %dma_wait3A_128 = arith.constant 0 : i32
      %dma_wait3A_129 = tpu.memref_slice %arg12[%mul3A_77, %dma_wait3A_128] : memref<10112x8xf32, #tpu.memory_space<vmem_shared>> -> memref<632x8xf32, #tpu.memory_space<vmem_shared>>
      tpu.wait_dma2 semaphore(%run_scoped3A : memref<!tpu.dma_semaphore, #tpu.memory_space<semaphore_mem>>) src(%arg11 : memref<632x8xf32, #tpu.memory_space<vmem>>) dst(%dma_wait3A_129 : memref<632x8xf32, #tpu.memory_space<vmem_shared>>)
      tpu.yield
    }) : () -> ()
    %barrier3A = arith.constant 0 : index
    tpu.barrier barrier_id(%barrier3A)
    %mul3A_78 = arith.constant 80 : i32
    %mul3A_79 = arith.muli %add3A, %mul3A_78 : i32
    %sub3A = arith.constant 2500 : i32
    %sub3A_80 = arith.subi %sub3A, %mul3A_79 : i32
    %min3A = arith.constant 80 : i32
    %min3A_81 = arith.minsi %min3A, %sub3A_80 : i32
    %max3A = arith.constant 0 : i32
    %max3A_82 = arith.maxsi %max3A, %min3A_81 : i32
    %dma_start3A = arith.constant 0 : i32
    %dma_start3A_83 = tpu.memref_slice %arg7[%dma_start3A] : memref<10240xi32, #tpu.memory_space<vmem>> -> memref<128xi32, #tpu.memory_space<vmem>>
    %dma_start3A_84 = arith.constant 0 : i32
    %dma_start3A_85 = arith.constant 0 : i32
    %dma_start3A_86 = tpu.memref_slice %arg13[%dma_start3A_84, %dma_start3A_85] : memref<10112x8xf32, #tpu.memory_space<vmem_shared>> -> memref<10112x8xf32, #tpu.memory_space<vmem_shared>>
    tpu.enqueue_indirect_dma source(%dma_start3A_86 : memref<10112x8xf32, #tpu.memory_space<vmem_shared>>) target(%arg9 : memref<128x8xf32, #tpu.memory_space<vmem>>) offsets(%dma_start3A_83 : memref<128xi32, #tpu.memory_space<vmem>>) semaphore(%arg14 : memref<!tpu.dma_semaphore, #tpu.memory_space<semaphore_mem>>)
    %dma_start3A_87 = arith.constant 128 : i32
    %dma_start3A_88 = tpu.memref_slice %arg7[%dma_start3A_87] : memref<10240xi32, #tpu.memory_space<vmem>> -> memref<128xi32, #tpu.memory_space<vmem>>
    %dma_start3A_89 = arith.constant 0 : i32
    %dma_start3A_90 = arith.constant 0 : i32
    %dma_start3A_91 = tpu.memref_slice %arg13[%dma_start3A_89, %dma_start3A_90] : memref<10112x8xf32, #tpu.memory_space<vmem_shared>> -> memref<10112x8xf32, #tpu.memory_space<vmem_shared>>
    tpu.enqueue_indirect_dma source(%dma_start3A_91 : memref<10112x8xf32, #tpu.memory_space<vmem_shared>>) target(%arg10 : memref<128x8xf32, #tpu.memory_space<vmem>>) offsets(%dma_start3A_88 : memref<128xi32, #tpu.memory_space<vmem>>) semaphore(%arg14 : memref<!tpu.dma_semaphore, #tpu.memory_space<semaphore_mem>>)
    %jit3A = arith.constant 2 : i32
    %div3A = arith.divsi %max3A_82, %jit3A : i32
    %sign3A = arith.constant 0 : i32
    %sign3A_92 = arith.cmpi sgt, %max3A_82, %sign3A : i32
    %sign3A_93 = arith.extui %sign3A_92 : i1 to i32
    %sign3A_94 = arith.constant 0 : i32
    %sign3A_95 = arith.cmpi slt, %max3A_82, %sign3A_94 : i32
    %sign3A_96 = arith.extui %sign3A_95 : i1 to i32
    %sign3A_97 = arith.subi %sign3A_93, %sign3A_96 : i32
    %sign3A_98 = arith.constant 0 : i32
    %sign3A_99 = arith.cmpi sgt, %jit3A, %sign3A_98 : i32
    %sign3A_100 = arith.extui %sign3A_99 : i1 to i32
    %sign3A_101 = arith.constant 0 : i32
    %sign3A_102 = arith.cmpi slt, %jit3A, %sign3A_101 : i32
    %sign3A_103 = arith.extui %sign3A_102 : i1 to i32
    %sign3A_104 = arith.subi %sign3A_100, %sign3A_103 : i32
    %ne3A = arith.cmpi ne, %sign3A_97, %sign3A_104 : i32
    %rem3A = arith.remsi %max3A_82, %jit3A : i32
    %ne3A_105 = arith.constant 0 : i32
    %ne3A_106 = arith.cmpi ne, %rem3A, %ne3A_105 : i32
    %and3A = arith.andi %ne3A, %ne3A_106 : i1
    %sub3A_107 = arith.constant 1 : i32
    %sub3A_108 = arith.subi %div3A, %sub3A_107 : i32
    %select_n3A = arith.select %and3A, %sub3A_108, %div3A : i32
    %while3A = arith.constant 0 : i32
    %while3A_109 = arith.constant 0 : i32
    %while3A_110 = arith.subi %select_n3A, %while3A_109 : i32
    %while3A_111 = arith.addi %while3A_109, %while3A_110 : i32
    %while3A_112 = arith.constant 1 : i32
    %while3A_113 = arith.divsi %while3A_110, %while3A_112 : i32
    %while3A_114 = arith.muli %while3A_113, %while3A_112 : i32
    %while3A_115 = arith.addi %while3A_109, %while3A_114 : i32
    %while3A_116 = arith.constant 1 : i32
    scf.for %while3A_123 = %while3A_109 to %while3A_115 step %while3A_116  : i32 {
      %mul3A_124 = arith.constant 2 : i32
      %mul3A_125 = arith.muli %while3A_123, %mul3A_124 : i32
      %add3A_126 = arith.constant 0 : i32
      %add3A_127 = arith.addi %mul3A_125, %add3A_126 : i32
      %mul3A_128 = arith.constant 128 : i32
      %mul3A_129 = arith.muli %add3A_127, %mul3A_128 : i32
      %dma_wait3A = tpu.memref_slice %arg7[%mul3A_129] : memref<10240xi32, #tpu.memory_space<vmem>> -> memref<128xi32, #tpu.memory_space<vmem>>
      %dma_wait3A_130 = arith.constant 0 : i32
      %dma_wait3A_131 = arith.constant 0 : i32
      %dma_wait3A_132 = tpu.memref_slice %arg13[%dma_wait3A_130, %dma_wait3A_131] : memref<10112x8xf32, #tpu.memory_space<vmem_shared>> -> memref<10112x8xf32, #tpu.memory_space<vmem_shared>>
      tpu.wait_indirect_dma semaphore(%arg14 : memref<!tpu.dma_semaphore, #tpu.memory_space<semaphore_mem>>) src(%dma_wait3A_132 : memref<10112x8xf32, #tpu.memory_space<vmem_shared>>) dst(%arg9 : memref<128x8xf32, #tpu.memory_space<vmem>>)
      %mul3A_133 = arith.constant 128 : i32
      %mul3A_134 = arith.muli %add3A_127, %mul3A_133 : i32
      "tpu.region"() ({
        %run_scoped3A = tpu.sem_alloc : memref<!tpu.dma_semaphore, #tpu.memory_space<semaphore_mem>>
        %dma_start3A_158 = tpu.memref_slice %arg8[%mul3A_134] : memref<10240xi32, #tpu.memory_space<vmem>> -> memref<128xi32, #tpu.memory_space<vmem>>
        %dma_start3A_159 = arith.constant 0 : i32
        %dma_start3A_160 = arith.constant 0 : i32
        %dma_start3A_161 = tpu.memref_slice %arg12[%dma_start3A_159, %dma_start3A_160] : memref<10112x8xf32, #tpu.memory_space<vmem_shared>> -> memref<10112x8xf32, #tpu.memory_space<vmem_shared>>
        tpu.enqueue_indirect_dma source(%arg9 : memref<128x8xf32, #tpu.memory_space<vmem>>) target(%dma_start3A_161 : memref<10112x8xf32, #tpu.memory_space<vmem_shared>>) offsets(%dma_start3A_158 : memref<128xi32, #tpu.memory_space<vmem>>) semaphore(%run_scoped3A : memref<!tpu.dma_semaphore, #tpu.memory_space<semaphore_mem>>) {add = true}
        %dma_wait3A_162 = tpu.memref_slice %arg8[%mul3A_134] : memref<10240xi32, #tpu.memory_space<vmem>> -> memref<128xi32, #tpu.memory_space<vmem>>
        %dma_wait3A_163 = arith.constant 0 : i32
        %dma_wait3A_164 = arith.constant 0 : i32
        %dma_wait3A_165 = tpu.memref_slice %arg12[%dma_wait3A_163, %dma_wait3A_164] : memref<10112x8xf32, #tpu.memory_space<vmem_shared>> -> memref<10112x8xf32, #tpu.memory_space<vmem_shared>>
        tpu.wait_indirect_dma semaphore(%run_scoped3A : memref<!tpu.dma_semaphore, #tpu.memory_space<semaphore_mem>>) src(%arg9 : memref<128x8xf32, #tpu.memory_space<vmem>>) dst(%dma_wait3A_165 : memref<10112x8xf32, #tpu.memory_space<vmem_shared>>)
        tpu.yield
      }) : () -> ()
      %add3A_135 = arith.constant 2 : i32
      %add3A_136 = arith.addi %add3A_127, %add3A_135 : i32
      %lt3A = arith.cmpi slt, %add3A_136, %max3A_82 : i32
      %convert_element_type3A_137 = arith.extui %lt3A : i1 to i32
      %cond3A_138 = arith.constant 0 : i32
      %cond3A_139 = arith.cmpi ne, %convert_element_type3A_137, %cond3A_138 : i32
      scf.if %cond3A_139 {
        %add3A_158 = arith.constant 2 : i32
        %add3A_159 = arith.addi %add3A_127, %add3A_158 : i32
        %mul3A_160 = arith.constant 128 : i32
        %mul3A_161 = arith.muli %add3A_159, %mul3A_160 : i32
        %dma_start3A_162 = tpu.memref_slice %arg7[%mul3A_161] : memref<10240xi32, #tpu.memory_space<vmem>> -> memref<128xi32, #tpu.memory_space<vmem>>
        %dma_start3A_163 = arith.constant 0 : i32
        %dma_start3A_164 = arith.constant 0 : i32
        %dma_start3A_165 = tpu.memref_slice %arg13[%dma_start3A_163, %dma_start3A_164] : memref<10112x8xf32, #tpu.memory_space<vmem_shared>> -> memref<10112x8xf32, #tpu.memory_space<vmem_shared>>
        tpu.enqueue_indirect_dma source(%dma_start3A_165 : memref<10112x8xf32, #tpu.memory_space<vmem_shared>>) target(%arg9 : memref<128x8xf32, #tpu.memory_space<vmem>>) offsets(%dma_start3A_162 : memref<128xi32, #tpu.memory_space<vmem>>) semaphore(%arg14 : memref<!tpu.dma_semaphore, #tpu.memory_space<semaphore_mem>>)
      } else {
      }
      %mul3A_140 = arith.constant 2 : i32
      %mul3A_141 = arith.muli %while3A_123, %mul3A_140 : i32
      %add3A_142 = arith.constant 1 : i32
      %add3A_143 = arith.addi %mul3A_141, %add3A_142 : i32
      %mul3A_144 = arith.constant 128 : i32
      %mul3A_145 = arith.muli %add3A_143, %mul3A_144 : i32
      %dma_wait3A_146 = tpu.memref_slice %arg7[%mul3A_145] : memref<10240xi32, #tpu.memory_space<vmem>> -> memref<128xi32, #tpu.memory_space<vmem>>
      %dma_wait3A_147 = arith.constant 0 : i32
      %dma_wait3A_148 = arith.constant 0 : i32
      %dma_wait3A_149 = tpu.memref_slice %arg13[%dma_wait3A_147, %dma_wait3A_148] : memref<10112x8xf32, #tpu.memory_space<vmem_shared>> -> memref<10112x8xf32, #tpu.memory_space<vmem_shared>>
      tpu.wait_indirect_dma semaphore(%arg14 : memref<!tpu.dma_semaphore, #tpu.memory_space<semaphore_mem>>) src(%dma_wait3A_149 : memref<10112x8xf32, #tpu.memory_space<vmem_shared>>) dst(%arg10 : memref<128x8xf32, #tpu.memory_space<vmem>>)
      %mul3A_150 = arith.constant 128 : i32
      %mul3A_151 = arith.muli %add3A_143, %mul3A_150 : i32
      "tpu.region"() ({
        %run_scoped3A = tpu.sem_alloc : memref<!tpu.dma_semaphore, #tpu.memory_space<semaphore_mem>>
        %dma_start3A_158 = tpu.memref_slice %arg8[%mul3A_151] : memref<10240xi32, #tpu.memory_space<vmem>> -> memref<128xi32, #tpu.memory_space<vmem>>
        %dma_start3A_159 = arith.constant 0 : i32
        %dma_start3A_160 = arith.constant 0 : i32
        %dma_start3A_161 = tpu.memref_slice %arg12[%dma_start3A_159, %dma_start3A_160] : memref<10112x8xf32, #tpu.memory_space<vmem_shared>> -> memref<10112x8xf32, #tpu.memory_space<vmem_shared>>
        tpu.enqueue_indirect_dma source(%arg10 : memref<128x8xf32, #tpu.memory_space<vmem>>) target(%dma_start3A_161 : memref<10112x8xf32, #tpu.memory_space<vmem_shared>>) offsets(%dma_start3A_158 : memref<128xi32, #tpu.memory_space<vmem>>) semaphore(%run_scoped3A : memref<!tpu.dma_semaphore, #tpu.memory_space<semaphore_mem>>) {add = true}
        %dma_wait3A_162 = tpu.memref_slice %arg8[%mul3A_151] : memref<10240xi32, #tpu.memory_space<vmem>> -> memref<128xi32, #tpu.memory_space<vmem>>
        %dma_wait3A_163 = arith.constant 0 : i32
        %dma_wait3A_164 = arith.constant 0 : i32
        %dma_wait3A_165 = tpu.memref_slice %arg12[%dma_wait3A_163, %dma_wait3A_164] : memref<10112x8xf32, #tpu.memory_space<vmem_shared>> -> memref<10112x8xf32, #tpu.memory_space<vmem_shared>>
        tpu.wait_indirect_dma semaphore(%run_scoped3A : memref<!tpu.dma_semaphore, #tpu.memory_space<semaphore_mem>>) src(%arg10 : memref<128x8xf32, #tpu.memory_space<vmem>>) dst(%dma_wait3A_165 : memref<10112x8xf32, #tpu.memory_space<vmem_shared>>)
        tpu.yield
      }) : () -> ()
      %add3A_152 = arith.constant 2 : i32
      %add3A_153 = arith.addi %add3A_143, %add3A_152 : i32
      %lt3A_154 = arith.cmpi slt, %add3A_153, %max3A_82 : i32
      %convert_element_type3A_155 = arith.extui %lt3A_154 : i1 to i32
      %cond3A_156 = arith.constant 0 : i32
      %cond3A_157 = arith.cmpi ne, %convert_element_type3A_155, %cond3A_156 : i32
      scf.if %cond3A_157 {
        %add3A_158 = arith.constant 2 : i32
        %add3A_159 = arith.addi %add3A_143, %add3A_158 : i32
        %mul3A_160 = arith.constant 128 : i32
        %mul3A_161 = arith.muli %add3A_159, %mul3A_160 : i32
        %dma_start3A_162 = tpu.memref_slice %arg7[%mul3A_161] : memref<10240xi32, #tpu.memory_space<vmem>> -> memref<128xi32, #tpu.memory_space<vmem>>
        %dma_start3A_163 = arith.constant 0 : i32
        %dma_start3A_164 = arith.constant 0 : i32
        %dma_start3A_165 = tpu.memref_slice %arg13[%dma_start3A_163, %dma_start3A_164] : memref<10112x8xf32, #tpu.memory_space<vmem_shared>> -> memref<10112x8xf32, #tpu.memory_space<vmem_shared>>
        tpu.enqueue_indirect_dma source(%dma_start3A_165 : memref<10112x8xf32, #tpu.memory_space<vmem_shared>>) target(%arg10 : memref<128x8xf32, #tpu.memory_space<vmem>>) offsets(%dma_start3A_162 : memref<128xi32, #tpu.memory_space<vmem>>) semaphore(%arg14 : memref<!tpu.dma_semaphore, #tpu.memory_space<semaphore_mem>>)
      } else {
      }
    }
    %while3A_117 = arith.constant 1 : i32
    scf.for %while3A_123 = %while3A_115 to %while3A_111 step %while3A_117  : i32 {
      %mul3A_124 = arith.constant 2 : i32
      %mul3A_125 = arith.muli %while3A_123, %mul3A_124 : i32
      %add3A_126 = arith.constant 0 : i32
      %add3A_127 = arith.addi %mul3A_125, %add3A_126 : i32
      %mul3A_128 = arith.constant 128 : i32
      %mul3A_129 = arith.muli %add3A_127, %mul3A_128 : i32
      %dma_wait3A = tpu.memref_slice %arg7[%mul3A_129] : memref<10240xi32, #tpu.memory_space<vmem>> -> memref<128xi32, #tpu.memory_space<vmem>>
      %dma_wait3A_130 = arith.constant 0 : i32
      %dma_wait3A_131 = arith.constant 0 : i32
      %dma_wait3A_132 = tpu.memref_slice %arg13[%dma_wait3A_130, %dma_wait3A_131] : memref<10112x8xf32, #tpu.memory_space<vmem_shared>> -> memref<10112x8xf32, #tpu.memory_space<vmem_shared>>
      tpu.wait_indirect_dma semaphore(%arg14 : memref<!tpu.dma_semaphore, #tpu.memory_space<semaphore_mem>>) src(%dma_wait3A_132 : memref<10112x8xf32, #tpu.memory_space<vmem_shared>>) dst(%arg9 : memref<128x8xf32, #tpu.memory_space<vmem>>)
      %mul3A_133 = arith.constant 128 : i32
      %mul3A_134 = arith.muli %add3A_127, %mul3A_133 : i32
      "tpu.region"() ({
        %run_scoped3A = tpu.sem_alloc : memref<!tpu.dma_semaphore, #tpu.memory_space<semaphore_mem>>
        %dma_start3A_158 = tpu.memref_slice %arg8[%mul3A_134] : memref<10240xi32, #tpu.memory_space<vmem>> -> memref<128xi32, #tpu.memory_space<vmem>>
        %dma_start3A_159 = arith.constant 0 : i32
        %dma_start3A_160 = arith.constant 0 : i32
        %dma_start3A_161 = tpu.memref_slice %arg12[%dma_start3A_159, %dma_start3A_160] : memref<10112x8xf32, #tpu.memory_space<vmem_shared>> -> memref<10112x8xf32, #tpu.memory_space<vmem_shared>>
        tpu.enqueue_indirect_dma source(%arg9 : memref<128x8xf32, #tpu.memory_space<vmem>>) target(%dma_start3A_161 : memref<10112x8xf32, #tpu.memory_space<vmem_shared>>) offsets(%dma_start3A_158 : memref<128xi32, #tpu.memory_space<vmem>>) semaphore(%run_scoped3A : memref<!tpu.dma_semaphore, #tpu.memory_space<semaphore_mem>>) {add = true}
        %dma_wait3A_162 = tpu.memref_slice %arg8[%mul3A_134] : memref<10240xi32, #tpu.memory_space<vmem>> -> memref<128xi32, #tpu.memory_space<vmem>>
        %dma_wait3A_163 = arith.constant 0 : i32
        %dma_wait3A_164 = arith.constant 0 : i32
        %dma_wait3A_165 = tpu.memref_slice %arg12[%dma_wait3A_163, %dma_wait3A_164] : memref<10112x8xf32, #tpu.memory_space<vmem_shared>> -> memref<10112x8xf32, #tpu.memory_space<vmem_shared>>
        tpu.wait_indirect_dma semaphore(%run_scoped3A : memref<!tpu.dma_semaphore, #tpu.memory_space<semaphore_mem>>) src(%arg9 : memref<128x8xf32, #tpu.memory_space<vmem>>) dst(%dma_wait3A_165 : memref<10112x8xf32, #tpu.memory_space<vmem_shared>>)
        tpu.yield
      }) : () -> ()
      %add3A_135 = arith.constant 2 : i32
      %add3A_136 = arith.addi %add3A_127, %add3A_135 : i32
      %lt3A = arith.cmpi slt, %add3A_136, %max3A_82 : i32
      %convert_element_type3A_137 = arith.extui %lt3A : i1 to i32
      %cond3A_138 = arith.constant 0 : i32
      %cond3A_139 = arith.cmpi ne, %convert_element_type3A_137, %cond3A_138 : i32
      scf.if %cond3A_139 {
        %add3A_158 = arith.constant 2 : i32
        %add3A_159 = arith.addi %add3A_127, %add3A_158 : i32
        %mul3A_160 = arith.constant 128 : i32
        %mul3A_161 = arith.muli %add3A_159, %mul3A_160 : i32
        %dma_start3A_162 = tpu.memref_slice %arg7[%mul3A_161] : memref<10240xi32, #tpu.memory_space<vmem>> -> memref<128xi32, #tpu.memory_space<vmem>>
        %dma_start3A_163 = arith.constant 0 : i32
        %dma_start3A_164 = arith.constant 0 : i32
        %dma_start3A_165 = tpu.memref_slice %arg13[%dma_start3A_163, %dma_start3A_164] : memref<10112x8xf32, #tpu.memory_space<vmem_shared>> -> memref<10112x8xf32, #tpu.memory_space<vmem_shared>>
        tpu.enqueue_indirect_dma source(%dma_start3A_165 : memref<10112x8xf32, #tpu.memory_space<vmem_shared>>) target(%arg9 : memref<128x8xf32, #tpu.memory_space<vmem>>) offsets(%dma_start3A_162 : memref<128xi32, #tpu.memory_space<vmem>>) semaphore(%arg14 : memref<!tpu.dma_semaphore, #tpu.memory_space<semaphore_mem>>)
      } else {
      }
      %mul3A_140 = arith.constant 2 : i32
      %mul3A_141 = arith.muli %while3A_123, %mul3A_140 : i32
      %add3A_142 = arith.constant 1 : i32
      %add3A_143 = arith.addi %mul3A_141, %add3A_142 : i32
      %mul3A_144 = arith.constant 128 : i32
      %mul3A_145 = arith.muli %add3A_143, %mul3A_144 : i32
      %dma_wait3A_146 = tpu.memref_slice %arg7[%mul3A_145] : memref<10240xi32, #tpu.memory_space<vmem>> -> memref<128xi32, #tpu.memory_space<vmem>>
      %dma_wait3A_147 = arith.constant 0 : i32
      %dma_wait3A_148 = arith.constant 0 : i32
      %dma_wait3A_149 = tpu.memref_slice %arg13[%dma_wait3A_147, %dma_wait3A_148] : memref<10112x8xf32, #tpu.memory_space<vmem_shared>> -> memref<10112x8xf32, #tpu.memory_space<vmem_shared>>
      tpu.wait_indirect_dma semaphore(%arg14 : memref<!tpu.dma_semaphore, #tpu.memory_space<semaphore_mem>>) src(%dma_wait3A_149 : memref<10112x8xf32, #tpu.memory_space<vmem_shared>>) dst(%arg10 : memref<128x8xf32, #tpu.memory_space<vmem>>)
      %mul3A_150 = arith.constant 128 : i32
      %mul3A_151 = arith.muli %add3A_143, %mul3A_150 : i32
      "tpu.region"() ({
        %run_scoped3A = tpu.sem_alloc : memref<!tpu.dma_semaphore, #tpu.memory_space<semaphore_mem>>
        %dma_start3A_158 = tpu.memref_slice %arg8[%mul3A_151] : memref<10240xi32, #tpu.memory_space<vmem>> -> memref<128xi32, #tpu.memory_space<vmem>>
        %dma_start3A_159 = arith.constant 0 : i32
        %dma_start3A_160 = arith.constant 0 : i32
        %dma_start3A_161 = tpu.memref_slice %arg12[%dma_start3A_159, %dma_start3A_160] : memref<10112x8xf32, #tpu.memory_space<vmem_shared>> -> memref<10112x8xf32, #tpu.memory_space<vmem_shared>>
        tpu.enqueue_indirect_dma source(%arg10 : memref<128x8xf32, #tpu.memory_space<vmem>>) target(%dma_start3A_161 : memref<10112x8xf32, #tpu.memory_space<vmem_shared>>) offsets(%dma_start3A_158 : memref<128xi32, #tpu.memory_space<vmem>>) semaphore(%run_scoped3A : memref<!tpu.dma_semaphore, #tpu.memory_space<semaphore_mem>>) {add = true}
        %dma_wait3A_162 = tpu.memref_slice %arg8[%mul3A_151] : memref<10240xi32, #tpu.memory_space<vmem>> -> memref<128xi32, #tpu.memory_space<vmem>>
        %dma_wait3A_163 = arith.constant 0 : i32
        %dma_wait3A_164 = arith.constant 0 : i32
        %dma_wait3A_165 = tpu.memref_slice %arg12[%dma_wait3A_163, %dma_wait3A_164] : memref<10112x8xf32, #tpu.memory_space<vmem_shared>> -> memref<10112x8xf32, #tpu.memory_space<vmem_shared>>
        tpu.wait_indirect_dma semaphore(%run_scoped3A : memref<!tpu.dma_semaphore, #tpu.memory_space<semaphore_mem>>) src(%arg10 : memref<128x8xf32, #tpu.memory_space<vmem>>) dst(%dma_wait3A_165 : memref<10112x8xf32, #tpu.memory_space<vmem_shared>>)
        tpu.yield
      }) : () -> ()
      %add3A_152 = arith.constant 2 : i32
      %add3A_153 = arith.addi %add3A_143, %add3A_152 : i32
      %lt3A_154 = arith.cmpi slt, %add3A_153, %max3A_82 : i32
      %convert_element_type3A_155 = arith.extui %lt3A_154 : i1 to i32
      %cond3A_156 = arith.constant 0 : i32
      %cond3A_157 = arith.cmpi ne, %convert_element_type3A_155, %cond3A_156 : i32
      scf.if %cond3A_157 {
        %add3A_158 = arith.constant 2 : i32
        %add3A_159 = arith.addi %add3A_143, %add3A_158 : i32
        %mul3A_160 = arith.constant 128 : i32
        %mul3A_161 = arith.muli %add3A_159, %mul3A_160 : i32
        %dma_start3A_162 = tpu.memref_slice %arg7[%mul3A_161] : memref<10240xi32, #tpu.memory_space<vmem>> -> memref<128xi32, #tpu.memory_space<vmem>>
        %dma_start3A_163 = arith.constant 0 : i32
        %dma_start3A_164 = arith.constant 0 : i32
        %dma_start3A_165 = tpu.memref_slice %arg13[%dma_start3A_163, %dma_start3A_164] : memref<10112x8xf32, #tpu.memory_space<vmem_shared>> -> memref<10112x8xf32, #tpu.memory_space<vmem_shared>>
        tpu.enqueue_indirect_dma source(%dma_start3A_165 : memref<10112x8xf32, #tpu.memory_space<vmem_shared>>) target(%arg10 : memref<128x8xf32, #tpu.memory_space<vmem>>) offsets(%dma_start3A_162 : memref<128xi32, #tpu.memory_space<vmem>>) semaphore(%arg14 : memref<!tpu.dma_semaphore, #tpu.memory_space<semaphore_mem>>)
      } else {
      }
    }
    %barrier3A_118 = arith.constant 0 : index
    tpu.barrier barrier_id(%barrier3A_118)
    %mul3A_119 = arith.constant 632 : i32
    %mul3A_120 = arith.muli %arg1, %mul3A_119 : i32
    "tpu.region"() ({
      %run_scoped3A = tpu.sem_alloc : memref<!tpu.dma_semaphore, #tpu.memory_space<semaphore_mem>>
      %dma_start3A_123 = arith.constant 0 : i32
      %dma_start3A_124 = tpu.memref_slice %arg12[%mul3A_120, %dma_start3A_123] : memref<10112x8xf32, #tpu.memory_space<vmem_shared>> -> memref<632x8xf32, #tpu.memory_space<vmem_shared>>
      %dma_start3A_125 = arith.constant 0 : i32
      %dma_start3A_126 = tpu.memref_slice %arg12[%mul3A_120, %dma_start3A_125] : memref<10112x8xf32, #tpu.memory_space<vmem_shared>> -> memref<632x8xf32, #tpu.memory_space<vmem_shared>>
      tpu.enqueue_dma source(%dma_start3A_126 : memref<632x8xf32, #tpu.memory_space<vmem_shared>>) target(%arg11 : memref<632x8xf32, #tpu.memory_space<vmem>>) target_semaphore(%run_scoped3A : memref<!tpu.dma_semaphore, #tpu.memory_space<semaphore_mem>>)
      %dma_wait3A = arith.constant 0 : i32
      %dma_wait3A_127 = tpu.memref_slice %arg12[%mul3A_120, %dma_wait3A] : memref<10112x8xf32, #tpu.memory_space<vmem_shared>> -> memref<632x8xf32, #tpu.memory_space<vmem_shared>>
      %dma_wait3A_128 = arith.constant 0 : i32
      %dma_wait3A_129 = tpu.memref_slice %arg12[%mul3A_120, %dma_wait3A_128] : memref<10112x8xf32, #tpu.memory_space<vmem_shared>> -> memref<632x8xf32, #tpu.memory_space<vmem_shared>>
      tpu.wait_dma2 semaphore(%run_scoped3A : memref<!tpu.dma_semaphore, #tpu.memory_space<semaphore_mem>>) src(%dma_wait3A_129 : memref<632x8xf32, #tpu.memory_space<vmem_shared>>) dst(%arg11 : memref<632x8xf32, #tpu.memory_space<vmem>>)
      tpu.yield
    }) : () -> ()
    %mul3A_121 = arith.constant 632 : i32
    %mul3A_122 = arith.muli %arg1, %mul3A_121 : i32
    "tpu.region"() ({
      %run_scoped3A = tpu.sem_alloc : memref<!tpu.dma_semaphore, #tpu.memory_space<semaphore_mem>>
      %dma_start3A_123 = arith.constant 0 : i32
      %dma_start3A_124 = tpu.memref_slice %arg6[%arg0, %mul3A_122, %dma_start3A_123] : memref<2x10112x8xf32, #tpu.memory_space<hbm>> -> memref<1x632x8xf32, #tpu.memory_space<hbm>>
      %dma_start3A_125 = tpu.memref_squeeze %dma_start3A_124 : memref<1x632x8xf32, #tpu.memory_space<hbm>> -> memref<632x8xf32, #tpu.memory_space<hbm>>
      %dma_start3A_126 = arith.constant 0 : i32
      %dma_start3A_127 = tpu.memref_slice %arg6[%arg0, %mul3A_122, %dma_start3A_126] : memref<2x10112x8xf32, #tpu.memory_space<hbm>> -> memref<1x632x8xf32, #tpu.memory_space<hbm>>
      %dma_start3A_128 = tpu.memref_squeeze %dma_start3A_127 : memref<1x632x8xf32, #tpu.memory_space<hbm>> -> memref<632x8xf32, #tpu.memory_space<hbm>>
      tpu.enqueue_dma source(%arg11 : memref<632x8xf32, #tpu.memory_space<vmem>>) target(%dma_start3A_128 : memref<632x8xf32, #tpu.memory_space<hbm>>) target_semaphore(%run_scoped3A : memref<!tpu.dma_semaphore, #tpu.memory_space<semaphore_mem>>)
      %dma_wait3A = arith.constant 0 : i32
      %dma_wait3A_129 = tpu.memref_slice %arg6[%arg0, %mul3A_122, %dma_wait3A] : memref<2x10112x8xf32, #tpu.memory_space<hbm>> -> memref<1x632x8xf32, #tpu.memory_space<hbm>>
      %dma_wait3A_130 = tpu.memref_squeeze %dma_wait3A_129 : memref<1x632x8xf32, #tpu.memory_space<hbm>> -> memref<632x8xf32, #tpu.memory_space<hbm>>
      %dma_wait3A_131 = arith.constant 0 : i32
      %dma_wait3A_132 = tpu.memref_slice %arg6[%arg0, %mul3A_122, %dma_wait3A_131] : memref<2x10112x8xf32, #tpu.memory_space<hbm>> -> memref<1x632x8xf32, #tpu.memory_space<hbm>>
      %dma_wait3A_133 = tpu.memref_squeeze %dma_wait3A_132 : memref<1x632x8xf32, #tpu.memory_space<hbm>> -> memref<632x8xf32, #tpu.memory_space<hbm>>
      tpu.wait_dma2 semaphore(%run_scoped3A : memref<!tpu.dma_semaphore, #tpu.memory_space<semaphore_mem>>) src(%arg11 : memref<632x8xf32, #tpu.memory_space<vmem>>) dst(%dma_wait3A_133 : memref<632x8xf32, #tpu.memory_space<hbm>>)
      tpu.yield
    }) : () -> ()
    return
  }
}

module attributes {stable_mosaic.version = 14 : i64} {
  func.func @_tc_xw(%arg0: memref<632x2048xf32, #tpu.memory_space<vmem>>, %arg1: memref<2048x128xf32, #tpu.memory_space<vmem>>, %arg2: memref<632x128xf32, #tpu.memory_space<vmem>>) attributes {dimension_semantics = [], scalar_prefetch = 0 : i64, scratch_operands = 0 : i64, tpu.core_type = #tpu.core_type<tc>} {
    %get3A = arith.constant 0 : index
    %get3A_0 = arith.constant 0 : index
    %get3A_1 = vector.load %arg0[%get3A, %get3A_0] : memref<632x2048xf32, #tpu.memory_space<vmem>>, vector<632x2048xf32>
    %get3A_2 = arith.constant 0 : index
    %get3A_3 = arith.constant 0 : index
    %get3A_4 = vector.load %arg1[%get3A_2, %get3A_3] : memref<2048x128xf32, #tpu.memory_space<vmem>>, vector<2048x128xf32>
    %dot_general3A = arith.constant dense<0.000000e+00> : vector<632x128xf32>
    %dot_general3A_5 = tpu.matmul %get3A_1, %get3A_4, %dot_general3A {dimension_numbers = #tpu.dot_dimension_numbers<[1], [0], [0], [1], [0, 0, 1, 1], [], []>, transpose_lhs_hint = false} : vector<632x2048xf32>, vector<2048x128xf32>, vector<632x128xf32> -> vector<632x128xf32>
    %swap3A = arith.constant 0 : index
    %swap3A_6 = arith.constant 0 : index
    %swap3A_7 = vector.load %arg2[%swap3A, %swap3A_6] : memref<632x128xf32, #tpu.memory_space<vmem>>, vector<632x128xf32>
    tpu.vector_store %arg2[%swap3A, %swap3A_6], %dot_general3A_5 {strides = array<i32>} : memref<632x128xf32, #tpu.memory_space<vmem>>, vector<632x128xf32>,
    return
  }
}

module attributes {stable_mosaic.version = 14 : i64} {
  func.func @_tc_dinv(%arg0: memref<2x632x128xf32, #tpu.memory_space<vmem>>, %arg1: memref<632x128xf32, #tpu.memory_space<vmem>>, %arg2: memref<632x128xf32, #tpu.memory_space<vmem>>, %arg3: memref<632x128xf32, #tpu.memory_space<vmem>>) attributes {dimension_semantics = [], scalar_prefetch = 0 : i64, scratch_operands = 0 : i64, tpu.core_type = #tpu.core_type<tc>} {
    %get3A = arith.constant 0 : index
    %get3A_0 = arith.constant 0 : index
    %get3A_1 = arith.constant 0 : index
    %get3A_2 = vector.load %arg0[%get3A, %get3A_0, %get3A_1] : memref<2x632x128xf32, #tpu.memory_space<vmem>>, vector<1x632x128xf32>
    %get3A_3 = vector.shape_cast %get3A_2 : vector<1x632x128xf32> to vector<632x128xf32>
    %get3A_4 = arith.constant 1 : index
    %get3A_5 = arith.constant 0 : index
    %get3A_6 = arith.constant 0 : index
    %get3A_7 = vector.load %arg0[%get3A_4, %get3A_5, %get3A_6] : memref<2x632x128xf32, #tpu.memory_space<vmem>>, vector<1x632x128xf32>
    %get3A_8 = vector.shape_cast %get3A_7 : vector<1x632x128xf32> to vector<632x128xf32>
    %add3A = arith.addf %get3A_3, %get3A_8 : vector<632x128xf32>
    %add3A_9 = arith.constant 1.000000e+00 : f32
    %add3A_10 = vector.broadcast %add3A_9 : f32 to vector<632x128xf32>
    %add3A_11 = arith.addf %add3A, %add3A_10 : vector<632x128xf32>
    %rsqrt3A = math.rsqrt %add3A_11 : vector<632x128xf32>
    %swap3A = arith.constant 0 : index
    %swap3A_12 = arith.constant 0 : index
    %swap3A_13 = vector.load %arg2[%swap3A, %swap3A_12] : memref<632x128xf32, #tpu.memory_space<vmem>>, vector<632x128xf32>
    tpu.vector_store %arg2[%swap3A, %swap3A_12], %rsqrt3A {strides = array<i32>} : memref<632x128xf32, #tpu.memory_space<vmem>>, vector<632x128xf32>,
    %get3A_14 = arith.constant 0 : index
    %get3A_15 = arith.constant 0 : index
    %get3A_16 = vector.load %arg1[%get3A_14, %get3A_15] : memref<632x128xf32, #tpu.memory_space<vmem>>, vector<632x128xf32>
    %mul3A = arith.mulf %rsqrt3A, %get3A_16 : vector<632x128xf32>
    %swap3A_17 = arith.constant 0 : index
    %swap3A_18 = arith.constant 0 : index
    %swap3A_19 = vector.load %arg3[%swap3A_17, %swap3A_18] : memref<632x128xf32, #tpu.memory_space<vmem>>, vector<632x128xf32>
    tpu.vector_store %arg3[%swap3A_17, %swap3A_18], %mul3A {strides = array<i32>} : memref<632x128xf32, #tpu.memory_space<vmem>>, vector<632x128xf32>,
    return
  }
}

module attributes {stable_mosaic.version = 14 : i64} {
  func.func @_tc_layer(%arg0: memref<2x632x128xf32, #tpu.memory_space<vmem>>, %arg1: memref<632x128xf32, #tpu.memory_space<vmem>>, %arg2: memref<632x128xf32, #tpu.memory_space<vmem>>, %arg3: memref<1x128xf32, #tpu.memory_space<vmem>>, %arg4: memref<128x128xf32, #tpu.memory_space<vmem>>, %arg5: memref<632x128xf32, #tpu.memory_space<vmem>>) attributes {dimension_semantics = [], scalar_prefetch = 0 : i64, scratch_operands = 0 : i64, tpu.core_type = #tpu.core_type<tc>} {
    %get3A = arith.constant 0 : index
    %get3A_0 = arith.constant 0 : index
    %get3A_1 = vector.load %arg2[%get3A, %get3A_0] : memref<632x128xf32, #tpu.memory_space<vmem>>, vector<632x128xf32>
    %get3A_2 = arith.constant 0 : index
    %get3A_3 = arith.constant 0 : index
    %get3A_4 = arith.constant 0 : index
    %get3A_5 = vector.load %arg0[%get3A_2, %get3A_3, %get3A_4] : memref<2x632x128xf32, #tpu.memory_space<vmem>>, vector<1x632x128xf32>
    %get3A_6 = vector.shape_cast %get3A_5 : vector<1x632x128xf32> to vector<632x128xf32>
    %get3A_7 = arith.constant 1 : index
    %get3A_8 = arith.constant 0 : index
    %get3A_9 = arith.constant 0 : index
    %get3A_10 = vector.load %arg0[%get3A_7, %get3A_8, %get3A_9] : memref<2x632x128xf32, #tpu.memory_space<vmem>>, vector<1x632x128xf32>
    %get3A_11 = vector.shape_cast %get3A_10 : vector<1x632x128xf32> to vector<632x128xf32>
    %add3A = arith.addf %get3A_6, %get3A_11 : vector<632x128xf32>
    %get3A_12 = arith.constant 0 : index
    %get3A_13 = arith.constant 0 : index
    %get3A_14 = vector.load %arg1[%get3A_12, %get3A_13] : memref<632x128xf32, #tpu.memory_space<vmem>>, vector<632x128xf32>
    %add3A_15 = arith.addf %add3A, %get3A_14 : vector<632x128xf32>
    %mul3A = arith.mulf %get3A_1, %add3A_15 : vector<632x128xf32>
    %get3A_16 = arith.constant 0 : index
    %get3A_17 = arith.constant 0 : index
    %get3A_18 = vector.load %arg3[%get3A_16, %get3A_17] : memref<1x128xf32, #tpu.memory_space<vmem>>, vector<1x128xf32>
    %add3A_19 = vector.broadcast %get3A_18 : vector<1x128xf32> to vector<632x128xf32>
    %add3A_20 = arith.addf %mul3A, %add3A_19 : vector<632x128xf32>
    %tanh3A = math.tanh %add3A_20 : vector<632x128xf32>
    %get3A_21 = arith.constant 0 : index
    %get3A_22 = arith.constant 0 : index
    %get3A_23 = vector.load %arg4[%get3A_21, %get3A_22] : memref<128x128xf32, #tpu.memory_space<vmem>>, vector<128x128xf32>
    %dot_general3A = arith.constant dense<0.000000e+00> : vector<632x128xf32>
    %dot_general3A_24 = tpu.matmul %tanh3A, %get3A_23, %dot_general3A {dimension_numbers = #tpu.dot_dimension_numbers<[1], [0], [0], [1], [0, 0, 1, 1], [], []>, transpose_lhs_hint = false} : vector<632x128xf32>, vector<128x128xf32>, vector<632x128xf32> -> vector<632x128xf32>
    %mul3A_25 = arith.mulf %get3A_1, %dot_general3A_24 : vector<632x128xf32>
    %swap3A = arith.constant 0 : index
    %swap3A_26 = arith.constant 0 : index
    %swap3A_27 = vector.load %arg5[%swap3A, %swap3A_26] : memref<632x128xf32, #tpu.memory_space<vmem>>, vector<632x128xf32>
    tpu.vector_store %arg5[%swap3A, %swap3A_26], %mul3A_25 {strides = array<i32>} : memref<632x128xf32, #tpu.memory_space<vmem>>, vector<632x128xf32>,
    return
  }
}

module attributes {stable_mosaic.version = 14 : i64} {
  func.func @_tc_final(%arg0: memref<2x632x128xf32, #tpu.memory_space<vmem>>, %arg1: memref<632x128xf32, #tpu.memory_space<vmem>>, %arg2: memref<632x128xf32, #tpu.memory_space<vmem>>, %arg3: memref<1x128xf32, #tpu.memory_space<vmem>>, %arg4: memref<128x192xf32, #tpu.memory_space<vmem>>, %arg5: memref<1x192xf32, #tpu.memory_space<vmem>>, %arg6: memref<632x192xf32, #tpu.memory_space<vmem>>) attributes {dimension_semantics = [], scalar_prefetch = 0 : i64, scratch_operands = 0 : i64, tpu.core_type = #tpu.core_type<tc>} {
    %get3A = arith.constant 0 : index
    %get3A_0 = arith.constant 0 : index
    %get3A_1 = vector.load %arg2[%get3A, %get3A_0] : memref<632x128xf32, #tpu.memory_space<vmem>>, vector<632x128xf32>
    %get3A_2 = arith.constant 0 : index
    %get3A_3 = arith.constant 0 : index
    %get3A_4 = arith.constant 0 : index
    %get3A_5 = vector.load %arg0[%get3A_2, %get3A_3, %get3A_4] : memref<2x632x128xf32, #tpu.memory_space<vmem>>, vector<1x632x128xf32>
    %get3A_6 = vector.shape_cast %get3A_5 : vector<1x632x128xf32> to vector<632x128xf32>
    %get3A_7 = arith.constant 1 : index
    %get3A_8 = arith.constant 0 : index
    %get3A_9 = arith.constant 0 : index
    %get3A_10 = vector.load %arg0[%get3A_7, %get3A_8, %get3A_9] : memref<2x632x128xf32, #tpu.memory_space<vmem>>, vector<1x632x128xf32>
    %get3A_11 = vector.shape_cast %get3A_10 : vector<1x632x128xf32> to vector<632x128xf32>
    %add3A = arith.addf %get3A_6, %get3A_11 : vector<632x128xf32>
    %get3A_12 = arith.constant 0 : index
    %get3A_13 = arith.constant 0 : index
    %get3A_14 = vector.load %arg1[%get3A_12, %get3A_13] : memref<632x128xf32, #tpu.memory_space<vmem>>, vector<632x128xf32>
    %add3A_15 = arith.addf %add3A, %get3A_14 : vector<632x128xf32>
    %mul3A = arith.mulf %get3A_1, %add3A_15 : vector<632x128xf32>
    %get3A_16 = arith.constant 0 : index
    %get3A_17 = arith.constant 0 : index
    %get3A_18 = vector.load %arg3[%get3A_16, %get3A_17] : memref<1x128xf32, #tpu.memory_space<vmem>>, vector<1x128xf32>
    %add3A_19 = vector.broadcast %get3A_18 : vector<1x128xf32> to vector<632x128xf32>
    %add3A_20 = arith.addf %mul3A, %add3A_19 : vector<632x128xf32>
    %tanh3A = math.tanh %add3A_20 : vector<632x128xf32>
    %get3A_21 = arith.constant 0 : index
    %get3A_22 = arith.constant 0 : index
    %get3A_23 = vector.load %arg4[%get3A_21, %get3A_22] : memref<128x192xf32, #tpu.memory_space<vmem>>, vector<128x192xf32>
    %dot_general3A = arith.constant dense<0.000000e+00> : vector<632x192xf32>
    %dot_general3A_24 = tpu.matmul %tanh3A, %get3A_23, %dot_general3A {dimension_numbers = #tpu.dot_dimension_numbers<[1], [0], [0], [1], [0, 0, 1, 1], [], []>, transpose_lhs_hint = false} : vector<632x128xf32>, vector<128x192xf32>, vector<632x192xf32> -> vector<632x192xf32>
    %get3A_25 = arith.constant 0 : index
    %get3A_26 = arith.constant 0 : index
    %get3A_27 = vector.load %arg5[%get3A_25, %get3A_26] : memref<1x192xf32, #tpu.memory_space<vmem>>, vector<1x192xf32>
    %add3A_28 = vector.broadcast %get3A_27 : vector<1x192xf32> to vector<632x192xf32>
    %add3A_29 = arith.addf %dot_general3A_24, %add3A_28 : vector<632x192xf32>
    %swap3A = arith.constant 0 : index
    %swap3A_30 = arith.constant 0 : index
    %swap3A_31 = vector.load %arg6[%swap3A, %swap3A_30] : memref<632x192xf32, #tpu.memory_space<vmem>>, vector<632x192xf32>
    tpu.vector_store %arg6[%swap3A, %swap3A_30], %add3A_29 {strides = array<i32>} : memref<632x192xf32, #tpu.memory_space<vmem>>, vector<632x192xf32>,
    return
  }
}

</mosaic_0001>

<sc_bundles>
// kernel: kernel.11.cloned.1.call-start
scs
__scs_entry_jumppad:
0x0: {  	(pc) =	sbr.rel $0x88, $3  }
0x1: {  	(tag) =	ssettag $0x0;
	lr =	simm.s32 $0x1  }
0x2: {  	[smem:$0x3F97] =	sst lr;
	_ =	strace $0xD0000000  }
0x3: {  	_ = 	snop  }
0x4: {  	_ = 	snop  }
0x5: {  	_ = 	snop  }
0x6: {  	_ = 	snop  }
0x7: {  	_ = 	snop  }
__scs_overlays_trampoline_lowered:
0x8: {  	[smem:$0x3FA6] =	sst s0  }
0x9: {  	[smem:$0x3FA7] =	sst s1  }
0xa: {  	[smem:$0x3FA8] =	sst s2  }
0xb: {  	[smem:$0x3FA9] =	sst s3  }
0xc: {  	[smem:$0x3FAA] =	sst s4  }
0xd: {  	[smem:$0x3FAB] =	sst s5  }
0xe: {  	[smem:$0x3FAC] =	sst s6  }
0xf: {  	[smem:$0x3FAD] =	sst s7  }
0x10: {  	[smem:$0x3FAE] =	sst s8  }
0x11: {  	[smem:$0x3FAF] =	sst s9;
	s0 =	simm.s32 @!p0 $0x0  }
0x12: {  	s1 =	sld [smem:$0x3F95];
	s0 =	simm.s32 @p0 $0x1  }
0x13: {  	[smem:$0x3FB0] =	sst s0;
	s0 =	simm.s32 @!p1 $0x0  }
0x14: {  	s2 =	sld [smem:$0x3F94];
	s0 =	simm.s32 @p1 $0x1  }
0x15: {  	[smem:$0x3FB1] =	sst s0;
	s0 =	simm.s32 @!p2 $0x0  }
0x16: {  	s3 =	sld [smem:$0x3FDB];
	s0 =	simm.s32 @p2 $0x1  }
0x17: {  	s4 =	simm.s32 $0x1BF5;
	[smem:$0x3FB3] =	sst s0  }
0x18: {  	s0 =	sld [smem:$0x3F96];
	_ =	swait.ge [sflag:s4], $0x0  }
0x19: {  	s7 =	sld [smem:$0x3F97]  }
0x1a: {  	s8 =	sadd.s32 $0xFFFFE003, lr  }
0x1b: {  	s9 =	sadd.s32 $0xFFFFFEF7, lr;
	s5 =	simm.s32 $0xFFFFFFFF;
	p2 =	slt.u32 s8, $0xFFFFF086  }
0x1c: {  	p1 =	slt.u32 s9, $0xF7A;
	s5 =	simm.s32 @!p2 $0x0  }
0x1d: {  	s5 =	simm.s32 @p1 $0x1;
	p0 =	seq.s32 s7, s2  }
0x1e: {  	s7 =	smul.u32 @!p0 $0xF7A, s2;
	p2 =	seq.s32 @!p0 s5, $0x0  }
0x1f: {  	s9 =	smul.u32 $0xF7A, s1;
	s8 =	simm.s32 @!p0 $0x1BF5;
	p2 =	por !p2, p0  }
0x20: {  	[sflag:s8] =	ssyncset.s32 @!p0 $0xFFFFF086;
	s6 =	sadd.s32 @!p0 s3, s7;
	s7 =	simm.s32 @!p0 $0x108  }
0x21: {  	s3 =	sadd.s32 s3, s9;
	s6 =	sadd.s32 @!p0 $0x88, s6;
	s7 =	simm.s32 @p2 $0x1082  }
0x22: {  	[simem:s7], [sflag:s8] =	dma.local @!p0 [hbm:s6], $0xF7A  }
0x23: {  	s9 =	sor.u32 $0xD0000000, s2;
	s6 =	simm.s32 $0x108;
	_ =	swait.ge @!p0 [sflag:s8], $0x0  }
0x24: {  	s3 =	sadd.s32 $0x88, s3;
	s6 =	simm.s32 @!p1 $0x1082;
	[sflag:s4] =	ssyncset.s32 $0xFFFFF086  }
0x25: {  	[simem:s6], [sflag:s4] =	dma.local [hbm:s3], $0xF7A  }
0x26: {  	[smem:$0x3F97] =	sst s1;
	(tag) =	ssettag s2;
	_ =	strace s9  }
0x27: {  	s1 =	sld [smem:$0x3FA7]  }
0x28: {  	s2 =	sld [smem:$0x3FA8]  }
0x29: {  	s4 =	sld [smem:$0x3FAA]  }
0x2a: {  	p0 =	seq.s32 s5, $0x0;
	s5 =	sld [smem:$0x3FAB]  }
0x2b: {  	s6 =	sld [smem:$0x3FAC]  }
0x2c: {  	s7 =	sld [smem:$0x3FAD]  }
0x2d: {  	s3 =	simm.s32 $0x108;
	s8 =	sld [smem:$0x3FAE]  }
0x2e: {  	s3 =	simm.s32 @!p0 $0x1082;
	s9 =	sld [smem:$0x3FAF]  }
0x2f: {  	lr =	sadd.s32 s0, s3;
	s0 =	sld [smem:$0x3FA6]  }
0x30: {  	s3 =	sld [smem:$0x3FA9]  }
0x31: {  	[smem:$0x3FB2] =	sst s10  }
0x32: {  	s10 =	sld [smem:$0x3FB0];
	_ =	sdelay $0x3  }
0x33: {  	p0 =	seq.s32 s10, $0x1;
	s10 =	sld [smem:$0x3FB2];
	_ =	sdelay $0x3  }
0x34: {  	[smem:$0x3FB2] =	sst s10  }
0x35: {  	s10 =	sld [smem:$0x3FB1];
	_ =	sdelay $0x3  }
0x36: {  	p1 =	seq.s32 s10, $0x1;
	s10 =	sld [smem:$0x3FB2];
	_ =	sdelay $0x3  }
0x37: {  	[smem:$0x3FB2] =	sst s10  }
0x38: {  	s10 =	sld [smem:$0x3FB3]  }
0x39: {  	_ = 	snop;
	(pc) =	sbr.ind lr, $3  }
0x3a: {  	_ = 	snop  }
0x3b: {  	_ = 	snop  }
0x3c: {  	p2 =	seq.s32 s10, $0x1;
	s10 =	sld [smem:$0x3FB2]  }
0x3d: {  	_ =	shalt  }
0x3e: {  	_ =	shalt  }
0x3f: {  	_ =	shalt  }
0x40: {  	_ =	shalt  }
0x41: {  	_ =	shalt  }
0x42: {  	_ =	shalt  }
0x43: {  	_ =	shalt  }
0x44: {  	_ =	shalt  }
0x45: {  	_ =	shalt  }
0x46: {  	_ =	shalt  }
0x47: {  	_ =	shalt  }
0x48: {  	_ =	shalt  }
0x49: {  	_ =	shalt  }
0x4a: {  	_ =	shalt  }
0x4b: {  	_ =	shalt  }
0x4c: {  	_ =	shalt  }
0x4d: {  	_ =	shalt  }
0x4e: {  	_ =	shalt  }
0x4f: {  	_ =	shalt  }
0x50: {  	_ =	shalt  }
0x51: {  	_ =	shalt  }
0x52: {  	_ =	shalt  }
0x53: {  	_ =	shalt  }
0x54: {  	_ =	shalt  }
0x55: {  	_ =	shalt  }
0x56: {  	_ =	shalt  }
0x57: {  	_ =	shalt  }
0x58: {  	_ =	shalt  }
0x59: {  	_ =	shalt  }
0x5a: {  	_ =	shalt  }
0x5b: {  	_ =	shalt  }
0x5c: {  	_ =	shalt  }
0x5d: {  	_ =	shalt  }
0x5e: {  	_ =	shalt  }
0x5f: {  	_ =	shalt  }
0x60: {  	_ =	shalt  }
0x61: {  	_ =	shalt  }
0x62: {  	_ =	shalt  }
0x63: {  	_ =	shalt  }
0x64: {  	_ =	shalt  }
0x65: {  	_ =	shalt  }
0x66: {  	_ =	shalt  }
0x67: {  	_ =	shalt  }
0x68: {  	_ =	shalt  }
0x69: {  	_ =	shalt  }
0x6a: {  	_ =	shalt  }
0x6b: {  	_ =	shalt  }
0x6c: {  	_ =	shalt  }
0x6d: {  	_ =	shalt  }
0x6e: {  	_ =	shalt  }
0x6f: {  	_ =	shalt  }
0x70: {  	_ =	shalt  }
0x71: {  	_ =	shalt  }
0x72: {  	_ =	shalt  }
0x73: {  	_ =	shalt  }
0x74: {  	_ =	shalt  }
0x75: {  	_ =	shalt  }
0x76: {  	_ =	shalt  }
0x77: {  	_ =	shalt  }
0x78: {  	_ =	shalt  }
0x79: {  	_ =	shalt  }
0x7a: {  	_ =	shalt  }
0x7b: {  	_ =	shalt  }
0x7c: {  	_ =	shalt  }
0x7d: {  	_ =	shalt  }
0x7e: {  	_ =	shalt  }
0x7f: {  	_ =	shalt  }
0x80: {  	_ =	shalt  }
0x81: {  	_ =	shalt  }
0x82: {  	_ =	shalt  }
0x83: {  	_ =	shalt  }
0x84: {  	_ =	shalt  }
0x85: {  	_ =	shalt  }
0x86: {  	_ =	shalt  }
0x87: {  	_ =	shalt  }
.Lfunc_end0:
.L_simem_size_0:
called_computation_lowered:
.L_overlay_start_0:
0x88: {  	s2 =	sld [smem:$0x3FD9]  }
0x89: {  	s3 =	sld [smem:$0x3FFE];
	_ =	sdelay $0x1  }
0x8a: {  	s1 =	srdreg.scid  }
0x8b: {  	s0 =	sand.u32 $0x1, s1  }
0x8c: {  	s14 =	sshll.u32 s0, $0xA;
	s2 =	sadd.s32 s3, s2  }
0x8d: {  	s2 =	sadd.s32 s2, s14  }
0x8e: {  	[smem:$0x3FBE] =	sst s2  }
0x8f: {  	_ = 	snop  }
0x90: {  	s2 =	sld [smem:$0x3FD0];
	_ =	sdelay $0x2  }
0x91: {  	s15 =	simm.s32 $0xA;
	s4 =	simm.s32 $0x10  }
0x92: {  	[smem:s4], [sflag:s15] =	dma.local [hbm:s2], $0x1  }
0x93: {  	_ =	swait.eq [sflag:s15], $0x1  }
0x94: {  	[sflag:s15] =	ssyncset.done $0x0  }
0x95: {  	s16 =	sld [smem:$0x10];
	[sflag:s15] =	ssyncadd.s32 $0xFFFFFFFF  }
0x96: {  	s17 =	sld [smem:$0x11];
	(tm) =	ssettm $0x1  }
0x97: {  	s18 =	sld [smem:$0x3FFB];
	_ =	sdelay $0x3  }
0x98: {  	_ =	strace s18  }
0x99: {  	s4 =	sld [smem:$0x3FFC];
	_ =	sdelay $0x3  }
0x9a: {  	_ =	strace s4  }
0x9b: {  	s4 =	sld [smem:$0x3FFD];
	_ =	sdelay $0x3  }
0x9c: {  	_ =	strace s4  }
0x9d: {  	_ =	strace $0x8FFFFFFF  }
0x9e: {  	s19 =	sld [smem:$0x3FDB];
	_ =	sdelay $0x1  }
0x9f: {  	s5 =	simm.s32 $_scs_section_size  }
0xa0: {  	s6 =	simm.s32 $_size__tile_overlayer_lowered;
	s7 =	simm.s32 $_tile_overlayer_lowered  }
0xa1: {  	s22 =	simm.s32 $0x1BFF;
	s21 =	sshll.u32 s7, $0x1;
	s4 =	sadd.s32 s5, s19  }
0xa2: {  	s8 =	simm.s32 $0x0;
	s20 =	sshll.u32 s6, $0x1;
	s6 =	sadd.s32 s21, s4  }
0xa3: {  	[timem:s8], [sflag:s22] =	dma.local [hbm:s6], s20  }
0xa4: {  	_ =	swait.ge [sflag:s22], s20  }
0xa5: {  	s5 =	ssub.s32 $0x0, s20;
	[sflag:s22] =	ssyncset.done $0x0  }
0xa6: {  	[sflag:s22] =	ssyncadd.s32 s5;
	_ =	sdelay $0x1  }
0xa7: {  	s23 =	simm.s32 $0x1B8B  }
0xa8: {  	_ =	swait.ge [sflag:s23], $0x1  }
0xa9: {  	[sflag:s23] =	ssyncset.done $0x0  }
0xaa: {  	s25 =	simm.s32 $0x1B8E;
	s24 =	sld [smem:$0x3FFE];
	[sflag:s23] =	ssyncadd.s32 $0xFFFFFFFF  }
0xab: {  	s26 =	simm.s32 $execute0_lowered;
	[smem:$0x3FD2] =	sst s25  }
0xac: {  	s6 =	sshll.u32 s26, $0x1;
	_ =	strace $0x80000046;
	[dreg:$0x1] =	wrdreg $0xFFFFFFFF  }
0xad: {  	s28 =	simm.s32 $_size_execute0_lowered;
	s4 =	sadd.s32 s4, s6;
	[dreg:$0x0] =	wrdreg $0x0  }
0xae: {  	s6 =	sshll.u32 s28, $0x1;
	[dreg:$0x2] =	wrdreg s4  }
0xaf: {  	[dreg:$0x3] =	wrdreg s6  }
0xb0: {  	[dreg:$0x4] =	wrdreg $0xC0  }
0xb1: {  	_ =	task [dreg:s8], $0x5FFFF  }
0xb2: {  	[dreg:$0x1] =	wrdreg $0xFFFFFFFF  }
0xb3: {  	[dreg:$0x0] =	wrdreg $0x60  }
0xb4: {  	[dreg:$0x2] =	wrdreg s24  }
0xb5: {  	[dreg:$0x3] =	wrdreg s17  }
0xb6: {  	[dreg:$0x4] =	wrdreg s16  }
0xb7: {  	[dreg:$0x5] =	wrdreg $0x3FC00  }
0xb8: {  	[dreg:$0x6] =	wrdreg $0x9  }
0xb9: {  	_ =	task.clear_ibuf [dreg:s8], $0x7FFFF;
	_ =	strace $0x90000046  }
0xba: {  	s29 =	simm.s32 $0x9;
	_ =	strace $0x80000048  }
0xbb: {  	_ =	swait.ge [sflag:s29], $0x1  }
0xbc: {  	[sflag:s29] =	ssyncadd.s32 $0xFFFFFFFF  }
0xbd: {  	_ =	strace $0x90000048  }
0xbe: {  	_ =	sfence  }
0xbf: {  	s30 =	sld [smem:$0x0];
	_ =	sdelay $0x2  }
0xc0: {  	s31 =	sshll.u32 s1, $0xD;
	s1 =	sshrl.u32 s1, $0x2  }
0xc1: {  	s3 =	sand.u32 $0x4000, s31;
	s1 =	sadd.s32 s1, s30  }
0xc2: {  	s0 =	sor.u32 s3, s0;
	s1 =	sshll.u32 s1, $0x11  }
0xc3: {  	s0 =	sor.u32 s1, s0  }
0xc4: {  	s0 =	sadd.s32 $0x8F2B, s0  }
0xc5: {  	[sflag:s0] =	ssyncadd.remote.s32 $0x1  }
0xc6: {  	_ =	sfence.sel $0xFFFF  }
0xc7: {  	[dreg:$0x0] =	wrdreg $0xFFFFFFFF;
	(pc) =	sbr.abs _section_cstart, $3  }
0xc8: {  	[dreg:$0x1] =	wrdreg $0xFFFFFFFF  }
0xc9: {  	_ =	task.clear_ibuf [dreg:s8], $0x2FFFF;
	_ =	strace $0x9FFFFFFF  }
0xca: {  	(tm) =	ssettm $0x7FFFFFFF  }
0xcb: {  	_ =	shalt  }
tec
execute0_lowered:
.L_overlay_start_1:
0x0: {  	(tag) =	ssettag $0x1  }
0x1: {  	s5 =	rddreg [dreg:$0x0];
	s0 =	srdreg.scid  }
0x2: {  	s1 =	rddreg [dreg:$0x1];
	s6 =	sand.u32 $0x1, s0;
	s0 =	stileid.u32  }
0x3: {  	s11 =	rddreg [dreg:$0x2];
	s10 =	smul.u32 $0x13C0, s0  }
0x4: {  	s3 =	rddreg [dreg:$0x3];
	s4 =	simm.s32 $0x0;
	s12 =	smul.u32 $0x13C00, s6  }
0x5: {  	s18 =	simm.s32 $0x0;
	[smem:$0x7FF] =	sst s4;
	s15 =	smul.u32 $0xFFFFFFB0, s0  }
0x6: {  	s2 =	sshll.u32 s6, $0x4;
	s9 =	ssub.s32 $0x2, s6;
	s17 =	smul.u32 $0xFFFFFB00, s6  }
0x7: {  	s14 =	sor.u32 s0, s2;
	s2 =	rddreg [dreg:$0x4];
	_ =	strace $0x80000047  }
0x8: {  	s30 =	sshrl.u32 s9, $0x1;
	s7 =	smul.u32 $0x500, s14;
	s29 =	sshrl.u32 s10, $0x3  }
0x9: {  	s16 =	ssub.s32 s9, s30;
	s12 =	sadd.s32 s10, s12;
	s31 =	sadd.s32 s17, s15  }
0xa: {  	s10 =	sadd.s32 s10, s3;
	p0 =	seq.s32 s14, $0x1F;
	s14 =	simm.s32 $0x1  }
0xb: {  	s15 =	simm.s32 $0x2800;
	s17 =	simm.s32 $0x80;
	s13 =	sadd.s32 s29, s5  }
0xc: {  	s12 =	sshrl.u32 s12, $0x3;
	s8 =	sadd.s32 s7, s5;
	s9 =	sadd.s32 $0x16E00, s13  }
0xd: {  	s13 =	sadd.s32 $0x9C4, s31;
	s11 =	sadd.s32 s11, s12;
	s5 =	sadd.s32 $0xD000, s8  }
0xe: {  	s6 =	sadd.s32 $0xD140, s8;
	s7 =	sadd.s32 $0xD280, s8;
	s8 =	sadd.s32 $0xD3C0, s8  }
0xf: {  	s12 =	smin.u32 s13, $0x50;
	s13 =	smax.u32 s16, $0x1;
	s16 =	simm.s32 $0x2C00  }
.LBB2_1:
0x10: {  	[tilespmem:s4], [sflag:$0x1] =	stream.linear.gather [hbm4b:s5+s4], $0xA00, $0x38;
	[tilespmem:$0x5380] =	vst v63  }
0x11: {  	_ =	swait.ge [sflag:s14], $0xA00  }
0x12: {  	[sflag:s14] =	ssyncset.done $0x0  }
0x13: {  	s19 =	simm.s32 @!p0 $0x0;
	s20 =	simm.s32 @!p0 $0xA00;
	[sflag:s14] =	ssyncadd.s32 $0xFFFFF600  }
0x14: {  	[tilespmem:s20], [sflag:$0x1] =	stream.linear.gather @!p0 [hbm4b:s6+s19], $0xA00, $0x38;
	[tilespmem:$0x5380] =	vst v63  }
0x15: {  	s20 =	simm.s32 @!p0 $0x1  }
0x16: {  	_ =	swait.ge @!p0 [sflag:s20], $0xA00  }
0x17: {  	[sflag:s20] =	ssyncset.done @!p0 $0x0  }
0x18: {  	s21 =	simm.s32 @!p0 $0x1400;
	[sflag:s20] =	ssyncadd.s32 @!p0 $0xFFFFF600  }
0x19: {  	[tilespmem:s21], [sflag:$0x1] =	stream.linear.gather @!p0 [hbm4b:s7+s19], $0xA00, $0x38;
	[tilespmem:$0x5380] =	vst v63  }
0x1a: {  	_ =	swait.ge @!p0 [sflag:s20], $0xA00  }
0x1b: {  	[sflag:s20] =	ssyncset.done @!p0 $0x0  }
0x1c: {  	s21 =	simm.s32 @!p0 $0x1E00;
	[sflag:s20] =	ssyncadd.s32 @!p0 $0xFFFFF600  }
0x1d: {  	[tilespmem:s21], [sflag:$0x1] =	stream.linear.gather @!p0 [hbm4b:s8+s19], $0xA00, $0x38;
	[tilespmem:$0x5380] =	vst v63  }
0x1e: {  	_ =	swait.ge @!p0 [sflag:s20], $0xA00  }
0x1f: {  	[sflag:s20] =	ssyncset.done @!p0 $0x0  }
0x20: {  	[sflag:s20] =	ssyncadd.s32 @!p0 $0xFFFFF600  }
0x21: {  	[tilespmem:s15], [sflag:$0x1] =	stream.linear.gather [hbm4b:s1+s4], $0x400, $0x38;
	[tilespmem:$0x5380] =	vst v63  }
0x22: {  	_ =	swait.ge [sflag:s14], $0x400  }
0x23: {  	[sflag:s14] =	ssyncset.done $0x0  }
0x24: {  	[sflag:s14] =	ssyncadd.s32 $0xFFFFFC00  }
0x25: {  	[tilespmem:s16], [sflag:$0x1] =	stream.linear.gather [hbm4b:s9+s4], $0x13C0, $0x38;
	[tilespmem:$0x5380] =	vst v63  }
0x26: {  	_ =	swait.ge [sflag:s14], $0x13C0  }
0x27: {  	[sflag:s14] =	ssyncset.done $0x0  }
0x28: {  	[sflag:s14] =	ssyncadd.s32 $0xFFFFEC40  }
0x29: {  	[spmem:s10] =	stream.linear.scatter [tilespmem:s16], [sflag:$0x1], $0x13C0, $0x38;
	[tilespmem:$0x5380] =	vst v63  }
0x2a: {  	_ =	swait.ge [sflag:s14], $0x13C0  }
0x2b: {  	p1 =	sne.s32 s12, $0x1;
	[sflag:s14] =	ssyncset.done $0x0  }
.Ltmp0:
0x2c: {  	[sflag:s14] =	ssyncadd.s32 $0xFFFFEC40;
	(pc) =	sbr.rel @!p1 .LBB2_3-.Ltmp0, $4  }
0x2d: {  	[bflag:$0x0] =	sbarrier.arrive $0xFFFF  }
0x2e: {  	[spmem:s3] =	stream.indirect.scatter.add.f32 [tilespmem:s15], [sflag:$0x1], $0x8, s4, s17, $0xb8;
	[tilespmem:$0x5380] =	vst v63  }
0x2f: {  	_ =	swait.ge [sflag:s14], $0x400  }
0x30: {  	s19 =	sadd.s32 $0xFFFFFFFF, s12;
	s20 =	simm.s32 $0x0;
	[sflag:s14] =	ssyncset.done $0x0  }
.LBB2_2:
0x31: {  	p1 =	sne.s32 s19, $0x1;
	[sflag:s14] =	ssyncadd.s32 $0xFFFFFC00;
	s20 =	sadd.s32 $0x80, s20  }
.Ltmp1:
0x32: {  	s19 =	sadd.s32 $0xFFFFFFFF, s19;
	(pc) =	sbr.rel @p1 .LBB2_2-.Ltmp1, $4  }
0x33: {  	_ = 	snop  }
0x34: {  	[spmem:s3] =	stream.indirect.scatter.add.f32 [tilespmem:s15], [sflag:$0x1], $0x8, s20, s17, $0xb8;
	[tilespmem:$0x5380] =	vst v63  }
0x35: {  	_ =	swait.ge [sflag:s14], $0x400  }
0x36: {  	[sflag:s14] =	ssyncset.done $0x0  }
.LBB2_3:
0x37: {  	[sflag:s14] =	ssyncadd.s32 $0xFFFFFC00  }
0x38: {  	[bflag:$0x0] =	sbarrier.arrive $0xFFFF  }
0x39: {  	[tilespmem:s16], [sflag:$0x1] =	stream.linear.gather [spmem:s10], $0x13C0, $0x38;
	[tilespmem:$0x5380] =	vst v63  }
0x3a: {  	s18 =	sadd.s32 $0x1, s18;
	_ =	swait.ge [sflag:s14], $0x13C0  }
0x3b: {  	p1 =	sne.s32 s18, s13;
	[sflag:s14] =	ssyncset.done $0x0  }
.Ltmp2:
0x3c: {  	[sflag:s14] =	ssyncadd.s32 $0xFFFFEC40;
	(pc) =	sbr.rel @p1 .LBB2_1-.Ltmp2, $4  }
0x3d: {  	[hbm4b:s11+s4] =	stream.linear.scatter [tilespmem:s16], [sflag:$0x1], $0x13C0, $0x38;
	[tilespmem:$0x5380] =	vst v63  }
0x3e: {  	_ =	swait.ge [sflag:s14], $0x13C0  }
0x3f: {  	[sflag:s14] =	ssyncset.done $0x0  }
0x40: {  	[sflag:s14] =	ssyncadd.s32 $0xFFFFEC40  }
0x41: {  	_ =	sfence.sel $0x180000  }
0x42: {  	[bflag:$0x0] =	sbarrier.arrive $0xFFFF  }
0x43: {  	p0 =	sne.s32 s0, $0x0;
	_ =	strace $0x90000047  }
0x44: {  	s0 =	sadd.s32 @!p0 $0x100000, s2;
	[bflag:$0x2] =	sbarrier.arrive $0xFFFF  }
0x45: {  	[sflag:s0] =	ssyncadd.tile.s32 @!p0 $0x1;
	_ =	shalt  }
.Lfunc_end2:
_tile_overlayer_lowered:
.L_overlay_start_2:
0x46: {  	(tag) =	ssettag $0x2  }
0x47: {  	s0 =	rddreg [dreg:$0x0];
	s2 =	stileid.u32  }
0x48: {  	s1 =	rddreg [dreg:$0x1];
	p0 =	sne.s32 s2, $0x0  }
0x49: {  	s3 =	rddreg [dreg:$0x2];
	[bflag:$0x3] =	sbarrier.arrive $0xFFFF;
	s2 =	simm.s32 @!p0 $0x1C01  }
0x4a: {  	[timem:s3], [sflag:s2] =	dma.local @!p0 [hbm:s0], s1  }
0x4b: {  	s0 =	simm.s32 @!p0 $0x1  }
0x4c: {  	_ =	swait.ge @!p0 [sflag:s0], s1  }
0x4d: {  	s1 =	ssub.s32 @!p0 $0x0, s1;
	[sflag:s0] =	ssyncset.done @!p0 $0x0  }
0x4e: {  	[sflag:s0] =	ssyncadd.s32 @!p0 s1  }
0x4f: {  	[bflag:$0x3] =	sbarrier.arrive $0xFFFF  }
0x50: {  	_ =	shalt  }

// kernel: kernel.14.cloned.1.call-start
scs
__scs_entry_jumppad:
0x0: {  	(pc) =	sbr.rel $0x88, $3  }
0x1: {  	(tag) =	ssettag $0x0;
	lr =	simm.s32 $0x1  }
0x2: {  	[smem:$0x3F97] =	sst lr;
	_ =	strace $0xD0000000  }
0x3: {  	_ = 	snop  }
0x4: {  	_ = 	snop  }
0x5: {  	_ = 	snop  }
0x6: {  	_ = 	snop  }
0x7: {  	_ = 	snop  }
__scs_overlays_trampoline_lowered:
0x8: {  	[smem:$0x3FA6] =	sst s0  }
0x9: {  	[smem:$0x3FA7] =	sst s1  }
0xa: {  	[smem:$0x3FA8] =	sst s2  }
0xb: {  	[smem:$0x3FA9] =	sst s3  }
0xc: {  	[smem:$0x3FAA] =	sst s4  }
0xd: {  	[smem:$0x3FAB] =	sst s5  }
0xe: {  	[smem:$0x3FAC] =	sst s6  }
0xf: {  	[smem:$0x3FAD] =	sst s7  }
0x10: {  	[smem:$0x3FAE] =	sst s8  }
0x11: {  	[smem:$0x3FAF] =	sst s9;
	s0 =	simm.s32 @!p0 $0x0  }
0x12: {  	s1 =	sld [smem:$0x3F95];
	s0 =	simm.s32 @p0 $0x1  }
0x13: {  	[smem:$0x3FB0] =	sst s0;
	s0 =	simm.s32 @!p1 $0x0  }
0x14: {  	s2 =	sld [smem:$0x3F94];
	s0 =	simm.s32 @p1 $0x1  }
0x15: {  	[smem:$0x3FB1] =	sst s0;
	s0 =	simm.s32 @!p2 $0x0  }
0x16: {  	s3 =	sld [smem:$0x3FDB];
	s0 =	simm.s32 @p2 $0x1  }
0x17: {  	s4 =	simm.s32 $0x1BF5;
	[smem:$0x3FB3] =	sst s0  }
0x18: {  	s0 =	sld [smem:$0x3F96];
	_ =	swait.ge [sflag:s4], $0x0  }
0x19: {  	s7 =	sld [smem:$0x3F97]  }
0x1a: {  	s8 =	sadd.s32 $0xFFFFE003, lr  }
0x1b: {  	s9 =	sadd.s32 $0xFFFFFEF7, lr;
	s5 =	simm.s32 $0xFFFFFFFF;
	p2 =	slt.u32 s8, $0xFFFFF086  }
0x1c: {  	p1 =	slt.u32 s9, $0xF7A;
	s5 =	simm.s32 @!p2 $0x0  }
0x1d: {  	s5 =	simm.s32 @p1 $0x1;
	p0 =	seq.s32 s7, s2  }
0x1e: {  	s7 =	smul.u32 @!p0 $0xF7A, s2;
	p2 =	seq.s32 @!p0 s5, $0x0  }
0x1f: {  	s9 =	smul.u32 $0xF7A, s1;
	s8 =	simm.s32 @!p0 $0x1BF5;
	p2 =	por !p2, p0  }
0x20: {  	[sflag:s8] =	ssyncset.s32 @!p0 $0xFFFFF086;
	s6 =	sadd.s32 @!p0 s3, s7;
	s7 =	simm.s32 @!p0 $0x108  }
0x21: {  	s3 =	sadd.s32 s3, s9;
	s6 =	sadd.s32 @!p0 $0x88, s6;
	s7 =	simm.s32 @p2 $0x1082  }
0x22: {  	[simem:s7], [sflag:s8] =	dma.local @!p0 [hbm:s6], $0xF7A  }
0x23: {  	s9 =	sor.u32 $0xD0000000, s2;
	s6 =	simm.s32 $0x108;
	_ =	swait.ge @!p0 [sflag:s8], $0x0  }
0x24: {  	s3 =	sadd.s32 $0x88, s3;
	s6 =	simm.s32 @!p1 $0x1082;
	[sflag:s4] =	ssyncset.s32 $0xFFFFF086  }
0x25: {  	[simem:s6], [sflag:s4] =	dma.local [hbm:s3], $0xF7A  }
0x26: {  	[smem:$0x3F97] =	sst s1;
	(tag) =	ssettag s2;
	_ =	strace s9  }
0x27: {  	s1 =	sld [smem:$0x3FA7]  }
0x28: {  	s2 =	sld [smem:$0x3FA8]  }
0x29: {  	s4 =	sld [smem:$0x3FAA]  }
0x2a: {  	p0 =	seq.s32 s5, $0x0;
	s5 =	sld [smem:$0x3FAB]  }
0x2b: {  	s6 =	sld [smem:$0x3FAC]  }
0x2c: {  	s7 =	sld [smem:$0x3FAD]  }
0x2d: {  	s3 =	simm.s32 $0x108;
	s8 =	sld [smem:$0x3FAE]  }
0x2e: {  	s3 =	simm.s32 @!p0 $0x1082;
	s9 =	sld [smem:$0x3FAF]  }
0x2f: {  	lr =	sadd.s32 s0, s3;
	s0 =	sld [smem:$0x3FA6]  }
0x30: {  	s3 =	sld [smem:$0x3FA9]  }
0x31: {  	[smem:$0x3FB2] =	sst s10  }
0x32: {  	s10 =	sld [smem:$0x3FB0];
	_ =	sdelay $0x3  }
0x33: {  	p0 =	seq.s32 s10, $0x1;
	s10 =	sld [smem:$0x3FB2];
	_ =	sdelay $0x3  }
0x34: {  	[smem:$0x3FB2] =	sst s10  }
0x35: {  	s10 =	sld [smem:$0x3FB1];
	_ =	sdelay $0x3  }
0x36: {  	p1 =	seq.s32 s10, $0x1;
	s10 =	sld [smem:$0x3FB2];
	_ =	sdelay $0x3  }
0x37: {  	[smem:$0x3FB2] =	sst s10  }
0x38: {  	s10 =	sld [smem:$0x3FB3]  }
0x39: {  	_ = 	snop;
	(pc) =	sbr.ind lr, $3  }
0x3a: {  	_ = 	snop  }
0x3b: {  	_ = 	snop  }
0x3c: {  	p2 =	seq.s32 s10, $0x1;
	s10 =	sld [smem:$0x3FB2]  }
0x3d: {  	_ =	shalt  }
0x3e: {  	_ =	shalt  }
0x3f: {  	_ =	shalt  }
0x40: {  	_ =	shalt  }
0x41: {  	_ =	shalt  }
0x42: {  	_ =	shalt  }
0x43: {  	_ =	shalt  }
0x44: {  	_ =	shalt  }
0x45: {  	_ =	shalt  }
0x46: {  	_ =	shalt  }
0x47: {  	_ =	shalt  }
0x48: {  	_ =	shalt  }
0x49: {  	_ =	shalt  }
0x4a: {  	_ =	shalt  }
0x4b: {  	_ =	shalt  }
0x4c: {  	_ =	shalt  }
0x4d: {  	_ =	shalt  }
0x4e: {  	_ =	shalt  }
0x4f: {  	_ =	shalt  }
0x50: {  	_ =	shalt  }
0x51: {  	_ =	shalt  }
0x52: {  	_ =	shalt  }
0x53: {  	_ =	shalt  }
0x54: {  	_ =	shalt  }
0x55: {  	_ =	shalt  }
0x56: {  	_ =	shalt  }
0x57: {  	_ =	shalt  }
0x58: {  	_ =	shalt  }
0x59: {  	_ =	shalt  }
0x5a: {  	_ =	shalt  }
0x5b: {  	_ =	shalt  }
0x5c: {  	_ =	shalt  }
0x5d: {  	_ =	shalt  }
0x5e: {  	_ =	shalt  }
0x5f: {  	_ =	shalt  }
0x60: {  	_ =	shalt  }
0x61: {  	_ =	shalt  }
0x62: {  	_ =	shalt  }
0x63: {  	_ =	shalt  }
0x64: {  	_ =	shalt  }
0x65: {  	_ =	shalt  }
0x66: {  	_ =	shalt  }
0x67: {  	_ =	shalt  }
0x68: {  	_ =	shalt  }
0x69: {  	_ =	shalt  }
0x6a: {  	_ =	shalt  }
0x6b: {  	_ =	shalt  }
0x6c: {  	_ =	shalt  }
0x6d: {  	_ =	shalt  }
0x6e: {  	_ =	shalt  }
0x6f: {  	_ =	shalt  }
0x70: {  	_ =	shalt  }
0x71: {  	_ =	shalt  }
0x72: {  	_ =	shalt  }
0x73: {  	_ =	shalt  }
0x74: {  	_ =	shalt  }
0x75: {  	_ =	shalt  }
0x76: {  	_ =	shalt  }
0x77: {  	_ =	shalt  }
0x78: {  	_ =	shalt  }
0x79: {  	_ =	shalt  }
0x7a: {  	_ =	shalt  }
0x7b: {  	_ =	shalt  }
0x7c: {  	_ =	shalt  }
0x7d: {  	_ =	shalt  }
0x7e: {  	_ =	shalt  }
0x7f: {  	_ =	shalt  }
0x80: {  	_ =	shalt  }
0x81: {  	_ =	shalt  }
0x82: {  	_ =	shalt  }
0x83: {  	_ =	shalt  }
0x84: {  	_ =	shalt  }
0x85: {  	_ =	shalt  }
0x86: {  	_ =	shalt  }
0x87: {  	_ =	shalt  }
.Lfunc_end0:
.L_simem_size_0:
called_computation.1_lowered:
.L_overlay_start_0:
0x88: {  	s2 =	sld [smem:$0x3FD9]  }
0x89: {  	s3 =	sld [smem:$0x3FFE];
	_ =	sdelay $0x1  }
0x8a: {  	s1 =	srdreg.scid  }
0x8b: {  	s0 =	sand.u32 $0x1, s1  }
0x8c: {  	s14 =	sshll.u32 s0, $0xA;
	s2 =	sadd.s32 s3, s2  }
0x8d: {  	s2 =	sadd.s32 s2, s14  }
0x8e: {  	[smem:$0x3FBE] =	sst s2  }
0x8f: {  	_ = 	snop  }
0x90: {  	s2 =	sld [smem:$0x3FD0];
	_ =	sdelay $0x2  }
0x91: {  	s15 =	simm.s32 $0xA;
	s4 =	simm.s32 $0x10  }
0x92: {  	[smem:s4], [sflag:s15] =	dma.local [hbm:s2], $0x1  }
0x93: {  	_ =	swait.eq [sflag:s15], $0x1  }
0x94: {  	[sflag:s15] =	ssyncset.done $0x0  }
0x95: {  	[sflag:s15] =	ssyncadd.s32 $0xFFFFFFFF  }
0x96: {  	s16 =	sld [smem:$0x10];
	(tm) =	ssettm $0x1  }
0x97: {  	s17 =	sld [smem:$0x3FFB];
	_ =	sdelay $0x3  }
0x98: {  	_ =	strace s17  }
0x99: {  	s3 =	sld [smem:$0x3FFC];
	_ =	sdelay $0x3  }
0x9a: {  	_ =	strace s3  }
0x9b: {  	s3 =	sld [smem:$0x3FFD];
	_ =	sdelay $0x3  }
0x9c: {  	_ =	strace s3  }
0x9d: {  	_ =	strace $0x8FFFFFFF  }
0x9e: {  	s18 =	sld [smem:$0x3FDB];
	_ =	sdelay $0x1  }
0x9f: {  	s19 =	simm.s32 $_scs_section_size  }
0xa0: {  	s5 =	simm.s32 $_size__tile_overlayer_lowered;
	s6 =	simm.s32 $_tile_overlayer_lowered  }
0xa1: {  	s22 =	simm.s32 $0x1BFF;
	s21 =	sshll.u32 s6, $0x1;
	s3 =	sadd.s32 s19, s18  }
0xa2: {  	s7 =	simm.s32 $0x0;
	s20 =	sshll.u32 s5, $0x1;
	s5 =	sadd.s32 s21, s3  }
0xa3: {  	[timem:s7], [sflag:s22] =	dma.local [hbm:s5], s20  }
0xa4: {  	_ =	swait.ge [sflag:s22], s20  }
0xa5: {  	s4 =	ssub.s32 $0x0, s20;
	[sflag:s22] =	ssyncset.done $0x0  }
0xa6: {  	[sflag:s22] =	ssyncadd.s32 s4;
	_ =	sdelay $0x1  }
0xa7: {  	s23 =	simm.s32 $0x1B8B  }
0xa8: {  	_ =	swait.ge [sflag:s23], $0x1  }
0xa9: {  	[sflag:s23] =	ssyncset.done $0x0  }
0xaa: {  	s25 =	simm.s32 $0x1B8E;
	s24 =	sld [smem:$0x3FFE];
	[sflag:s23] =	ssyncadd.s32 $0xFFFFFFFF  }
0xab: {  	s26 =	simm.s32 $execute0_lowered;
	[smem:$0x3FD2] =	sst s25  }
0xac: {  	s5 =	sshll.u32 s26, $0x1;
	_ =	strace $0x80000049;
	[dreg:$0x1] =	wrdreg $0xFFFFFFFF  }
0xad: {  	s28 =	simm.s32 $_size_execute0_lowered;
	s3 =	sadd.s32 s3, s5;
	[dreg:$0x0] =	wrdreg $0x0  }
0xae: {  	s5 =	sshll.u32 s28, $0x1;
	[dreg:$0x2] =	wrdreg s3  }
0xaf: {  	[dreg:$0x3] =	wrdreg s5  }
0xb0: {  	[dreg:$0x4] =	wrdreg $0xC0  }
0xb1: {  	_ =	task [dreg:s7], $0x5FFFF  }
0xb2: {  	[dreg:$0x1] =	wrdreg $0xFFFFFFFF  }
0xb3: {  	[dreg:$0x0] =	wrdreg $0x60  }
0xb4: {  	[dreg:$0x2] =	wrdreg s24  }
0xb5: {  	[dreg:$0x3] =	wrdreg s16  }
0xb6: {  	[dreg:$0x4] =	wrdreg $0x7F800  }
0xb7: {  	[dreg:$0x5] =	wrdreg $0x6BC00  }
0xb8: {  	[dreg:$0x6] =	wrdreg $0x9  }
0xb9: {  	_ =	task.clear_ibuf [dreg:s7], $0x7FFFF;
	_ =	strace $0x90000049  }
0xba: {  	s29 =	simm.s32 $0x9;
	_ =	strace $0x8000004B  }
0xbb: {  	_ =	swait.ge [sflag:s29], $0x1  }
0xbc: {  	[sflag:s29] =	ssyncadd.s32 $0xFFFFFFFF  }
0xbd: {  	_ =	strace $0x9000004B  }
0xbe: {  	_ =	sfence  }
0xbf: {  	s30 =	sld [smem:$0x0];
	_ =	sdelay $0x2  }
0xc0: {  	s31 =	sshll.u32 s1, $0xD;
	s1 =	sshrl.u32 s1, $0x2  }
0xc1: {  	s3 =	sand.u32 $0x4000, s31;
	s1 =	sadd.s32 s1, s30  }
0xc2: {  	s0 =	sor.u32 s3, s0;
	s1 =	sshll.u32 s1, $0x11  }
0xc3: {  	s0 =	sor.u32 s1, s0  }
0xc4: {  	s0 =	sadd.s32 $0x8F2B, s0  }
0xc5: {  	[sflag:s0] =	ssyncadd.remote.s32 $0x1  }
0xc6: {  	_ =	sfence.sel $0xFFFF  }
0xc7: {  	[dreg:$0x0] =	wrdreg $0xFFFFFFFF;
	(pc) =	sbr.abs _section_cstart, $3  }
0xc8: {  	[dreg:$0x1] =	wrdreg $0xFFFFFFFF  }
0xc9: {  	_ =	task.clear_ibuf [dreg:s7], $0x2FFFF;
	_ =	strace $0x9FFFFFFF  }
0xca: {  	(tm) =	ssettm $0x7FFFFFFF  }
0xcb: {  	_ =	shalt  }
tec
execute0_lowered:
.L_overlay_start_1:
0x0: {  	(tag) =	ssettag $0x1  }
0x1: {  	s0 =	rddreg [dreg:$0x0]  }
0x2: {  	s3 =	rddreg [dreg:$0x1]  }
0x3: {  	s1 =	rddreg [dreg:$0x2]  }
0x4: {  	s2 =	rddreg [dreg:$0x3];
	s4 =	simm.s32 $0x0;
	s5 =	srdreg.scid  }
0x5: {  	s13 =	stileid.u32;
	s28 =	simm.s32 $0x0;
	[smem:$0x7FF] =	sst s4  }
0x6: {  	s5 =	sand.u32 $0x1, s5;
	s15 =	smul.u32 $0x13C0, s13;
	s8 =	sadd.s32 $0x3200, s0  }
0x7: {  	s18 =	sadd.s32 $0xD000, s0;
	s6 =	sshll.u32 s5, $0x4;
	s21 =	smul.u32 $0x13C00, s5  }
0x8: {  	s7 =	ssub.s32 $0x2, s5;
	s5 =	smul.u32 $0xFFFFFB00, s5;
	s20 =	sor.u32 s13, s6  }
0x9: {  	_ =	strace $0x8000004A;
	s22 =	sshrl.u32 s15, $0x3;
	s10 =	smul.u32 $0x500, s20  }
0xa: {  	s9 =	sshrl.u32 s7, $0x1;
	s14 =	sadd.s32 s15, s2;
	s16 =	smul.u32 $0xFFFFFFB0, s20  }
0xb: {  	s0 =	sadd.s32 s22, s0;
	s17 =	ssub.s32 s7, s9;
	s22 =	smul.u32 $0xFFFFFFB0, s13  }
0xc: {  	s29 =	sadd.s32 s15, s21;
	p0 =	seq.s32 s20, $0x1F;
	s20 =	simm.s32 $0x2  }
0xd: {  	s13 =	sadd.s32 $0x16E00, s0;
	s30 =	sshrl.u32 s29, $0x3;
	s17 =	smax.u32 s17, $0x1  }
0xe: {  	s23 =	sadd.s32 s8, s10;
	s11 =	sadd.s32 $0x140, s10;
	s12 =	sadd.s32 $0x280, s10  }
0xf: {  	s19 =	sadd.s32 $0x3C0, s10;
	s9 =	sadd.s32 s18, s10;
	s26 =	sadd.s32 $0x9C4, s16  }
0x10: {  	s5 =	sadd.s32 s5, s22;
	s16 =	sadd.s32 s3, s30;
	s22 =	simm.s32 $0x5800  }
0x11: {  	[dreg:$0x5] =	wrdreg s23;
	s24 =	sadd.s32 s8, s11;
	s25 =	sadd.s32 s8, s12  }
0x12: {  	s8 =	sadd.s32 s8, s19;
	s10 =	sadd.s32 s18, s11;
	s11 =	sadd.s32 s18, s12  }
0x13: {  	s23 =	sadd.s32 s15, s1;
	s12 =	sadd.s32 $0x19600, s0;
	s15 =	smin.u32 s26, $0x50  }
0x14: {  	s5 =	sadd.s32 $0x9C4, s5;
	s18 =	sadd.s32 s18, s19;
	[dreg:$0x6] =	wrdreg s24  }
0x15: {  	s26 =	simm.s32 $0x1;
	[dreg:$0x7] =	wrdreg s25;
	s31 =	smin.u32 s5, $0x50  }
0x16: {  	s18 =	smov.u32 @p0 s9;
	s21 =	sshrl.u32 s23, $0x3;
	s23 =	simm.s32 $0x80  }
0x17: {  	s24 =	simm.s32 $0x5000;
	s25 =	simm.s32 $0x5400;
	s19 =	sshll.u32 s31, $0x9  }
.LBB2_1:
0x18: {  	s0 =	rddreg [dreg:$0x5]  }
0x19: {  	[tilespmem:s4], [sflag:$0x2] =	stream.linear.gather [hbm4b:s0+s4], $0xA00, $0x38;
	[tilespmem:$0x9340] =	vst v63  }
0x1a: {  	_ =	swait.ge [sflag:s20], $0xA00  }
0x1b: {  	s3 =	simm.s32 @!p0 $0xA00;
	[sflag:s20] =	ssyncset.done $0x0  }
0x1c: {  	s0 =	simm.s32 @!p0 $0x0;
	s5 =	rddreg [dreg:$0x6];
	[sflag:s20] =	ssyncadd.s32 $0xFFFFF600  }
0x1d: {  	[tilespmem:s3], [sflag:$0x2] =	stream.linear.gather @!p0 [hbm4b:s5+s0], $0xA00, $0x38;
	[tilespmem:$0x9340] =	vst v63  }
0x1e: {  	s3 =	simm.s32 @!p0 $0x2  }
0x1f: {  	_ =	swait.ge @!p0 [sflag:s3], $0xA00  }
0x20: {  	[sflag:s3] =	ssyncset.done @!p0 $0x0  }
0x21: {  	s5 =	simm.s32 @!p0 $0x1400;
	s6 =	rddreg [dreg:$0x7];
	[sflag:s3] =	ssyncadd.s32 @!p0 $0xFFFFF600  }
0x22: {  	[tilespmem:s5], [sflag:$0x2] =	stream.linear.gather @!p0 [hbm4b:s6+s0], $0xA00, $0x38;
	[tilespmem:$0x9340] =	vst v63  }
0x23: {  	_ =	swait.ge @!p0 [sflag:s3], $0xA00  }
0x24: {  	[sflag:s3] =	ssyncset.done @!p0 $0x0  }
0x25: {  	s5 =	simm.s32 @!p0 $0x1E00;
	[sflag:s3] =	ssyncadd.s32 @!p0 $0xFFFFF600  }
0x26: {  	[tilespmem:s5], [sflag:$0x2] =	stream.linear.gather @!p0 [hbm4b:s8+s0], $0xA00, $0x38;
	[tilespmem:$0x9340] =	vst v63  }
0x27: {  	_ =	swait.ge @!p0 [sflag:s3], $0xA00  }
0x28: {  	[sflag:s3] =	ssyncset.done @!p0 $0x0  }
0x29: {  	s5 =	simm.s32 @!p0 $0x2800;
	[sflag:s3] =	ssyncadd.s32 @!p0 $0xFFFFF600  }
0x2a: {  	[tilespmem:s5], [sflag:$0x2] =	stream.linear.gather @!p0 [hbm4b:s9+s0], $0xA00, $0x38;
	[tilespmem:$0x9340] =	vst v63  }
0x2b: {  	_ =	swait.ge @!p0 [sflag:s3], $0xA00  }
0x2c: {  	[sflag:s3] =	ssyncset.done @!p0 $0x0  }
0x2d: {  	s5 =	simm.s32 @!p0 $0x3200;
	[sflag:s3] =	ssyncadd.s32 @!p0 $0xFFFFF600  }
0x2e: {  	[tilespmem:s5], [sflag:$0x2] =	stream.linear.gather @!p0 [hbm4b:s10+s0], $0xA00, $0x38;
	[tilespmem:$0x9340] =	vst v63  }
0x2f: {  	_ =	swait.ge @!p0 [sflag:s3], $0xA00  }
0x30: {  	[sflag:s3] =	ssyncset.done @!p0 $0x0  }
0x31: {  	s5 =	simm.s32 @!p0 $0x3C00;
	[sflag:s3] =	ssyncadd.s32 @!p0 $0xFFFFF600  }
0x32: {  	[tilespmem:s5], [sflag:$0x2] =	stream.linear.gather @!p0 [hbm4b:s11+s0], $0xA00, $0x38;
	[tilespmem:$0x9340] =	vst v63  }
0x33: {  	_ =	swait.ge @!p0 [sflag:s3], $0xA00  }
0x34: {  	s0 =	simm.s32 @!p0 $0x4600;
	[sflag:s3] =	ssyncset.done @!p0 $0x0  }
0x35: {  	s0 =	simm.s32 @p0 $0x2800;
	[sflag:s3] =	ssyncadd.s32 @!p0 $0xFFFFF600  }
0x36: {  	[tilespmem:s0], [sflag:$0x2] =	stream.linear.gather [hbm4b:s18+s4], $0xA00, $0x38;
	[tilespmem:$0x9340] =	vst v63  }
0x37: {  	s5 =	stileid.u32;
	_ =	swait.ge [sflag:s20], $0xA00  }
0x38: {  	s0 =	sshll.u32 s5, $0x6;
	[sflag:s20] =	ssyncset.done $0x0  }
0x39: {  	s0 =	sor.u32 $0x1C02, s0;
	[sflag:s20] =	ssyncadd.s32 $0xFFFFF600  }
0x3a: {  	[spmem:s21], [sflag:s0] =	dma.local [hbm:s12], $0x278  }
0x3b: {  	_ =	swait.ge [sflag:s20], $0x278  }
0x3c: {  	[sflag:s20] =	ssyncset.done $0x0  }
0x3d: {  	[sflag:s20] =	ssyncadd.s32 $0xFFFFFD88  }
0x3e: {  	[tilespmem:s22], [sflag:$0x2] =	stream.linear.gather [hbm4b:s13+s4], $0x13C0, $0x38;
	[tilespmem:$0x9340] =	vst v63  }
0x3f: {  	_ =	swait.ge [sflag:s20], $0x13C0  }
0x40: {  	[sflag:s20] =	ssyncset.done $0x0  }
0x41: {  	[sflag:s20] =	ssyncadd.s32 $0xFFFFEC40  }
0x42: {  	[spmem:s14] =	stream.linear.scatter [tilespmem:s22], [sflag:$0x2], $0x13C0, $0x38;
	[tilespmem:$0x9340] =	vst v63  }
0x43: {  	_ =	swait.ge [sflag:s20], $0x13C0  }
0x44: {  	[sflag:s20] =	ssyncset.done $0x0  }
0x45: {  	[sflag:s20] =	ssyncadd.s32 $0xFFFFEC40  }
0x46: {  	[bflag:$0x0] =	sbarrier.arrive $0xFFFF  }
0x47: {  	[tilespmem:s24], [sflag:$0x1] =	stream.indirect.gather [spmem:s1], $0x8, s4, s23, $0xb8;
	[tilespmem:$0x9340] =	vst v63  }
0x48: {  	_ = 	snop  }
0x49: {  	[tilespmem:s25], [sflag:$0x1] =	stream.indirect.gather [spmem:s1], $0x8, s23, s23, $0xb8;
	[tilespmem:$0x9340] =	vst v63  }
0x4a: {  	_ =	swait.ge [sflag:s26], $0x400  }
0x4b: {  	[sflag:s26] =	ssyncset.done $0x0  }
0x4c: {  	s6 =	simm.s32 $0x2800;
	[sflag:s26] =	ssyncadd.s32 $0xFFFFFC00  }
0x4d: {  	[spmem:s2] =	stream.indirect.scatter.add.f32 [tilespmem:s24], [sflag:$0x2], $0x8, s6, s23, $0xb8;
	[tilespmem:$0x9340] =	vst v63  }
0x4e: {  	p1 =	sle.u32 s15, $0x2;
	_ =	swait.ge [sflag:s20], $0x400  }
0x4f: {  	s29 =	sadd.s32 $0xFFFFFC00, s19;
	s3 =	simm.s32 @!p1 $0x80;
	[sflag:s20] =	ssyncset.done $0x0  }
0x50: {  	s5 =	simm.s32 @!p1 $0x5000;
	s0 =	simm.s32 $0x100;
	[sflag:s20] =	ssyncadd.s32 $0xFFFFFC00  }
0x51: {  	[tilespmem:s5], [sflag:$0x1] =	stream.indirect.gather @!p1 [spmem:s1], $0x8, s0, s3, $0xb8;
	[tilespmem:$0x9340] =	vst v63  }
0x52: {  	p1 =	sne.s32 s29, $0x0;
	_ =	swait.ge [sflag:s26], $0x400  }
.Ltmp0:
0x53: {  	s7 =	simm.s32 $0x2880;
	[sflag:s26] =	ssyncset.done $0x0;
	(pc) =	sbr.rel @!p1 .LBB2_3-.Ltmp0, $4  }
0x54: {  	s30 =	simm.s32 $0x4;
	s31 =	simm.s32 $0x200;
	[sflag:s26] =	ssyncadd.s32 $0xFFFFFC00  }
0x55: {  	[spmem:s2] =	stream.indirect.scatter.add.f32 [tilespmem:s25], [sflag:$0x2], $0x8, s7, s23, $0xb8;
	[tilespmem:$0x9340] =	vst v63  }
0x56: {  	p2 =	sle.u32 s15, $0x3;
	s0 =	simm.s32 $0x2980;
	_ =	swait.ge [sflag:s20], $0x400  }
0x57: {  	s3 =	simm.s32 @!p2 $0x180;
	s5 =	simm.s32 @!p2 $0x80;
	[sflag:s20] =	ssyncset.done $0x0  }
.LBB2_2:
0x58: {  	s29 =	sadd.s32 $0xFFFFFC00, s29;
	[sflag:s20] =	ssyncadd.s32 $0xFFFFFC00;
	s6 =	simm.s32 @!p2 $0x5400  }
0x59: {  	[tilespmem:s6], [sflag:$0x1] =	stream.indirect.gather @!p2 [spmem:s1], $0x8, s3, s5, $0xb8;
	[tilespmem:$0x9340] =	vst v63  }
0x5a: {  	p1 =	sne.s32 s29, $0x0;
	s3 =	smov.u32 s30;
	_ =	swait.ge [sflag:s26], $0x400  }
0x5b: {  	s5 =	sadd.s32 $0xFFFFFF80, s0;
	s6 =	smov.u32 s31;
	[sflag:s26] =	ssyncset.done $0x0  }
0x5c: {  	[sflag:s26] =	ssyncadd.s32 $0xFFFFFC00  }
0x5d: {  	[spmem:s2] =	stream.indirect.scatter.add.f32 [tilespmem:s24], [sflag:$0x2], $0x8, s5, s23, $0xb8;
	[tilespmem:$0x9340] =	vst v63  }
0x5e: {  	p2 =	sge.u32 s30, s15;
	_ =	swait.ge [sflag:s20], $0x400  }
0x5f: {  	s7 =	simm.s32 @!p2 $0x5000;
	s5 =	simm.s32 @!p2 $0x80;
	[sflag:s20] =	ssyncset.done $0x0  }
0x60: {  	[sflag:s20] =	ssyncadd.s32 $0xFFFFFC00  }
0x61: {  	[tilespmem:s7], [sflag:$0x1] =	stream.indirect.gather @!p2 [spmem:s1], $0x8, s31, s5, $0xb8;
	[tilespmem:$0x9340] =	vst v63  }
0x62: {  	_ =	swait.ge [sflag:s26], $0x400  }
.Ltmp1:
0x63: {  	s30 =	sadd.s32 $0x2, s30;
	[sflag:s26] =	ssyncset.done $0x0;
	(pc) =	sbr.rel @p1 .LBB2_2-.Ltmp1, $4  }
0x64: {  	s3 =	sadd.s32 $0x1, s3;
	s31 =	sadd.s32 $0x100, s31;
	[sflag:s26] =	ssyncadd.s32 $0xFFFFFC00  }
0x65: {  	[spmem:s2] =	stream.indirect.scatter.add.f32 [tilespmem:s25], [sflag:$0x2], $0x8, s0, s23, $0xb8;
	[tilespmem:$0x9340] =	vst v63  }
0x66: {  	p2 =	sge.u32 s3, s15;
	s0 =	sadd.s32 $0x100, s0;
	_ =	swait.ge [sflag:s20], $0x400  }
0x67: {  	s3 =	sadd.s32 @!p2 $0x80, s6;
	s5 =	simm.s32 @!p2 $0x80;
	[sflag:s20] =	ssyncset.done $0x0  }
.LBB2_3:
0x68: {  	[sflag:s20] =	ssyncadd.s32 $0xFFFFFC00;
	s0 =	simm.s32 @!p2 $0x5400  }
0x69: {  	[tilespmem:s0], [sflag:$0x1] =	stream.indirect.gather @!p2 [spmem:s1], $0x8, s3, s5, $0xb8;
	[tilespmem:$0x9340] =	vst v63  }
0x6a: {  	[bflag:$0x0] =	sbarrier.arrive $0xFFFF  }
0x6b: {  	[tilespmem:s22], [sflag:$0x2] =	stream.linear.gather [spmem:s14], $0x13C0, $0x38;
	[tilespmem:$0x9340] =	vst v63  }
0x6c: {  	s28 =	sadd.s32 $0x1, s28;
	_ =	swait.ge [sflag:s20], $0x13C0  }
0x6d: {  	p1 =	sne.s32 s28, s17;
	[sflag:s20] =	ssyncset.done $0x0  }
.Ltmp2:
0x6e: {  	[sflag:s20] =	ssyncadd.s32 $0xFFFFEC40;
	(pc) =	sbr.rel @p1 .LBB2_1-.Ltmp2, $4  }
0x6f: {  	[hbm4b:s16+s4] =	stream.linear.scatter [tilespmem:s22], [sflag:$0x2], $0x13C0, $0x38;
	[tilespmem:$0x9340] =	vst v63  }
0x70: {  	_ =	swait.ge [sflag:s20], $0x13C0  }
0x71: {  	[sflag:s20] =	ssyncset.done $0x0  }
0x72: {  	[sflag:s20] =	ssyncadd.s32 $0xFFFFEC40  }
0x73: {  	_ =	sfence.sel $0x180000  }
0x74: {  	[bflag:$0x0] =	sbarrier.arrive $0xFFFF  }
0x75: {  	_ =	strace $0x9000004A  }
0x76: {  	s0 =	stileid.u32;
	[bflag:$0x2] =	sbarrier.arrive $0xFFFF  }
0x77: {  	p0 =	sne.s32 s0, $0x0;
	s0 =	rddreg [dreg:$0x4]  }
0x78: {  	s0 =	sadd.s32 @!p0 $0x100000, s0  }
0x79: {  	[sflag:s0] =	ssyncadd.tile.s32 @!p0 $0x1;
	_ =	shalt  }
.Lfunc_end2:
_tile_overlayer_lowered:
.L_overlay_start_2:
0x7a: {  	(tag) =	ssettag $0x2  }
0x7b: {  	s0 =	rddreg [dreg:$0x0];
	s2 =	stileid.u32  }
0x7c: {  	s1 =	rddreg [dreg:$0x1];
	p0 =	sne.s32 s2, $0x0  }
0x7d: {  	s3 =	rddreg [dreg:$0x2];
	[bflag:$0x3] =	sbarrier.arrive $0xFFFF;
	s2 =	simm.s32 @!p0 $0x1C02  }
0x7e: {  	[timem:s3], [sflag:s2] =	dma.local @!p0 [hbm:s0], s1  }
0x7f: {  	s0 =	simm.s32 @!p0 $0x2  }
0x80: {  	_ =	swait.ge @!p0 [sflag:s0], s1  }
0x81: {  	s1 =	ssub.s32 @!p0 $0x0, s1;
	[sflag:s0] =	ssyncset.done @!p0 $0x0  }
0x82: {  	[sflag:s0] =	ssyncadd.s32 @!p0 s1  }
0x83: {  	[bflag:$0x3] =	sbarrier.arrive $0xFFFF  }
0x84: {  	_ =	shalt  }

// kernel: kernel.17.cloned.1.call-start
scs
__scs_entry_jumppad:
0x0: {  	(pc) =	sbr.rel $0x88, $3  }
0x1: {  	(tag) =	ssettag $0x0;
	lr =	simm.s32 $0x1  }
0x2: {  	[smem:$0x3F97] =	sst lr;
	_ =	strace $0xD0000000  }
0x3: {  	_ = 	snop  }
0x4: {  	_ = 	snop  }
0x5: {  	_ = 	snop  }
0x6: {  	_ = 	snop  }
0x7: {  	_ = 	snop  }
__scs_overlays_trampoline_lowered:
0x8: {  	[smem:$0x3FA6] =	sst s0  }
0x9: {  	[smem:$0x3FA7] =	sst s1  }
0xa: {  	[smem:$0x3FA8] =	sst s2  }
0xb: {  	[smem:$0x3FA9] =	sst s3  }
0xc: {  	[smem:$0x3FAA] =	sst s4  }
0xd: {  	[smem:$0x3FAB] =	sst s5  }
0xe: {  	[smem:$0x3FAC] =	sst s6  }
0xf: {  	[smem:$0x3FAD] =	sst s7  }
0x10: {  	[smem:$0x3FAE] =	sst s8  }
0x11: {  	[smem:$0x3FAF] =	sst s9;
	s0 =	simm.s32 @!p0 $0x0  }
0x12: {  	s1 =	sld [smem:$0x3F95];
	s0 =	simm.s32 @p0 $0x1  }
0x13: {  	[smem:$0x3FB0] =	sst s0;
	s0 =	simm.s32 @!p1 $0x0  }
0x14: {  	s2 =	sld [smem:$0x3F94];
	s0 =	simm.s32 @p1 $0x1  }
0x15: {  	[smem:$0x3FB1] =	sst s0;
	s0 =	simm.s32 @!p2 $0x0  }
0x16: {  	s3 =	sld [smem:$0x3FDB];
	s0 =	simm.s32 @p2 $0x1  }
0x17: {  	s4 =	simm.s32 $0x1BF5;
	[smem:$0x3FB3] =	sst s0  }
0x18: {  	s0 =	sld [smem:$0x3F96];
	_ =	swait.ge [sflag:s4], $0x0  }
0x19: {  	s7 =	sld [smem:$0x3F97]  }
0x1a: {  	s8 =	sadd.s32 $0xFFFFE003, lr  }
0x1b: {  	s9 =	sadd.s32 $0xFFFFFEF7, lr;
	s5 =	simm.s32 $0xFFFFFFFF;
	p2 =	slt.u32 s8, $0xFFFFF086  }
0x1c: {  	p1 =	slt.u32 s9, $0xF7A;
	s5 =	simm.s32 @!p2 $0x0  }
0x1d: {  	s5 =	simm.s32 @p1 $0x1;
	p0 =	seq.s32 s7, s2  }
0x1e: {  	s7 =	smul.u32 @!p0 $0xF7A, s2;
	p2 =	seq.s32 @!p0 s5, $0x0  }
0x1f: {  	s9 =	smul.u32 $0xF7A, s1;
	s8 =	simm.s32 @!p0 $0x1BF5;
	p2 =	por !p2, p0  }
0x20: {  	[sflag:s8] =	ssyncset.s32 @!p0 $0xFFFFF086;
	s6 =	sadd.s32 @!p0 s3, s7;
	s7 =	simm.s32 @!p0 $0x108  }
0x21: {  	s3 =	sadd.s32 s3, s9;
	s6 =	sadd.s32 @!p0 $0x88, s6;
	s7 =	simm.s32 @p2 $0x1082  }
0x22: {  	[simem:s7], [sflag:s8] =	dma.local @!p0 [hbm:s6], $0xF7A  }
0x23: {  	s9 =	sor.u32 $0xD0000000, s2;
	s6 =	simm.s32 $0x108;
	_ =	swait.ge @!p0 [sflag:s8], $0x0  }
0x24: {  	s3 =	sadd.s32 $0x88, s3;
	s6 =	simm.s32 @!p1 $0x1082;
	[sflag:s4] =	ssyncset.s32 $0xFFFFF086  }
0x25: {  	[simem:s6], [sflag:s4] =	dma.local [hbm:s3], $0xF7A  }
0x26: {  	[smem:$0x3F97] =	sst s1;
	(tag) =	ssettag s2;
	_ =	strace s9  }
0x27: {  	s1 =	sld [smem:$0x3FA7]  }
0x28: {  	s2 =	sld [smem:$0x3FA8]  }
0x29: {  	s4 =	sld [smem:$0x3FAA]  }
0x2a: {  	p0 =	seq.s32 s5, $0x0;
	s5 =	sld [smem:$0x3FAB]  }
0x2b: {  	s6 =	sld [smem:$0x3FAC]  }
0x2c: {  	s7 =	sld [smem:$0x3FAD]  }
0x2d: {  	s3 =	simm.s32 $0x108;
	s8 =	sld [smem:$0x3FAE]  }
0x2e: {  	s3 =	simm.s32 @!p0 $0x1082;
	s9 =	sld [smem:$0x3FAF]  }
0x2f: {  	lr =	sadd.s32 s0, s3;
	s0 =	sld [smem:$0x3FA6]  }
0x30: {  	s3 =	sld [smem:$0x3FA9]  }
0x31: {  	[smem:$0x3FB2] =	sst s10  }
0x32: {  	s10 =	sld [smem:$0x3FB0];
	_ =	sdelay $0x3  }
0x33: {  	p0 =	seq.s32 s10, $0x1;
	s10 =	sld [smem:$0x3FB2];
	_ =	sdelay $0x3  }
0x34: {  	[smem:$0x3FB2] =	sst s10  }
0x35: {  	s10 =	sld [smem:$0x3FB1];
	_ =	sdelay $0x3  }
0x36: {  	p1 =	seq.s32 s10, $0x1;
	s10 =	sld [smem:$0x3FB2];
	_ =	sdelay $0x3  }
0x37: {  	[smem:$0x3FB2] =	sst s10  }
0x38: {  	s10 =	sld [smem:$0x3FB3]  }
0x39: {  	_ = 	snop;
	(pc) =	sbr.ind lr, $3  }
0x3a: {  	_ = 	snop  }
0x3b: {  	_ = 	snop  }
0x3c: {  	p2 =	seq.s32 s10, $0x1;
	s10 =	sld [smem:$0x3FB2]  }
0x3d: {  	_ =	shalt  }
0x3e: {  	_ =	shalt  }
0x3f: {  	_ =	shalt  }
0x40: {  	_ =	shalt  }
0x41: {  	_ =	shalt  }
0x42: {  	_ =	shalt  }
0x43: {  	_ =	shalt  }
0x44: {  	_ =	shalt  }
0x45: {  	_ =	shalt  }
0x46: {  	_ =	shalt  }
0x47: {  	_ =	shalt  }
0x48: {  	_ =	shalt  }
0x49: {  	_ =	shalt  }
0x4a: {  	_ =	shalt  }
0x4b: {  	_ =	shalt  }
0x4c: {  	_ =	shalt  }
0x4d: {  	_ =	shalt  }
0x4e: {  	_ =	shalt  }
0x4f: {  	_ =	shalt  }
0x50: {  	_ =	shalt  }
0x51: {  	_ =	shalt  }
0x52: {  	_ =	shalt  }
0x53: {  	_ =	shalt  }
0x54: {  	_ =	shalt  }
0x55: {  	_ =	shalt  }
0x56: {  	_ =	shalt  }
0x57: {  	_ =	shalt  }
0x58: {  	_ =	shalt  }
0x59: {  	_ =	shalt  }
0x5a: {  	_ =	shalt  }
0x5b: {  	_ =	shalt  }
0x5c: {  	_ =	shalt  }
0x5d: {  	_ =	shalt  }
0x5e: {  	_ =	shalt  }
0x5f: {  	_ =	shalt  }
0x60: {  	_ =	shalt  }
0x61: {  	_ =	shalt  }
0x62: {  	_ =	shalt  }
0x63: {  	_ =	shalt  }
0x64: {  	_ =	shalt  }
0x65: {  	_ =	shalt  }
0x66: {  	_ =	shalt  }
0x67: {  	_ =	shalt  }
0x68: {  	_ =	shalt  }
0x69: {  	_ =	shalt  }
0x6a: {  	_ =	shalt  }
0x6b: {  	_ =	shalt  }
0x6c: {  	_ =	shalt  }
0x6d: {  	_ =	shalt  }
0x6e: {  	_ =	shalt  }
0x6f: {  	_ =	shalt  }
0x70: {  	_ =	shalt  }
0x71: {  	_ =	shalt  }
0x72: {  	_ =	shalt  }
0x73: {  	_ =	shalt  }
0x74: {  	_ =	shalt  }
0x75: {  	_ =	shalt  }
0x76: {  	_ =	shalt  }
0x77: {  	_ =	shalt  }
0x78: {  	_ =	shalt  }
0x79: {  	_ =	shalt  }
0x7a: {  	_ =	shalt  }
0x7b: {  	_ =	shalt  }
0x7c: {  	_ =	shalt  }
0x7d: {  	_ =	shalt  }
0x7e: {  	_ =	shalt  }
0x7f: {  	_ =	shalt  }
0x80: {  	_ =	shalt  }
0x81: {  	_ =	shalt  }
0x82: {  	_ =	shalt  }
0x83: {  	_ =	shalt  }
0x84: {  	_ =	shalt  }
0x85: {  	_ =	shalt  }
0x86: {  	_ =	shalt  }
0x87: {  	_ =	shalt  }
.Lfunc_end0:
.L_simem_size_0:
called_computation.2_lowered:
.L_overlay_start_0:
0x88: {  	s2 =	sld [smem:$0x3FD9]  }
0x89: {  	s3 =	sld [smem:$0x3FFE];
	_ =	sdelay $0x1  }
0x8a: {  	s1 =	srdreg.scid  }
0x8b: {  	s0 =	sand.u32 $0x1, s1  }
0x8c: {  	s14 =	sshll.u32 s0, $0xA;
	s2 =	sadd.s32 s3, s2  }
0x8d: {  	s2 =	sadd.s32 s2, s14  }
0x8e: {  	[smem:$0x3FBE] =	sst s2  }
0x8f: {  	_ = 	snop  }
0x90: {  	s2 =	sld [smem:$0x3FD0];
	_ =	sdelay $0x2  }
0x91: {  	s15 =	simm.s32 $0xA;
	s4 =	simm.s32 $0x10  }
0x92: {  	[smem:s4], [sflag:s15] =	dma.local [hbm:s2], $0x1  }
0x93: {  	_ =	swait.eq [sflag:s15], $0x1  }
0x94: {  	[sflag:s15] =	ssyncset.done $0x0  }
0x95: {  	[sflag:s15] =	ssyncadd.s32 $0xFFFFFFFF  }
0x96: {  	s16 =	sld [smem:$0x10];
	(tm) =	ssettm $0x1  }
0x97: {  	s17 =	sld [smem:$0x3FFB];
	_ =	sdelay $0x3  }
0x98: {  	_ =	strace s17  }
0x99: {  	s3 =	sld [smem:$0x3FFC];
	_ =	sdelay $0x3  }
0x9a: {  	_ =	strace s3  }
0x9b: {  	s3 =	sld [smem:$0x3FFD];
	_ =	sdelay $0x3  }
0x9c: {  	_ =	strace s3  }
0x9d: {  	_ =	strace $0x8FFFFFFF  }
0x9e: {  	s18 =	sld [smem:$0x3FDB];
	_ =	sdelay $0x1  }
0x9f: {  	s19 =	simm.s32 $_scs_section_size  }
0xa0: {  	s5 =	simm.s32 $_size__tile_overlayer_lowered;
	s6 =	simm.s32 $_tile_overlayer_lowered  }
0xa1: {  	s22 =	simm.s32 $0x1BFF;
	s21 =	sshll.u32 s6, $0x1;
	s3 =	sadd.s32 s19, s18  }
0xa2: {  	s7 =	simm.s32 $0x0;
	s20 =	sshll.u32 s5, $0x1;
	s5 =	sadd.s32 s21, s3  }
0xa3: {  	[timem:s7], [sflag:s22] =	dma.local [hbm:s5], s20  }
0xa4: {  	_ =	swait.ge [sflag:s22], s20  }
0xa5: {  	s4 =	ssub.s32 $0x0, s20;
	[sflag:s22] =	ssyncset.done $0x0  }
0xa6: {  	[sflag:s22] =	ssyncadd.s32 s4;
	_ =	sdelay $0x1  }
0xa7: {  	s23 =	simm.s32 $0x1B8B  }
0xa8: {  	_ =	swait.ge [sflag:s23], $0x1  }
0xa9: {  	[sflag:s23] =	ssyncset.done $0x0  }
0xaa: {  	s25 =	simm.s32 $0x1B8E;
	s24 =	sld [smem:$0x3FFE];
	[sflag:s23] =	ssyncadd.s32 $0xFFFFFFFF  }
0xab: {  	s26 =	simm.s32 $execute0_lowered;
	[smem:$0x3FD2] =	sst s25  }
0xac: {  	s5 =	sshll.u32 s26, $0x1;
	_ =	strace $0x8000004C;
	[dreg:$0x1] =	wrdreg $0xFFFFFFFF  }
0xad: {  	s28 =	simm.s32 $_size_execute0_lowered;
	s3 =	sadd.s32 s3, s5;
	[dreg:$0x0] =	wrdreg $0x0  }
0xae: {  	s5 =	sshll.u32 s28, $0x1;
	[dreg:$0x2] =	wrdreg s3  }
0xaf: {  	[dreg:$0x3] =	wrdreg s5  }
0xb0: {  	[dreg:$0x4] =	wrdreg $0xC0  }
0xb1: {  	_ =	task [dreg:s7], $0x5FFFF  }
0xb2: {  	[dreg:$0x1] =	wrdreg $0xFFFFFFFF  }
0xb3: {  	[dreg:$0x0] =	wrdreg $0x60  }
0xb4: {  	[dreg:$0x2] =	wrdreg s24  }
0xb5: {  	[dreg:$0x3] =	wrdreg s16  }
0xb6: {  	[dreg:$0x4] =	wrdreg $0x7F800  }
0xb7: {  	[dreg:$0x5] =	wrdreg $0x6BC00  }
0xb8: {  	[dreg:$0x6] =	wrdreg $0x9  }
0xb9: {  	_ =	task.clear_ibuf [dreg:s7], $0x7FFFF;
	_ =	strace $0x9000004C  }
0xba: {  	s29 =	simm.s32 $0x9;
	_ =	strace $0x8000004E  }
0xbb: {  	_ =	swait.ge [sflag:s29], $0x1  }
0xbc: {  	[sflag:s29] =	ssyncadd.s32 $0xFFFFFFFF  }
0xbd: {  	_ =	strace $0x9000004E  }
0xbe: {  	_ =	sfence  }
0xbf: {  	s30 =	sld [smem:$0x0];
	_ =	sdelay $0x2  }
0xc0: {  	s31 =	sshll.u32 s1, $0xD;
	s1 =	sshrl.u32 s1, $0x2  }
0xc1: {  	s3 =	sand.u32 $0x4000, s31;
	s1 =	sadd.s32 s1, s30  }
0xc2: {  	s0 =	sor.u32 s3, s0;
	s1 =	sshll.u32 s1, $0x11  }
0xc3: {  	s0 =	sor.u32 s1, s0  }
0xc4: {  	s0 =	sadd.s32 $0x8F2B, s0  }
0xc5: {  	[sflag:s0] =	ssyncadd.remote.s32 $0x1  }
0xc6: {  	_ =	sfence.sel $0xFFFF  }
0xc7: {  	[dreg:$0x0] =	wrdreg $0xFFFFFFFF;
	(pc) =	sbr.abs _section_cstart, $3  }
0xc8: {  	[dreg:$0x1] =	wrdreg $0xFFFFFFFF  }
0xc9: {  	_ =	task.clear_ibuf [dreg:s7], $0x2FFFF;
	_ =	strace $0x9FFFFFFF  }
0xca: {  	(tm) =	ssettm $0x7FFFFFFF  }
0xcb: {  	_ =	shalt  }
tec
execute0_lowered:
.L_overlay_start_1:
0x0: {  	(tag) =	ssettag $0x1  }
0x1: {  	s0 =	rddreg [dreg:$0x0]  }
0x2: {  	s3 =	rddreg [dreg:$0x1]  }
0x3: {  	s1 =	rddreg [dreg:$0x2]  }
0x4: {  	s2 =	rddreg [dreg:$0x3];
	s4 =	simm.s32 $0x0;
	s5 =	srdreg.scid  }
0x5: {  	s13 =	stileid.u32;
	s28 =	simm.s32 $0x0;
	[smem:$0x7FF] =	sst s4  }
0x6: {  	s5 =	sand.u32 $0x1, s5;
	s15 =	smul.u32 $0x13C0, s13;
	s8 =	sadd.s32 $0x3200, s0  }
0x7: {  	s18 =	sadd.s32 $0xD000, s0;
	s6 =	sshll.u32 s5, $0x4;
	s21 =	smul.u32 $0x13C00, s5  }
0x8: {  	s7 =	ssub.s32 $0x2, s5;
	s5 =	smul.u32 $0xFFFFFB00, s5;
	s20 =	sor.u32 s13, s6  }
0x9: {  	_ =	strace $0x8000004D;
	s22 =	sshrl.u32 s15, $0x3;
	s10 =	smul.u32 $0x500, s20  }
0xa: {  	s9 =	sshrl.u32 s7, $0x1;
	s14 =	sadd.s32 s15, s2;
	s16 =	smul.u32 $0xFFFFFFB0, s20  }
0xb: {  	s0 =	sadd.s32 s22, s0;
	s17 =	ssub.s32 s7, s9;
	s22 =	smul.u32 $0xFFFFFFB0, s13  }
0xc: {  	s29 =	sadd.s32 s15, s21;
	p0 =	seq.s32 s20, $0x1F;
	s20 =	simm.s32 $0x2  }
0xd: {  	s13 =	sadd.s32 $0x16E00, s0;
	s30 =	sshrl.u32 s29, $0x3;
	s17 =	smax.u32 s17, $0x1  }
0xe: {  	s23 =	sadd.s32 s8, s10;
	s11 =	sadd.s32 $0x140, s10;
	s12 =	sadd.s32 $0x280, s10  }
0xf: {  	s19 =	sadd.s32 $0x3C0, s10;
	s9 =	sadd.s32 s18, s10;
	s26 =	sadd.s32 $0x9C4, s16  }
0x10: {  	s5 =	sadd.s32 s5, s22;
	s16 =	sadd.s32 s3, s30;
	s22 =	simm.s32 $0x5800  }
0x11: {  	[dreg:$0x5] =	wrdreg s23;
	s24 =	sadd.s32 s8, s11;
	s25 =	sadd.s32 s8, s12  }
0x12: {  	s8 =	sadd.s32 s8, s19;
	s10 =	sadd.s32 s18, s11;
	s11 =	sadd.s32 s18, s12  }
0x13: {  	s23 =	sadd.s32 s15, s1;
	s12 =	sadd.s32 $0x19600, s0;
	s15 =	smin.u32 s26, $0x50  }
0x14: {  	s5 =	sadd.s32 $0x9C4, s5;
	s18 =	sadd.s32 s18, s19;
	[dreg:$0x6] =	wrdreg s24  }
0x15: {  	s26 =	simm.s32 $0x1;
	[dreg:$0x7] =	wrdreg s25;
	s31 =	smin.u32 s5, $0x50  }
0x16: {  	s18 =	smov.u32 @p0 s9;
	s21 =	sshrl.u32 s23, $0x3;
	s23 =	simm.s32 $0x80  }
0x17: {  	s24 =	simm.s32 $0x5000;
	s25 =	simm.s32 $0x5400;
	s19 =	sshll.u32 s31, $0x9  }
.LBB2_1:
0x18: {  	s0 =	rddreg [dreg:$0x5]  }
0x19: {  	[tilespmem:s4], [sflag:$0x2] =	stream.linear.gather [hbm4b:s0+s4], $0xA00, $0x38;
	[tilespmem:$0x9340] =	vst v63  }
0x1a: {  	_ =	swait.ge [sflag:s20], $0xA00  }
0x1b: {  	s3 =	simm.s32 @!p0 $0xA00;
	[sflag:s20] =	ssyncset.done $0x0  }
0x1c: {  	s0 =	simm.s32 @!p0 $0x0;
	s5 =	rddreg [dreg:$0x6];
	[sflag:s20] =	ssyncadd.s32 $0xFFFFF600  }
0x1d: {  	[tilespmem:s3], [sflag:$0x2] =	stream.linear.gather @!p0 [hbm4b:s5+s0], $0xA00, $0x38;
	[tilespmem:$0x9340] =	vst v63  }
0x1e: {  	s3 =	simm.s32 @!p0 $0x2  }
0x1f: {  	_ =	swait.ge @!p0 [sflag:s3], $0xA00  }
0x20: {  	[sflag:s3] =	ssyncset.done @!p0 $0x0  }
0x21: {  	s5 =	simm.s32 @!p0 $0x1400;
	s6 =	rddreg [dreg:$0x7];
	[sflag:s3] =	ssyncadd.s32 @!p0 $0xFFFFF600  }
0x22: {  	[tilespmem:s5], [sflag:$0x2] =	stream.linear.gather @!p0 [hbm4b:s6+s0], $0xA00, $0x38;
	[tilespmem:$0x9340] =	vst v63  }
0x23: {  	_ =	swait.ge @!p0 [sflag:s3], $0xA00  }
0x24: {  	[sflag:s3] =	ssyncset.done @!p0 $0x0  }
0x25: {  	s5 =	simm.s32 @!p0 $0x1E00;
	[sflag:s3] =	ssyncadd.s32 @!p0 $0xFFFFF600  }
0x26: {  	[tilespmem:s5], [sflag:$0x2] =	stream.linear.gather @!p0 [hbm4b:s8+s0], $0xA00, $0x38;
	[tilespmem:$0x9340] =	vst v63  }
0x27: {  	_ =	swait.ge @!p0 [sflag:s3], $0xA00  }
0x28: {  	[sflag:s3] =	ssyncset.done @!p0 $0x0  }
0x29: {  	s5 =	simm.s32 @!p0 $0x2800;
	[sflag:s3] =	ssyncadd.s32 @!p0 $0xFFFFF600  }
0x2a: {  	[tilespmem:s5], [sflag:$0x2] =	stream.linear.gather @!p0 [hbm4b:s9+s0], $0xA00, $0x38;
	[tilespmem:$0x9340] =	vst v63  }
0x2b: {  	_ =	swait.ge @!p0 [sflag:s3], $0xA00  }
0x2c: {  	[sflag:s3] =	ssyncset.done @!p0 $0x0  }
0x2d: {  	s5 =	simm.s32 @!p0 $0x3200;
	[sflag:s3] =	ssyncadd.s32 @!p0 $0xFFFFF600  }
0x2e: {  	[tilespmem:s5], [sflag:$0x2] =	stream.linear.gather @!p0 [hbm4b:s10+s0], $0xA00, $0x38;
	[tilespmem:$0x9340] =	vst v63  }
0x2f: {  	_ =	swait.ge @!p0 [sflag:s3], $0xA00  }
0x30: {  	[sflag:s3] =	ssyncset.done @!p0 $0x0  }
0x31: {  	s5 =	simm.s32 @!p0 $0x3C00;
	[sflag:s3] =	ssyncadd.s32 @!p0 $0xFFFFF600  }
0x32: {  	[tilespmem:s5], [sflag:$0x2] =	stream.linear.gather @!p0 [hbm4b:s11+s0], $0xA00, $0x38;
	[tilespmem:$0x9340] =	vst v63  }
0x33: {  	_ =	swait.ge @!p0 [sflag:s3], $0xA00  }
0x34: {  	s0 =	simm.s32 @!p0 $0x4600;
	[sflag:s3] =	ssyncset.done @!p0 $0x0  }
0x35: {  	s0 =	simm.s32 @p0 $0x2800;
	[sflag:s3] =	ssyncadd.s32 @!p0 $0xFFFFF600  }
0x36: {  	[tilespmem:s0], [sflag:$0x2] =	stream.linear.gather [hbm4b:s18+s4], $0xA00, $0x38;
	[tilespmem:$0x9340] =	vst v63  }
0x37: {  	s5 =	stileid.u32;
	_ =	swait.ge [sflag:s20], $0xA00  }
0x38: {  	s0 =	sshll.u32 s5, $0x6;
	[sflag:s20] =	ssyncset.done $0x0  }
0x39: {  	s0 =	sor.u32 $0x1C02, s0;
	[sflag:s20] =	ssyncadd.s32 $0xFFFFF600  }
0x3a: {  	[spmem:s21], [sflag:s0] =	dma.local [hbm:s12], $0x278  }
0x3b: {  	_ =	swait.ge [sflag:s20], $0x278  }
0x3c: {  	[sflag:s20] =	ssyncset.done $0x0  }
0x3d: {  	[sflag:s20] =	ssyncadd.s32 $0xFFFFFD88  }
0x3e: {  	[tilespmem:s22], [sflag:$0x2] =	stream.linear.gather [hbm4b:s13+s4], $0x13C0, $0x38;
	[tilespmem:$0x9340] =	vst v63  }
0x3f: {  	_ =	swait.ge [sflag:s20], $0x13C0  }
0x40: {  	[sflag:s20] =	ssyncset.done $0x0  }
0x41: {  	[sflag:s20] =	ssyncadd.s32 $0xFFFFEC40  }
0x42: {  	[spmem:s14] =	stream.linear.scatter [tilespmem:s22], [sflag:$0x2], $0x13C0, $0x38;
	[tilespmem:$0x9340] =	vst v63  }
0x43: {  	_ =	swait.ge [sflag:s20], $0x13C0  }
0x44: {  	[sflag:s20] =	ssyncset.done $0x0  }
0x45: {  	[sflag:s20] =	ssyncadd.s32 $0xFFFFEC40  }
0x46: {  	[bflag:$0x0] =	sbarrier.arrive $0xFFFF  }
0x47: {  	[tilespmem:s24], [sflag:$0x1] =	stream.indirect.gather [spmem:s1], $0x8, s4, s23, $0xb8;
	[tilespmem:$0x9340] =	vst v63  }
0x48: {  	_ = 	snop  }
0x49: {  	[tilespmem:s25], [sflag:$0x1] =	stream.indirect.gather [spmem:s1], $0x8, s23, s23, $0xb8;
	[tilespmem:$0x9340] =	vst v63  }
0x4a: {  	_ =	swait.ge [sflag:s26], $0x400  }
0x4b: {  	[sflag:s26] =	ssyncset.done $0x0  }
0x4c: {  	s6 =	simm.s32 $0x2800;
	[sflag:s26] =	ssyncadd.s32 $0xFFFFFC00  }
0x4d: {  	[spmem:s2] =	stream.indirect.scatter.add.f32 [tilespmem:s24], [sflag:$0x2], $0x8, s6, s23, $0xb8;
	[tilespmem:$0x9340] =	vst v63  }
0x4e: {  	p1 =	sle.u32 s15, $0x2;
	_ =	swait.ge [sflag:s20], $0x400  }
0x4f: {  	s29 =	sadd.s32 $0xFFFFFC00, s19;
	s3 =	simm.s32 @!p1 $0x80;
	[sflag:s20] =	ssyncset.done $0x0  }
0x50: {  	s5 =	simm.s32 @!p1 $0x5000;
	s0 =	simm.s32 $0x100;
	[sflag:s20] =	ssyncadd.s32 $0xFFFFFC00  }
0x51: {  	[tilespmem:s5], [sflag:$0x1] =	stream.indirect.gather @!p1 [spmem:s1], $0x8, s0, s3, $0xb8;
	[tilespmem:$0x9340] =	vst v63  }
0x52: {  	p1 =	sne.s32 s29, $0x0;
	_ =	swait.ge [sflag:s26], $0x400  }
.Ltmp0:
0x53: {  	s7 =	simm.s32 $0x2880;
	[sflag:s26] =	ssyncset.done $0x0;
	(pc) =	sbr.rel @!p1 .LBB2_3-.Ltmp0, $4  }
0x54: {  	s30 =	simm.s32 $0x4;
	s31 =	simm.s32 $0x200;
	[sflag:s26] =	ssyncadd.s32 $0xFFFFFC00  }
0x55: {  	[spmem:s2] =	stream.indirect.scatter.add.f32 [tilespmem:s25], [sflag:$0x2], $0x8, s7, s23, $0xb8;
	[tilespmem:$0x9340] =	vst v63  }
0x56: {  	p2 =	sle.u32 s15, $0x3;
	s0 =	simm.s32 $0x2980;
	_ =	swait.ge [sflag:s20], $0x400  }
0x57: {  	s3 =	simm.s32 @!p2 $0x180;
	s5 =	simm.s32 @!p2 $0x80;
	[sflag:s20] =	ssyncset.done $0x0  }
.LBB2_2:
0x58: {  	s29 =	sadd.s32 $0xFFFFFC00, s29;
	[sflag:s20] =	ssyncadd.s32 $0xFFFFFC00;
	s6 =	simm.s32 @!p2 $0x5400  }
0x59: {  	[tilespmem:s6], [sflag:$0x1] =	stream.indirect.gather @!p2 [spmem:s1], $0x8, s3, s5, $0xb8;
	[tilespmem:$0x9340] =	vst v63  }
0x5a: {  	p1 =	sne.s32 s29, $0x0;
	s3 =	smov.u32 s30;
	_ =	swait.ge [sflag:s26], $0x400  }
0x5b: {  	s5 =	sadd.s32 $0xFFFFFF80, s0;
	s6 =	smov.u32 s31;
	[sflag:s26] =	ssyncset.done $0x0  }
0x5c: {  	[sflag:s26] =	ssyncadd.s32 $0xFFFFFC00  }
0x5d: {  	[spmem:s2] =	stream.indirect.scatter.add.f32 [tilespmem:s24], [sflag:$0x2], $0x8, s5, s23, $0xb8;
	[tilespmem:$0x9340] =	vst v63  }
0x5e: {  	p2 =	sge.u32 s30, s15;
	_ =	swait.ge [sflag:s20], $0x400  }
0x5f: {  	s7 =	simm.s32 @!p2 $0x5000;
	s5 =	simm.s32 @!p2 $0x80;
	[sflag:s20] =	ssyncset.done $0x0  }
0x60: {  	[sflag:s20] =	ssyncadd.s32 $0xFFFFFC00  }
0x61: {  	[tilespmem:s7], [sflag:$0x1] =	stream.indirect.gather @!p2 [spmem:s1], $0x8, s31, s5, $0xb8;
	[tilespmem:$0x9340] =	vst v63  }
0x62: {  	_ =	swait.ge [sflag:s26], $0x400  }
.Ltmp1:
0x63: {  	s30 =	sadd.s32 $0x2, s30;
	[sflag:s26] =	ssyncset.done $0x0;
	(pc) =	sbr.rel @p1 .LBB2_2-.Ltmp1, $4  }
0x64: {  	s3 =	sadd.s32 $0x1, s3;
	s31 =	sadd.s32 $0x100, s31;
	[sflag:s26] =	ssyncadd.s32 $0xFFFFFC00  }
0x65: {  	[spmem:s2] =	stream.indirect.scatter.add.f32 [tilespmem:s25], [sflag:$0x2], $0x8, s0, s23, $0xb8;
	[tilespmem:$0x9340] =	vst v63  }
0x66: {  	p2 =	sge.u32 s3, s15;
	s0 =	sadd.s32 $0x100, s0;
	_ =	swait.ge [sflag:s20], $0x400  }
0x67: {  	s3 =	sadd.s32 @!p2 $0x80, s6;
	s5 =	simm.s32 @!p2 $0x80;
	[sflag:s20] =	ssyncset.done $0x0  }
.LBB2_3:
0x68: {  	[sflag:s20] =	ssyncadd.s32 $0xFFFFFC00;
	s0 =	simm.s32 @!p2 $0x5400  }
0x69: {  	[tilespmem:s0], [sflag:$0x1] =	stream.indirect.gather @!p2 [spmem:s1], $0x8, s3, s5, $0xb8;
	[tilespmem:$0x9340] =	vst v63  }
0x6a: {  	[bflag:$0x0] =	sbarrier.arrive $0xFFFF  }
0x6b: {  	[tilespmem:s22], [sflag:$0x2] =	stream.linear.gather [spmem:s14], $0x13C0, $0x38;
	[tilespmem:$0x9340] =	vst v63  }
0x6c: {  	s28 =	sadd.s32 $0x1, s28;
	_ =	swait.ge [sflag:s20], $0x13C0  }
0x6d: {  	p1 =	sne.s32 s28, s17;
	[sflag:s20] =	ssyncset.done $0x0  }
.Ltmp2:
0x6e: {  	[sflag:s20] =	ssyncadd.s32 $0xFFFFEC40;
	(pc) =	sbr.rel @p1 .LBB2_1-.Ltmp2, $4  }
0x6f: {  	[hbm4b:s16+s4] =	stream.linear.scatter [tilespmem:s22], [sflag:$0x2], $0x13C0, $0x38;
	[tilespmem:$0x9340] =	vst v63  }
0x70: {  	_ =	swait.ge [sflag:s20], $0x13C0  }
0x71: {  	[sflag:s20] =	ssyncset.done $0x0  }
0x72: {  	[sflag:s20] =	ssyncadd.s32 $0xFFFFEC40  }
0x73: {  	_ =	sfence.sel $0x180000  }
0x74: {  	[bflag:$0x0] =	sbarrier.arrive $0xFFFF  }
0x75: {  	_ =	strace $0x9000004D  }
0x76: {  	s0 =	stileid.u32;
	[bflag:$0x2] =	sbarrier.arrive $0xFFFF  }
0x77: {  	p0 =	sne.s32 s0, $0x0;
	s0 =	rddreg [dreg:$0x4]  }
0x78: {  	s0 =	sadd.s32 @!p0 $0x100000, s0  }
0x79: {  	[sflag:s0] =	ssyncadd.tile.s32 @!p0 $0x1;
	_ =	shalt  }
.Lfunc_end2:
_tile_overlayer_lowered:
.L_overlay_start_2:
0x7a: {  	(tag) =	ssettag $0x2  }
0x7b: {  	s0 =	rddreg [dreg:$0x0];
	s2 =	stileid.u32  }
0x7c: {  	s1 =	rddreg [dreg:$0x1];
	p0 =	sne.s32 s2, $0x0  }
0x7d: {  	s3 =	rddreg [dreg:$0x2];
	[bflag:$0x3] =	sbarrier.arrive $0xFFFF;
	s2 =	simm.s32 @!p0 $0x1C02  }
0x7e: {  	[timem:s3], [sflag:s2] =	dma.local @!p0 [hbm:s0], s1  }
0x7f: {  	s0 =	simm.s32 @!p0 $0x2  }
0x80: {  	_ =	swait.ge @!p0 [sflag:s0], s1  }
0x81: {  	s1 =	ssub.s32 @!p0 $0x0, s1;
	[sflag:s0] =	ssyncset.done @!p0 $0x0  }
0x82: {  	[sflag:s0] =	ssyncadd.s32 @!p0 s1  }
0x83: {  	[bflag:$0x3] =	sbarrier.arrive $0xFFFF  }
0x84: {  	_ =	shalt  }

// kernel: kernel.20.cloned.1.call-start
scs
__scs_entry_jumppad:
0x0: {  	(pc) =	sbr.rel $0x88, $3  }
0x1: {  	(tag) =	ssettag $0x0;
	lr =	simm.s32 $0x1  }
0x2: {  	[smem:$0x3F97] =	sst lr;
	_ =	strace $0xD0000000  }
0x3: {  	_ = 	snop  }
0x4: {  	_ = 	snop  }
0x5: {  	_ = 	snop  }
0x6: {  	_ = 	snop  }
0x7: {  	_ = 	snop  }
__scs_overlays_trampoline_lowered:
0x8: {  	[smem:$0x3FA6] =	sst s0  }
0x9: {  	[smem:$0x3FA7] =	sst s1  }
0xa: {  	[smem:$0x3FA8] =	sst s2  }
0xb: {  	[smem:$0x3FA9] =	sst s3  }
0xc: {  	[smem:$0x3FAA] =	sst s4  }
0xd: {  	[smem:$0x3FAB] =	sst s5  }
0xe: {  	[smem:$0x3FAC] =	sst s6  }
0xf: {  	[smem:$0x3FAD] =	sst s7  }
0x10: {  	[smem:$0x3FAE] =	sst s8  }
0x11: {  	[smem:$0x3FAF] =	sst s9;
	s0 =	simm.s32 @!p0 $0x0  }
0x12: {  	s1 =	sld [smem:$0x3F95];
	s0 =	simm.s32 @p0 $0x1  }
0x13: {  	[smem:$0x3FB0] =	sst s0;
	s0 =	simm.s32 @!p1 $0x0  }
0x14: {  	s2 =	sld [smem:$0x3F94];
	s0 =	simm.s32 @p1 $0x1  }
0x15: {  	[smem:$0x3FB1] =	sst s0;
	s0 =	simm.s32 @!p2 $0x0  }
0x16: {  	s3 =	sld [smem:$0x3FDB];
	s0 =	simm.s32 @p2 $0x1  }
0x17: {  	s4 =	simm.s32 $0x1BF5;
	[smem:$0x3FB3] =	sst s0  }
0x18: {  	s0 =	sld [smem:$0x3F96];
	_ =	swait.ge [sflag:s4], $0x0  }
0x19: {  	s7 =	sld [smem:$0x3F97]  }
0x1a: {  	s8 =	sadd.s32 $0xFFFFE003, lr  }
0x1b: {  	s9 =	sadd.s32 $0xFFFFFEF7, lr;
	s5 =	simm.s32 $0xFFFFFFFF;
	p2 =	slt.u32 s8, $0xFFFFF086  }
0x1c: {  	p1 =	slt.u32 s9, $0xF7A;
	s5 =	simm.s32 @!p2 $0x0  }
0x1d: {  	s5 =	simm.s32 @p1 $0x1;
	p0 =	seq.s32 s7, s2  }
0x1e: {  	s7 =	smul.u32 @!p0 $0xF7A, s2;
	p2 =	seq.s32 @!p0 s5, $0x0  }
0x1f: {  	s9 =	smul.u32 $0xF7A, s1;
	s8 =	simm.s32 @!p0 $0x1BF5;
	p2 =	por !p2, p0  }
0x20: {  	[sflag:s8] =	ssyncset.s32 @!p0 $0xFFFFF086;
	s6 =	sadd.s32 @!p0 s3, s7;
	s7 =	simm.s32 @!p0 $0x108  }
0x21: {  	s3 =	sadd.s32 s3, s9;
	s6 =	sadd.s32 @!p0 $0x88, s6;
	s7 =	simm.s32 @p2 $0x1082  }
0x22: {  	[simem:s7], [sflag:s8] =	dma.local @!p0 [hbm:s6], $0xF7A  }
0x23: {  	s9 =	sor.u32 $0xD0000000, s2;
	s6 =	simm.s32 $0x108;
	_ =	swait.ge @!p0 [sflag:s8], $0x0  }
0x24: {  	s3 =	sadd.s32 $0x88, s3;
	s6 =	simm.s32 @!p1 $0x1082;
	[sflag:s4] =	ssyncset.s32 $0xFFFFF086  }
0x25: {  	[simem:s6], [sflag:s4] =	dma.local [hbm:s3], $0xF7A  }
0x26: {  	[smem:$0x3F97] =	sst s1;
	(tag) =	ssettag s2;
	_ =	strace s9  }
0x27: {  	s1 =	sld [smem:$0x3FA7]  }
0x28: {  	s2 =	sld [smem:$0x3FA8]  }
0x29: {  	s4 =	sld [smem:$0x3FAA]  }
0x2a: {  	p0 =	seq.s32 s5, $0x0;
	s5 =	sld [smem:$0x3FAB]  }
0x2b: {  	s6 =	sld [smem:$0x3FAC]  }
0x2c: {  	s7 =	sld [smem:$0x3FAD]  }
0x2d: {  	s3 =	simm.s32 $0x108;
	s8 =	sld [smem:$0x3FAE]  }
0x2e: {  	s3 =	simm.s32 @!p0 $0x1082;
	s9 =	sld [smem:$0x3FAF]  }
0x2f: {  	lr =	sadd.s32 s0, s3;
	s0 =	sld [smem:$0x3FA6]  }
0x30: {  	s3 =	sld [smem:$0x3FA9]  }
0x31: {  	[smem:$0x3FB2] =	sst s10  }
0x32: {  	s10 =	sld [smem:$0x3FB0];
	_ =	sdelay $0x3  }
0x33: {  	p0 =	seq.s32 s10, $0x1;
	s10 =	sld [smem:$0x3FB2];
	_ =	sdelay $0x3  }
0x34: {  	[smem:$0x3FB2] =	sst s10  }
0x35: {  	s10 =	sld [smem:$0x3FB1];
	_ =	sdelay $0x3  }
0x36: {  	p1 =	seq.s32 s10, $0x1;
	s10 =	sld [smem:$0x3FB2];
	_ =	sdelay $0x3  }
0x37: {  	[smem:$0x3FB2] =	sst s10  }
0x38: {  	s10 =	sld [smem:$0x3FB3]  }
0x39: {  	_ = 	snop;
	(pc) =	sbr.ind lr, $3  }
0x3a: {  	_ = 	snop  }
0x3b: {  	_ = 	snop  }
0x3c: {  	p2 =	seq.s32 s10, $0x1;
	s10 =	sld [smem:$0x3FB2]  }
0x3d: {  	_ =	shalt  }
0x3e: {  	_ =	shalt  }
0x3f: {  	_ =	shalt  }
0x40: {  	_ =	shalt  }
0x41: {  	_ =	shalt  }
0x42: {  	_ =	shalt  }
0x43: {  	_ =	shalt  }
0x44: {  	_ =	shalt  }
0x45: {  	_ =	shalt  }
0x46: {  	_ =	shalt  }
0x47: {  	_ =	shalt  }
0x48: {  	_ =	shalt  }
0x49: {  	_ =	shalt  }
0x4a: {  	_ =	shalt  }
0x4b: {  	_ =	shalt  }
0x4c: {  	_ =	shalt  }
0x4d: {  	_ =	shalt  }
0x4e: {  	_ =	shalt  }
0x4f: {  	_ =	shalt  }
0x50: {  	_ =	shalt  }
0x51: {  	_ =	shalt  }
0x52: {  	_ =	shalt  }
0x53: {  	_ =	shalt  }
0x54: {  	_ =	shalt  }
0x55: {  	_ =	shalt  }
0x56: {  	_ =	shalt  }
0x57: {  	_ =	shalt  }
0x58: {  	_ =	shalt  }
0x59: {  	_ =	shalt  }
0x5a: {  	_ =	shalt  }
0x5b: {  	_ =	shalt  }
0x5c: {  	_ =	shalt  }
0x5d: {  	_ =	shalt  }
0x5e: {  	_ =	shalt  }
0x5f: {  	_ =	shalt  }
0x60: {  	_ =	shalt  }
0x61: {  	_ =	shalt  }
0x62: {  	_ =	shalt  }
0x63: {  	_ =	shalt  }
0x64: {  	_ =	shalt  }
0x65: {  	_ =	shalt  }
0x66: {  	_ =	shalt  }
0x67: {  	_ =	shalt  }
0x68: {  	_ =	shalt  }
0x69: {  	_ =	shalt  }
0x6a: {  	_ =	shalt  }
0x6b: {  	_ =	shalt  }
0x6c: {  	_ =	shalt  }
0x6d: {  	_ =	shalt  }
0x6e: {  	_ =	shalt  }
0x6f: {  	_ =	shalt  }
0x70: {  	_ =	shalt  }
0x71: {  	_ =	shalt  }
0x72: {  	_ =	shalt  }
0x73: {  	_ =	shalt  }
0x74: {  	_ =	shalt  }
0x75: {  	_ =	shalt  }
0x76: {  	_ =	shalt  }
0x77: {  	_ =	shalt  }
0x78: {  	_ =	shalt  }
0x79: {  	_ =	shalt  }
0x7a: {  	_ =	shalt  }
0x7b: {  	_ =	shalt  }
0x7c: {  	_ =	shalt  }
0x7d: {  	_ =	shalt  }
0x7e: {  	_ =	shalt  }
0x7f: {  	_ =	shalt  }
0x80: {  	_ =	shalt  }
0x81: {  	_ =	shalt  }
0x82: {  	_ =	shalt  }
0x83: {  	_ =	shalt  }
0x84: {  	_ =	shalt  }
0x85: {  	_ =	shalt  }
0x86: {  	_ =	shalt  }
0x87: {  	_ =	shalt  }
.Lfunc_end0:
.L_simem_size_0:
called_computation.3_lowered:
.L_overlay_start_0:
0x88: {  	s2 =	sld [smem:$0x3FD9]  }
0x89: {  	s3 =	sld [smem:$0x3FFE];
	_ =	sdelay $0x1  }
0x8a: {  	s1 =	srdreg.scid  }
0x8b: {  	s0 =	sand.u32 $0x1, s1  }
0x8c: {  	s14 =	sshll.u32 s0, $0xA;
	s2 =	sadd.s32 s3, s2  }
0x8d: {  	s2 =	sadd.s32 s2, s14  }
0x8e: {  	[smem:$0x3FBE] =	sst s2  }
0x8f: {  	_ = 	snop  }
0x90: {  	s2 =	sld [smem:$0x3FD0];
	_ =	sdelay $0x2  }
0x91: {  	s15 =	simm.s32 $0xA;
	s4 =	simm.s32 $0x10  }
0x92: {  	[smem:s4], [sflag:s15] =	dma.local [hbm:s2], $0x1  }
0x93: {  	_ =	swait.eq [sflag:s15], $0x1  }
0x94: {  	[sflag:s15] =	ssyncset.done $0x0  }
0x95: {  	[sflag:s15] =	ssyncadd.s32 $0xFFFFFFFF  }
0x96: {  	s16 =	sld [smem:$0x10];
	(tm) =	ssettm $0x1  }
0x97: {  	s17 =	sld [smem:$0x3FFB];
	_ =	sdelay $0x3  }
0x98: {  	_ =	strace s17  }
0x99: {  	s3 =	sld [smem:$0x3FFC];
	_ =	sdelay $0x3  }
0x9a: {  	_ =	strace s3  }
0x9b: {  	s3 =	sld [smem:$0x3FFD];
	_ =	sdelay $0x3  }
0x9c: {  	_ =	strace s3  }
0x9d: {  	_ =	strace $0x8FFFFFFF  }
0x9e: {  	s18 =	sld [smem:$0x3FDB];
	_ =	sdelay $0x1  }
0x9f: {  	s19 =	simm.s32 $_scs_section_size  }
0xa0: {  	s5 =	simm.s32 $_size__tile_overlayer_lowered;
	s6 =	simm.s32 $_tile_overlayer_lowered  }
0xa1: {  	s22 =	simm.s32 $0x1BFF;
	s21 =	sshll.u32 s6, $0x1;
	s3 =	sadd.s32 s19, s18  }
0xa2: {  	s7 =	simm.s32 $0x0;
	s20 =	sshll.u32 s5, $0x1;
	s5 =	sadd.s32 s21, s3  }
0xa3: {  	[timem:s7], [sflag:s22] =	dma.local [hbm:s5], s20  }
0xa4: {  	_ =	swait.ge [sflag:s22], s20  }
0xa5: {  	s4 =	ssub.s32 $0x0, s20;
	[sflag:s22] =	ssyncset.done $0x0  }
0xa6: {  	[sflag:s22] =	ssyncadd.s32 s4;
	_ =	sdelay $0x1  }
0xa7: {  	s23 =	simm.s32 $0x1B8B  }
0xa8: {  	_ =	swait.ge [sflag:s23], $0x1  }
0xa9: {  	[sflag:s23] =	ssyncset.done $0x0  }
0xaa: {  	s25 =	simm.s32 $0x1B8E;
	s24 =	sld [smem:$0x3FFE];
	[sflag:s23] =	ssyncadd.s32 $0xFFFFFFFF  }
0xab: {  	s26 =	simm.s32 $execute0_lowered;
	[smem:$0x3FD2] =	sst s25  }
0xac: {  	s5 =	sshll.u32 s26, $0x1;
	_ =	strace $0x8000004F;
	[dreg:$0x1] =	wrdreg $0xFFFFFFFF  }
0xad: {  	s28 =	simm.s32 $_size_execute0_lowered;
	s3 =	sadd.s32 s3, s5;
	[dreg:$0x0] =	wrdreg $0x0  }
0xae: {  	s5 =	sshll.u32 s28, $0x1;
	[dreg:$0x2] =	wrdreg s3  }
0xaf: {  	[dreg:$0x3] =	wrdreg s5  }
0xb0: {  	[dreg:$0x4] =	wrdreg $0xC0  }
0xb1: {  	_ =	task [dreg:s7], $0x5FFFF  }
0xb2: {  	[dreg:$0x1] =	wrdreg $0xFFFFFFFF  }
0xb3: {  	[dreg:$0x0] =	wrdreg $0x60  }
0xb4: {  	[dreg:$0x2] =	wrdreg s24  }
0xb5: {  	[dreg:$0x3] =	wrdreg s16  }
0xb6: {  	[dreg:$0x4] =	wrdreg $0x7F800  }
0xb7: {  	[dreg:$0x5] =	wrdreg $0x6BC00  }
0xb8: {  	[dreg:$0x6] =	wrdreg $0x9  }
0xb9: {  	_ =	task.clear_ibuf [dreg:s7], $0x7FFFF;
	_ =	strace $0x9000004F  }
0xba: {  	s29 =	simm.s32 $0x9;
	_ =	strace $0x80000051  }
0xbb: {  	_ =	swait.ge [sflag:s29], $0x1  }
0xbc: {  	[sflag:s29] =	ssyncadd.s32 $0xFFFFFFFF  }
0xbd: {  	_ =	strace $0x90000051  }
0xbe: {  	_ =	sfence  }
0xbf: {  	s30 =	sld [smem:$0x0];
	_ =	sdelay $0x2  }
0xc0: {  	s31 =	sshll.u32 s1, $0xD;
	s1 =	sshrl.u32 s1, $0x2  }
0xc1: {  	s3 =	sand.u32 $0x4000, s31;
	s1 =	sadd.s32 s1, s30  }
0xc2: {  	s0 =	sor.u32 s3, s0;
	s1 =	sshll.u32 s1, $0x11  }
0xc3: {  	s0 =	sor.u32 s1, s0  }
0xc4: {  	s0 =	sadd.s32 $0x8F2B, s0  }
0xc5: {  	[sflag:s0] =	ssyncadd.remote.s32 $0x1  }
0xc6: {  	_ =	sfence.sel $0xFFFF  }
0xc7: {  	[dreg:$0x0] =	wrdreg $0xFFFFFFFF;
	(pc) =	sbr.abs _section_cstart, $3  }
0xc8: {  	[dreg:$0x1] =	wrdreg $0xFFFFFFFF  }
0xc9: {  	_ =	task.clear_ibuf [dreg:s7], $0x2FFFF;
	_ =	strace $0x9FFFFFFF  }
0xca: {  	(tm) =	ssettm $0x7FFFFFFF  }
0xcb: {  	_ =	shalt  }
tec
execute0_lowered:
.L_overlay_start_1:
0x0: {  	(tag) =	ssettag $0x1  }
0x1: {  	s0 =	rddreg [dreg:$0x0]  }
0x2: {  	s3 =	rddreg [dreg:$0x1]  }
0x3: {  	s1 =	rddreg [dreg:$0x2]  }
0x4: {  	s2 =	rddreg [dreg:$0x3];
	s4 =	simm.s32 $0x0;
	s5 =	srdreg.scid  }
0x5: {  	s13 =	stileid.u32;
	s28 =	simm.s32 $0x0;
	[smem:$0x7FF] =	sst s4  }
0x6: {  	s5 =	sand.u32 $0x1, s5;
	s15 =	smul.u32 $0x13C0, s13;
	s8 =	sadd.s32 $0x3200, s0  }
0x7: {  	s18 =	sadd.s32 $0xD000, s0;
	s6 =	sshll.u32 s5, $0x4;
	s21 =	smul.u32 $0x13C00, s5  }
0x8: {  	s7 =	ssub.s32 $0x2, s5;
	s5 =	smul.u32 $0xFFFFFB00, s5;
	s20 =	sor.u32 s13, s6  }
0x9: {  	_ =	strace $0x80000050;
	s22 =	sshrl.u32 s15, $0x3;
	s10 =	smul.u32 $0x500, s20  }
0xa: {  	s9 =	sshrl.u32 s7, $0x1;
	s14 =	sadd.s32 s15, s2;
	s16 =	smul.u32 $0xFFFFFFB0, s20  }
0xb: {  	s0 =	sadd.s32 s22, s0;
	s17 =	ssub.s32 s7, s9;
	s22 =	smul.u32 $0xFFFFFFB0, s13  }
0xc: {  	s29 =	sadd.s32 s15, s21;
	p0 =	seq.s32 s20, $0x1F;
	s20 =	simm.s32 $0x2  }
0xd: {  	s13 =	sadd.s32 $0x16E00, s0;
	s30 =	sshrl.u32 s29, $0x3;
	s17 =	smax.u32 s17, $0x1  }
0xe: {  	s23 =	sadd.s32 s8, s10;
	s11 =	sadd.s32 $0x140, s10;
	s12 =	sadd.s32 $0x280, s10  }
0xf: {  	s19 =	sadd.s32 $0x3C0, s10;
	s9 =	sadd.s32 s18, s10;
	s26 =	sadd.s32 $0x9C4, s16  }
0x10: {  	s5 =	sadd.s32 s5, s22;
	s16 =	sadd.s32 s3, s30;
	s22 =	simm.s32 $0x5800  }
0x11: {  	[dreg:$0x5] =	wrdreg s23;
	s24 =	sadd.s32 s8, s11;
	s25 =	sadd.s32 s8, s12  }
0x12: {  	s8 =	sadd.s32 s8, s19;
	s10 =	sadd.s32 s18, s11;
	s11 =	sadd.s32 s18, s12  }
0x13: {  	s23 =	sadd.s32 s15, s1;
	s12 =	sadd.s32 $0x19600, s0;
	s15 =	smin.u32 s26, $0x50  }
0x14: {  	s5 =	sadd.s32 $0x9C4, s5;
	s18 =	sadd.s32 s18, s19;
	[dreg:$0x6] =	wrdreg s24  }
0x15: {  	s26 =	simm.s32 $0x1;
	[dreg:$0x7] =	wrdreg s25;
	s31 =	smin.u32 s5, $0x50  }
0x16: {  	s18 =	smov.u32 @p0 s9;
	s21 =	sshrl.u32 s23, $0x3;
	s23 =	simm.s32 $0x80  }
0x17: {  	s24 =	simm.s32 $0x5000;
	s25 =	simm.s32 $0x5400;
	s19 =	sshll.u32 s31, $0x9  }
.LBB2_1:
0x18: {  	s0 =	rddreg [dreg:$0x5]  }
0x19: {  	[tilespmem:s4], [sflag:$0x2] =	stream.linear.gather [hbm4b:s0+s4], $0xA00, $0x38;
	[tilespmem:$0x9340] =	vst v63  }
0x1a: {  	_ =	swait.ge [sflag:s20], $0xA00  }
0x1b: {  	s3 =	simm.s32 @!p0 $0xA00;
	[sflag:s20] =	ssyncset.done $0x0  }
0x1c: {  	s0 =	simm.s32 @!p0 $0x0;
	s5 =	rddreg [dreg:$0x6];
	[sflag:s20] =	ssyncadd.s32 $0xFFFFF600  }
0x1d: {  	[tilespmem:s3], [sflag:$0x2] =	stream.linear.gather @!p0 [hbm4b:s5+s0], $0xA00, $0x38;
	[tilespmem:$0x9340] =	vst v63  }
0x1e: {  	s3 =	simm.s32 @!p0 $0x2  }
0x1f: {  	_ =	swait.ge @!p0 [sflag:s3], $0xA00  }
0x20: {  	[sflag:s3] =	ssyncset.done @!p0 $0x0  }
0x21: {  	s5 =	simm.s32 @!p0 $0x1400;
	s6 =	rddreg [dreg:$0x7];
	[sflag:s3] =	ssyncadd.s32 @!p0 $0xFFFFF600  }
0x22: {  	[tilespmem:s5], [sflag:$0x2] =	stream.linear.gather @!p0 [hbm4b:s6+s0], $0xA00, $0x38;
	[tilespmem:$0x9340] =	vst v63  }
0x23: {  	_ =	swait.ge @!p0 [sflag:s3], $0xA00  }
0x24: {  	[sflag:s3] =	ssyncset.done @!p0 $0x0  }
0x25: {  	s5 =	simm.s32 @!p0 $0x1E00;
	[sflag:s3] =	ssyncadd.s32 @!p0 $0xFFFFF600  }
0x26: {  	[tilespmem:s5], [sflag:$0x2] =	stream.linear.gather @!p0 [hbm4b:s8+s0], $0xA00, $0x38;
	[tilespmem:$0x9340] =	vst v63  }
0x27: {  	_ =	swait.ge @!p0 [sflag:s3], $0xA00  }
0x28: {  	[sflag:s3] =	ssyncset.done @!p0 $0x0  }
0x29: {  	s5 =	simm.s32 @!p0 $0x2800;
	[sflag:s3] =	ssyncadd.s32 @!p0 $0xFFFFF600  }
0x2a: {  	[tilespmem:s5], [sflag:$0x2] =	stream.linear.gather @!p0 [hbm4b:s9+s0], $0xA00, $0x38;
	[tilespmem:$0x9340] =	vst v63  }
0x2b: {  	_ =	swait.ge @!p0 [sflag:s3], $0xA00  }
0x2c: {  	[sflag:s3] =	ssyncset.done @!p0 $0x0  }
0x2d: {  	s5 =	simm.s32 @!p0 $0x3200;
	[sflag:s3] =	ssyncadd.s32 @!p0 $0xFFFFF600  }
0x2e: {  	[tilespmem:s5], [sflag:$0x2] =	stream.linear.gather @!p0 [hbm4b:s10+s0], $0xA00, $0x38;
	[tilespmem:$0x9340] =	vst v63  }
0x2f: {  	_ =	swait.ge @!p0 [sflag:s3], $0xA00  }
0x30: {  	[sflag:s3] =	ssyncset.done @!p0 $0x0  }
0x31: {  	s5 =	simm.s32 @!p0 $0x3C00;
	[sflag:s3] =	ssyncadd.s32 @!p0 $0xFFFFF600  }
0x32: {  	[tilespmem:s5], [sflag:$0x2] =	stream.linear.gather @!p0 [hbm4b:s11+s0], $0xA00, $0x38;
	[tilespmem:$0x9340] =	vst v63  }
0x33: {  	_ =	swait.ge @!p0 [sflag:s3], $0xA00  }
0x34: {  	s0 =	simm.s32 @!p0 $0x4600;
	[sflag:s3] =	ssyncset.done @!p0 $0x0  }
0x35: {  	s0 =	simm.s32 @p0 $0x2800;
	[sflag:s3] =	ssyncadd.s32 @!p0 $0xFFFFF600  }
0x36: {  	[tilespmem:s0], [sflag:$0x2] =	stream.linear.gather [hbm4b:s18+s4], $0xA00, $0x38;
	[tilespmem:$0x9340] =	vst v63  }
0x37: {  	s5 =	stileid.u32;
	_ =	swait.ge [sflag:s20], $0xA00  }
0x38: {  	s0 =	sshll.u32 s5, $0x6;
	[sflag:s20] =	ssyncset.done $0x0  }
0x39: {  	s0 =	sor.u32 $0x1C02, s0;
	[sflag:s20] =	ssyncadd.s32 $0xFFFFF600  }
0x3a: {  	[spmem:s21], [sflag:s0] =	dma.local [hbm:s12], $0x278  }
0x3b: {  	_ =	swait.ge [sflag:s20], $0x278  }
0x3c: {  	[sflag:s20] =	ssyncset.done $0x0  }
0x3d: {  	[sflag:s20] =	ssyncadd.s32 $0xFFFFFD88  }
0x3e: {  	[tilespmem:s22], [sflag:$0x2] =	stream.linear.gather [hbm4b:s13+s4], $0x13C0, $0x38;
	[tilespmem:$0x9340] =	vst v63  }
0x3f: {  	_ =	swait.ge [sflag:s20], $0x13C0  }
0x40: {  	[sflag:s20] =	ssyncset.done $0x0  }
0x41: {  	[sflag:s20] =	ssyncadd.s32 $0xFFFFEC40  }
0x42: {  	[spmem:s14] =	stream.linear.scatter [tilespmem:s22], [sflag:$0x2], $0x13C0, $0x38;
	[tilespmem:$0x9340] =	vst v63  }
0x43: {  	_ =	swait.ge [sflag:s20], $0x13C0  }
0x44: {  	[sflag:s20] =	ssyncset.done $0x0  }
0x45: {  	[sflag:s20] =	ssyncadd.s32 $0xFFFFEC40  }
0x46: {  	[bflag:$0x0] =	sbarrier.arrive $0xFFFF  }
0x47: {  	[tilespmem:s24], [sflag:$0x1] =	stream.indirect.gather [spmem:s1], $0x8, s4, s23, $0xb8;
	[tilespmem:$0x9340] =	vst v63  }
0x48: {  	_ = 	snop  }
0x49: {  	[tilespmem:s25], [sflag:$0x1] =	stream.indirect.gather [spmem:s1], $0x8, s23, s23, $0xb8;
	[tilespmem:$0x9340] =	vst v63  }
0x4a: {  	_ =	swait.ge [sflag:s26], $0x400  }
0x4b: {  	[sflag:s26] =	ssyncset.done $0x0  }
0x4c: {  	s6 =	simm.s32 $0x2800;
	[sflag:s26] =	ssyncadd.s32 $0xFFFFFC00  }
0x4d: {  	[spmem:s2] =	stream.indirect.scatter.add.f32 [tilespmem:s24], [sflag:$0x2], $0x8, s6, s23, $0xb8;
	[tilespmem:$0x9340] =	vst v63  }
0x4e: {  	p1 =	sle.u32 s15, $0x2;
	_ =	swait.ge [sflag:s20], $0x400  }
0x4f: {  	s29 =	sadd.s32 $0xFFFFFC00, s19;
	s3 =	simm.s32 @!p1 $0x80;
	[sflag:s20] =	ssyncset.done $0x0  }
0x50: {  	s5 =	simm.s32 @!p1 $0x5000;
	s0 =	simm.s32 $0x100;
	[sflag:s20] =	ssyncadd.s32 $0xFFFFFC00  }
0x51: {  	[tilespmem:s5], [sflag:$0x1] =	stream.indirect.gather @!p1 [spmem:s1], $0x8, s0, s3, $0xb8;
	[tilespmem:$0x9340] =	vst v63  }
0x52: {  	p1 =	sne.s32 s29, $0x0;
	_ =	swait.ge [sflag:s26], $0x400  }
.Ltmp0:
0x53: {  	s7 =	simm.s32 $0x2880;
	[sflag:s26] =	ssyncset.done $0x0;
	(pc) =	sbr.rel @!p1 .LBB2_3-.Ltmp0, $4  }
0x54: {  	s30 =	simm.s32 $0x4;
	s31 =	simm.s32 $0x200;
	[sflag:s26] =	ssyncadd.s32 $0xFFFFFC00  }
0x55: {  	[spmem:s2] =	stream.indirect.scatter.add.f32 [tilespmem:s25], [sflag:$0x2], $0x8, s7, s23, $0xb8;
	[tilespmem:$0x9340] =	vst v63  }
0x56: {  	p2 =	sle.u32 s15, $0x3;
	s0 =	simm.s32 $0x2980;
	_ =	swait.ge [sflag:s20], $0x400  }
0x57: {  	s3 =	simm.s32 @!p2 $0x180;
	s5 =	simm.s32 @!p2 $0x80;
	[sflag:s20] =	ssyncset.done $0x0  }
.LBB2_2:
0x58: {  	s29 =	sadd.s32 $0xFFFFFC00, s29;
	[sflag:s20] =	ssyncadd.s32 $0xFFFFFC00;
	s6 =	simm.s32 @!p2 $0x5400  }
0x59: {  	[tilespmem:s6], [sflag:$0x1] =	stream.indirect.gather @!p2 [spmem:s1], $0x8, s3, s5, $0xb8;
	[tilespmem:$0x9340] =	vst v63  }
0x5a: {  	p1 =	sne.s32 s29, $0x0;
	s3 =	smov.u32 s30;
	_ =	swait.ge [sflag:s26], $0x400  }
0x5b: {  	s5 =	sadd.s32 $0xFFFFFF80, s0;
	s6 =	smov.u32 s31;
	[sflag:s26] =	ssyncset.done $0x0  }
0x5c: {  	[sflag:s26] =	ssyncadd.s32 $0xFFFFFC00  }
0x5d: {  	[spmem:s2] =	stream.indirect.scatter.add.f32 [tilespmem:s24], [sflag:$0x2], $0x8, s5, s23, $0xb8;
	[tilespmem:$0x9340] =	vst v63  }
0x5e: {  	p2 =	sge.u32 s30, s15;
	_ =	swait.ge [sflag:s20], $0x400  }
0x5f: {  	s7 =	simm.s32 @!p2 $0x5000;
	s5 =	simm.s32 @!p2 $0x80;
	[sflag:s20] =	ssyncset.done $0x0  }
0x60: {  	[sflag:s20] =	ssyncadd.s32 $0xFFFFFC00  }
0x61: {  	[tilespmem:s7], [sflag:$0x1] =	stream.indirect.gather @!p2 [spmem:s1], $0x8, s31, s5, $0xb8;
	[tilespmem:$0x9340] =	vst v63  }
0x62: {  	_ =	swait.ge [sflag:s26], $0x400  }
.Ltmp1:
0x63: {  	s30 =	sadd.s32 $0x2, s30;
	[sflag:s26] =	ssyncset.done $0x0;
	(pc) =	sbr.rel @p1 .LBB2_2-.Ltmp1, $4  }
0x64: {  	s3 =	sadd.s32 $0x1, s3;
	s31 =	sadd.s32 $0x100, s31;
	[sflag:s26] =	ssyncadd.s32 $0xFFFFFC00  }
0x65: {  	[spmem:s2] =	stream.indirect.scatter.add.f32 [tilespmem:s25], [sflag:$0x2], $0x8, s0, s23, $0xb8;
	[tilespmem:$0x9340] =	vst v63  }
0x66: {  	p2 =	sge.u32 s3, s15;
	s0 =	sadd.s32 $0x100, s0;
	_ =	swait.ge [sflag:s20], $0x400  }
0x67: {  	s3 =	sadd.s32 @!p2 $0x80, s6;
	s5 =	simm.s32 @!p2 $0x80;
	[sflag:s20] =	ssyncset.done $0x0  }
.LBB2_3:
0x68: {  	[sflag:s20] =	ssyncadd.s32 $0xFFFFFC00;
	s0 =	simm.s32 @!p2 $0x5400  }
0x69: {  	[tilespmem:s0], [sflag:$0x1] =	stream.indirect.gather @!p2 [spmem:s1], $0x8, s3, s5, $0xb8;
	[tilespmem:$0x9340] =	vst v63  }
0x6a: {  	[bflag:$0x0] =	sbarrier.arrive $0xFFFF  }
0x6b: {  	[tilespmem:s22], [sflag:$0x2] =	stream.linear.gather [spmem:s14], $0x13C0, $0x38;
	[tilespmem:$0x9340] =	vst v63  }
0x6c: {  	s28 =	sadd.s32 $0x1, s28;
	_ =	swait.ge [sflag:s20], $0x13C0  }
0x6d: {  	p1 =	sne.s32 s28, s17;
	[sflag:s20] =	ssyncset.done $0x0  }
.Ltmp2:
0x6e: {  	[sflag:s20] =	ssyncadd.s32 $0xFFFFEC40;
	(pc) =	sbr.rel @p1 .LBB2_1-.Ltmp2, $4  }
0x6f: {  	[hbm4b:s16+s4] =	stream.linear.scatter [tilespmem:s22], [sflag:$0x2], $0x13C0, $0x38;
	[tilespmem:$0x9340] =	vst v63  }
0x70: {  	_ =	swait.ge [sflag:s20], $0x13C0  }
0x71: {  	[sflag:s20] =	ssyncset.done $0x0  }
0x72: {  	[sflag:s20] =	ssyncadd.s32 $0xFFFFEC40  }
0x73: {  	_ =	sfence.sel $0x180000  }
0x74: {  	[bflag:$0x0] =	sbarrier.arrive $0xFFFF  }
0x75: {  	_ =	strace $0x90000050  }
0x76: {  	s0 =	stileid.u32;
	[bflag:$0x2] =	sbarrier.arrive $0xFFFF  }
0x77: {  	p0 =	sne.s32 s0, $0x0;
	s0 =	rddreg [dreg:$0x4]  }
0x78: {  	s0 =	sadd.s32 @!p0 $0x100000, s0  }
0x79: {  	[sflag:s0] =	ssyncadd.tile.s32 @!p0 $0x1;
	_ =	shalt  }
.Lfunc_end2:
_tile_overlayer_lowered:
.L_overlay_start_2:
0x7a: {  	(tag) =	ssettag $0x2  }
0x7b: {  	s0 =	rddreg [dreg:$0x0];
	s2 =	stileid.u32  }
0x7c: {  	s1 =	rddreg [dreg:$0x1];
	p0 =	sne.s32 s2, $0x0  }
0x7d: {  	s3 =	rddreg [dreg:$0x2];
	[bflag:$0x3] =	sbarrier.arrive $0xFFFF;
	s2 =	simm.s32 @!p0 $0x1C02  }
0x7e: {  	[timem:s3], [sflag:s2] =	dma.local @!p0 [hbm:s0], s1  }
0x7f: {  	s0 =	simm.s32 @!p0 $0x2  }
0x80: {  	_ =	swait.ge @!p0 [sflag:s0], s1  }
0x81: {  	s1 =	ssub.s32 @!p0 $0x0, s1;
	[sflag:s0] =	ssyncset.done @!p0 $0x0  }
0x82: {  	[sflag:s0] =	ssyncadd.s32 @!p0 s1  }
0x83: {  	[bflag:$0x3] =	sbarrier.arrive $0xFFFF  }
0x84: {  	_ =	shalt  }

</sc_bundles>
